<compile_context>
chip_gen: v7x
topology: tpu7x:2x2x1
jax: 0.10.2.dev20260603
libtpu: 0.0.44.dev20260713+nightly
codegen_flags: <defaults>
</compile_context>

<pallas_src>
import functools

import jax
import jax.numpy as jnp
from jax import lax
from jax.experimental import pallas as pl
from jax.experimental.pallas import tpu as pltpu
from jax.experimental.pallas import tpu_sc as plsc

B0 = -5.0
B1 = 5.0
LANES = 128
CAP = 1024
CAPT = 2 * CAP
CHUNK = 256
IBIG = 2**31 - 1


def _k1_detect_copy(x2, rows, bm):
    nblk = rows // bm

    def body(x_ref, y_ref, bidx_ref, aidx_ref, cnt_ref, mi_ref, c_ref):
        i = pl.program_id(0)

        @pl.when(i == 0)
        def _init():
            c_ref[0] = 0
            c_ref[1] = 0

        xv = x_ref[...]
        y_ref[...] = xv
        anyf = jnp.any(jnp.abs(xv) > B1)

        @pl.when(anyf)
        def _slow():
            base = i * (bm * LANES)
            gidx = (base
                    + lax.broadcasted_iota(jnp.int32, (bm, LANES), 0) * LANES
                    + lax.broadcasted_iota(jnp.int32, (bm, LANES), 1))
            for mask, slot, oref in ((xv < B0, 0, bidx_ref),
                                     (xv > B1, 1, aidx_ref)):
                cnt = jnp.sum(mask.astype(jnp.int32))

                @pl.when(cnt > 0)
                def _extract(mask=mask, slot=slot, oref=oref, cnt=cnt):
                    mi_ref[...] = jnp.where(mask, gidx, IBIG)

                    def take(_, carry):
                        mn = jnp.min(mi_ref[...])
                        c = c_ref[slot]
                        oref[jnp.minimum(c, CAP - 1)] = mn
                        c_ref[slot] = c + 1
                        mi_ref[...] = jnp.where(mi_ref[...] == mn, IBIG,
                                                mi_ref[...])
                        return carry

                    lax.fori_loop(0, cnt, take, 0)

        @pl.when(i == nblk - 1)
        def _fin():
            cnt_ref[0] = c_ref[0]
            cnt_ref[1] = c_ref[1]
            for t in range(2, 16):
                cnt_ref[t] = 0

    return pl.pallas_call(
        body,
        grid=(nblk,),
        in_specs=[pl.BlockSpec((bm, LANES), lambda i: (i, 0))],
        out_specs=[
            pl.BlockSpec((bm, LANES), lambda i: (i, 0)),
            pl.BlockSpec(memory_space=pltpu.SMEM),
            pl.BlockSpec(memory_space=pltpu.SMEM),
            pl.BlockSpec(memory_space=pltpu.SMEM),
        ],
        out_shape=[
            jax.ShapeDtypeStruct((rows, LANES), jnp.float32),
            jax.ShapeDtypeStruct((CAP,), jnp.int32),
            jax.ShapeDtypeStruct((CAP,), jnp.int32),
            jax.ShapeDtypeStruct((16,), jnp.int32),
        ],
        scratch_shapes=[
            pltpu.VMEM((bm, LANES), jnp.int32),
            pltpu.SMEM((2,), jnp.int32),
        ],
    )(x2)


def _k2_repair_values(xf, bidx, aidx, cnt, h_dim, w_dim):
    plane = h_dim * w_dim
    mesh = plsc.VectorSubcoreMesh(core_axis_name="c", subcore_axis_name="s")

    @functools.partial(
        pl.kernel,
        out_type=(jax.ShapeDtypeStruct((CAPT,), jnp.int32),
                  jax.ShapeDtypeStruct((CAPT,), jnp.float32)),
        mesh=mesh,
        compiler_params=pltpu.CompilerParams(needs_layout_passes=False),
        scratch_types=[
            pltpu.VMEM((CAP,), jnp.int32),
            pltpu.VMEM((CAP,), jnp.int32),
            pltpu.VMEM((16,), jnp.int32),
            pltpu.VMEM((CHUNK, 16), jnp.int32),
            pltpu.VMEM((CHUNK, 16), jnp.float32),
            pltpu.VMEM((CAPT,), jnp.int32),
            pltpu.VMEM((CAPT,), jnp.float32),
            pltpu.SemaphoreType.DMA,
        ],
    )
    def k2(xf_hbm, bidx_hbm, aidx_hbm, cnt_hbm, pos_out, val_out,
           bvm, avm, cvm, abuf, gbuf, fpos, fval, sem):
        @pl.when((lax.axis_index("c") == 0) & (lax.axis_index("s") == 0))
        def _():
            pltpu.sync_copy(bidx_hbm, bvm)
            pltpu.sync_copy(aidx_hbm, avm)
            pltpu.sync_copy(cnt_hbm, cvm)
            lanes = lax.iota(jnp.int32, 16)
            cv = cvm[...]
            nb = jnp.minimum(jnp.sum(jnp.where(lanes == 0, cv, 0)), CAP)
            na = jnp.minimum(jnp.sum(jnp.where(lanes == 1, cv, 0)), CAP)
            n = nb + na
            dr = lanes // 3 - 1
            dc = lanes % 3 - 1
            k9 = lanes < 9

            def get_window(t):
                tb = jnp.where(t < nb, t, t - nb)
                cb = pl.multiple_of((tb // 16) * 16, 16)
                ln = tb - cb
                chb = bvm[pl.ds(cb, 16)]
                cha = avm[pl.ds(cb, 16)]
                ch = jnp.where(jnp.broadcast_to(t < nb, (16,)), chb, cha)
                fi = jnp.sum(jnp.where(lanes == ln, ch, 0))
                pb = (fi // plane) * plane
                rem = fi - pb
                hh = rem // w_dim
                ww = rem - hh * w_dim
                row = hh + dr
                col = ww + dc
                valid = (k9 & (row >= 0) & (row < h_dim)
                         & (col >= 0) & (col < w_dim))
                rowc = jnp.clip(row, 0, h_dim - 1)
                colc = jnp.clip(col, 0, w_dim - 1)
                addr = jnp.where(valid, pb + rowc * w_dim + colc,
                                 jnp.broadcast_to(fi, (16,)))
                return fi, addr, valid

            def chunk_body(ci, carry):
                c0 = ci * CHUNK
                m = jnp.minimum(n - c0, CHUNK)

                def fire(t, carry2):
                    _, addr, _ = get_window(c0 + t)
                    abuf[t, :] = addr
                    pltpu.async_copy(xf_hbm.at[abuf.at[t]], gbuf.at[t],
                                     sem)
                    return carry2

                lax.fori_loop(0, m, fire, 0)

                def drain(t, carry2):
                    pltpu.make_async_copy(xf_hbm.at[abuf.at[t]],
                                          gbuf.at[t], sem).wait()
                    return carry2

                lax.fori_loop(0, m, drain, 0)
                lax.fori_loop(c0, c0 + m, repair, 0)
                return carry

            def repair(t, carry):
                fi, addr, valid = get_window(t)
                g = gbuf[t - (t // CHUNK) * CHUNK, :]

                def sub(i2, gc):
                    cb2 = pl.multiple_of((i2 // 16) * 16, 16)
                    ln2 = i2 - cb2
                    pch = fpos[pl.ds(cb2, 16)]
                    vch = fval[pl.ds(cb2, 16)]
                    pi = jnp.sum(jnp.where(lanes == ln2, pch, 0))
                    vi = jnp.sum(jnp.where(lanes == ln2, vch, 0.0))
                    return jnp.where(addr == pi, vi, gc)

                g = lax.fori_loop(0, t, sub, g)
                cnti = jnp.sum(jnp.where(valid, 1, 0))
                recip = 1.0
                for nn in range(2, 10):
                    recip = jnp.where(cnti == nn, float(1.0 / nn), recip)
                val = jnp.sum(jnp.where(valid, g, 0.0)) * recip
                cbt = pl.multiple_of((t // 16) * 16, 16)
                lnt = t - cbt
                fpos[pl.ds(cbt, 16)] = jnp.where(lanes == lnt, fi,
                                                 fpos[pl.ds(cbt, 16)])
                fval[pl.ds(cbt, 16)] = jnp.where(lanes == lnt, val,
                                                 fval[pl.ds(cbt, 16)])
                return carry

            nch = (n + CHUNK - 1) // CHUNK
            lax.fori_loop(0, nch, chunk_body, 0)
            pltpu.sync_copy(fpos, pos_out)
            pltpu.sync_copy(fval, val_out)

    return k2(xf, bidx, aidx, cnt)


def _k3_scatter(y, pos, vals, cnt):

    def body(y_ref, pos_ref, val_ref, cnt_ref, out_ref, buf, sem):
        nb = jnp.minimum(cnt_ref[0], CAP)
        na = jnp.minimum(cnt_ref[1], CAP)
        n = nb + na

        def one(t, carry):
            fi = pos_ref[t]
            v = val_ref[t]
            r = fi // LANES
            l = fi - r * LANES
            cp = pltpu.make_async_copy(out_ref.at[pl.ds(r, 1), :],
                                       buf.at[pl.ds(0, 1), :], sem)
            cp.start()
            cp.wait()
            lvec = lax.broadcasted_iota(jnp.int32, (1, LANES), 1)
            buf[0:1, :] = jnp.where(lvec == l, v, buf[0:1, :])
            cp2 = pltpu.make_async_copy(buf.at[pl.ds(0, 1), :],
                                        out_ref.at[pl.ds(r, 1), :], sem)
            cp2.start()
            cp2.wait()
            return carry

        lax.fori_loop(0, n, one, 0)

    return pl.pallas_call(
        body,
        in_specs=[
            pl.BlockSpec(memory_space=pl.ANY),
            pl.BlockSpec(memory_space=pltpu.SMEM),
            pl.BlockSpec(memory_space=pltpu.SMEM),
            pl.BlockSpec(memory_space=pltpu.SMEM),
        ],
        out_specs=pl.BlockSpec(memory_space=pl.ANY),
        out_shape=jax.ShapeDtypeStruct(y.shape, y.dtype),
        scratch_shapes=[
            pltpu.VMEM((8, LANES), jnp.float32),
            pltpu.SemaphoreType.DMA,
        ],
        input_output_aliases={0: 0},
    )(y, pos, vals, cnt)


def kernel(x):
    n_dim, c_dim, h_dim, w_dim = x.shape
    tot = n_dim * c_dim * h_dim * w_dim
    assert tot % LANES == 0
    rows = tot // LANES
    bm = min(4096, rows)
    while rows % bm:
        bm //= 2
    x2 = x.reshape(rows, LANES)
    y, bidx, aidx, cnt = _k1_detect_copy(x2, rows, bm)
    pos, vals = _k2_repair_values(x.reshape(tot), bidx, aidx, cnt,
                                  h_dim, w_dim)
    out = _k3_scatter(y, pos, vals, cnt)
    return out.reshape(n_dim, c_dim, h_dim, w_dim)

# --- scband reference (transcript-rebuilt; emitter-appended) ---
"""Pipeline reference for scband-ranger-averager-87978110091478 (READ-ONLY COPY).

The authoritative reference and input builder live on the scoring server;
editing this copy changes nothing except your own understanding.
"""

import jax, jax.numpy as jnp
import numpy as np

BNDS = (-5.0, 5.0)
P = 1


def setup_inputs(seed: int = 0) -> dict:
    key = jax.random.key(seed)
    x = jax.random.normal(key, (8, 192, 224, 224), dtype=jnp.float32)
    return {"x": x}


def reference(x):
    B0, B1 = BNDS
    N, C, H, W = x.shape
    flat = x.reshape(-1)
    # torch code: if x == clamp(x, B0, B1) everywhere, early return
    # Rank below-lower faults first (row-major), then above-upper faults
    # (row-major), then everything else; stable argsort preserves row-major
    # order within each class, exactly mirroring the torch loop order.
    key3 = jnp.where(flat < B0, jnp.int8(0), jnp.where(flat > B1, jnp.int8(1), jnp.int8(2)))
    order = jnp.argsort(key3, stable=True)
    n_faults = jnp.sum(key3 < 2)
    # Sequential in-place fixes, exactly mirroring the torch loop order
    # (all below-lower faults in row-major order, then all above-upper faults).
    # Note: the original mask = (slice <= B1) | (slice >= B0) is True for every
    # finite float, so the mean is over the full perception window -- we keep
    # that behavior faithfully.
    offs = jnp.arange(-P, P + 1)

    def body(i, xc):
        fi = order[i]
        n, c, h, w = jnp.unravel_index(fi, (N, C, H, W))
        rows = h + offs
        cols = w + offs
        rvalid = jnp.logical_and(rows >= 0, rows < H)
        cvalid = jnp.logical_and(cols >= 0, cols < W)
        rc = jnp.clip(rows, 0, H - 1)
        cc = jnp.clip(cols, 0, W - 1)
        sl = xc[n, c][rc[:, None], cc[None, :]]
        valid = jnp.logical_and(rvalid[:, None], cvalid[None, :])
        mask = jnp.logical_and(valid, jnp.logical_or(sl <= B1, sl >= B0))
        val = jnp.sum(jnp.where(mask, sl, jnp.zeros_like(sl))) / jnp.sum(mask)
        return xc.at[n, c, h, w].set(val)

    x = jax.lax.fori_loop(0, n_faults, body, x)
    return x

if __name__ == "__main__":
    import jax
    _d = setup_inputs()
    print(jax.jit(kernel)(*tuple(_d.values())))

</pallas_src>

<mosaic_0001>
#map = affine_map<(d0, d1) -> (0)>
module attributes {stable_mosaic.version = 14 : i64} {
  func.func @k2(%arg0: i32, %arg1: i32, %arg2: memref<77070336xf32, #tpu.memory_space<hbm>>, %arg3: memref<1024xi32, #tpu.memory_space<hbm>>, %arg4: memref<1024xi32, #tpu.memory_space<hbm>>, %arg5: memref<16xi32, #tpu.memory_space<hbm>>, %arg6: memref<2048xi32, #tpu.memory_space<hbm>>, %arg7: memref<2048xf32, #tpu.memory_space<hbm>>, %arg8: memref<1024xi32, #tpu.memory_space<vmem>>, %arg9: memref<1024xi32, #tpu.memory_space<vmem>>, %arg10: memref<16xi32, #tpu.memory_space<vmem>>, %arg11: memref<256x16xi32, #tpu.memory_space<vmem>>, %arg12: memref<256x16xf32, #tpu.memory_space<vmem>>, %arg13: memref<2048xi32, #tpu.memory_space<vmem>>, %arg14: memref<2048xf32, #tpu.memory_space<vmem>>, %arg15: memref<!tpu.dma_semaphore, #tpu.memory_space<semaphore_mem>>) attributes {dimension_semantics = [#tpu.dimension_semantics<core_parallel>, #tpu.dimension_semantics<subcore_parallel>], iteration_bounds = array<i64: 2, 16>, scalar_prefetch = 0 : i64, scratch_operands = 8 : i64, tpu.core_type = #tpu.core_type<sc_vector_subcore>, window_params = [{transform_indices = #map}, {transform_indices = #map}, {transform_indices = #map}, {transform_indices = #map}, {transform_indices = #map}, {transform_indices = #map}]} {
    %eq3A = arith.constant 0 : i32
    %eq3A_0 = arith.cmpi eq, %arg0, %eq3A : i32
    %eq3A_1 = arith.constant 0 : i32
    %eq3A_2 = arith.cmpi eq, %arg1, %eq3A_1 : i32
    %and3A = arith.andi %eq3A_0, %eq3A_2 : i1
    %convert_element_type3A = arith.extui %and3A : i1 to i32
    %cond3A = arith.constant 0 : i32
    %cond3A_3 = arith.cmpi ne, %convert_element_type3A, %cond3A : i32
    scf.if %cond3A_3 {
      "tpu.region"() ({
        %run_scoped3A = tpu.sem_alloc : memref<!tpu.dma_semaphore, #tpu.memory_space<semaphore_mem>>
        tpu.enqueue_dma source(%arg3 : memref<1024xi32, #tpu.memory_space<hbm>>) target(%arg8 : memref<1024xi32, #tpu.memory_space<vmem>>) target_semaphore(%run_scoped3A : memref<!tpu.dma_semaphore, #tpu.memory_space<semaphore_mem>>)
        tpu.wait_dma2 semaphore(%run_scoped3A : memref<!tpu.dma_semaphore, #tpu.memory_space<semaphore_mem>>) src(%arg3 : memref<1024xi32, #tpu.memory_space<hbm>>) dst(%arg8 : memref<1024xi32, #tpu.memory_space<vmem>>)
        tpu.yield
      }) : () -> ()
      "tpu.region"() ({
        %run_scoped3A = tpu.sem_alloc : memref<!tpu.dma_semaphore, #tpu.memory_space<semaphore_mem>>
        tpu.enqueue_dma source(%arg4 : memref<1024xi32, #tpu.memory_space<hbm>>) target(%arg9 : memref<1024xi32, #tpu.memory_space<vmem>>) target_semaphore(%run_scoped3A : memref<!tpu.dma_semaphore, #tpu.memory_space<semaphore_mem>>)
        tpu.wait_dma2 semaphore(%run_scoped3A : memref<!tpu.dma_semaphore, #tpu.memory_space<semaphore_mem>>) src(%arg4 : memref<1024xi32, #tpu.memory_space<hbm>>) dst(%arg9 : memref<1024xi32, #tpu.memory_space<vmem>>)
        tpu.yield
      }) : () -> ()
      "tpu.region"() ({
        %run_scoped3A = tpu.sem_alloc : memref<!tpu.dma_semaphore, #tpu.memory_space<semaphore_mem>>
        tpu.enqueue_dma source(%arg5 : memref<16xi32, #tpu.memory_space<hbm>>) target(%arg10 : memref<16xi32, #tpu.memory_space<vmem>>) target_semaphore(%run_scoped3A : memref<!tpu.dma_semaphore, #tpu.memory_space<semaphore_mem>>)
        tpu.wait_dma2 semaphore(%run_scoped3A : memref<!tpu.dma_semaphore, #tpu.memory_space<semaphore_mem>>) src(%arg5 : memref<16xi32, #tpu.memory_space<hbm>>) dst(%arg10 : memref<16xi32, #tpu.memory_space<vmem>>)
        tpu.yield
      }) : () -> ()
      %iota3A = tpu.iota {dimensions = array<i32: 0>} : vector<16xi32>
      %get3A = arith.constant 0 : index
      %get3A_4 = tpu.vector_load %arg10[%get3A] {strides = array<i32>} : memref<16xi32, #tpu.memory_space<vmem>>, vector<16xi32>,
      %eq3A_5 = arith.constant 0 : i32
      %eq3A_6 = vector.broadcast %eq3A_5 : i32 to vector<16xi32>
      %eq3A_7 = arith.cmpi eq, %iota3A, %eq3A_6 : vector<16xi32>
      %jit3A = arith.constant 0 : i32
      %broadcast_in_dim3A = vector.broadcast %jit3A : i32 to vector<16xi32>
      %select_n3A = arith.select %eq3A_7, %get3A_4, %broadcast_in_dim3A : vector<16xi1>, vector<16xi32>
      %reduce_sum3A = arith.constant true
      %reduce_sum3A_8 = vector.broadcast %reduce_sum3A : i1 to vector<16xi1>
      %reduce_sum3A_9 = tpu.scan <sum>, %select_n3A masked %reduce_sum3A_8 : vector<16xi32>, vector<16xi1> -> vector<16xi32>
      %reduce_sum3A_10 = vector.extract %reduce_sum3A_9[15] : i32 from vector<16xi32>
      %min3A = arith.constant 1024 : i32
      %min3A_11 = arith.minsi %reduce_sum3A_10, %min3A : i32
      %eq3A_12 = arith.constant 1 : i32
      %eq3A_13 = vector.broadcast %eq3A_12 : i32 to vector<16xi32>
      %eq3A_14 = arith.cmpi eq, %iota3A, %eq3A_13 : vector<16xi32>
      %jit3A_15 = arith.constant 0 : i32
      %broadcast_in_dim3A_16 = vector.broadcast %jit3A_15 : i32 to vector<16xi32>
      %select_n3A_17 = arith.select %eq3A_14, %get3A_4, %broadcast_in_dim3A_16 : vector<16xi1>, vector<16xi32>
      %reduce_sum3A_18 = arith.constant true
      %reduce_sum3A_19 = vector.broadcast %reduce_sum3A_18 : i1 to vector<16xi1>
      %reduce_sum3A_20 = tpu.scan <sum>, %select_n3A_17 masked %reduce_sum3A_19 : vector<16xi32>, vector<16xi1> -> vector<16xi32>
      %reduce_sum3A_21 = vector.extract %reduce_sum3A_20[15] : i32 from vector<16xi32>
      %min3A_22 = arith.constant 1024 : i32
      %min3A_23 = arith.minsi %reduce_sum3A_21, %min3A_22 : i32
      %add3A = arith.addi %min3A_11, %min3A_23 : i32
      %jit3A_24 = arith.constant 3 : i32
      %div3A = vector.broadcast %jit3A_24 : i32 to vector<16xi32>
      %div3A_25 = arith.divsi %iota3A, %div3A : vector<16xi32>
      %sign3A = arith.constant 0 : i32
      %sign3A_26 = vector.broadcast %sign3A : i32 to vector<16xi32>
      %sign3A_27 = arith.cmpi sgt, %iota3A, %sign3A_26 : vector<16xi32>
      %sign3A_28 = arith.extui %sign3A_27 : vector<16xi1> to vector<16xi32>
      %sign3A_29 = arith.constant 0 : i32
      %sign3A_30 = vector.broadcast %sign3A_29 : i32 to vector<16xi32>
      %sign3A_31 = arith.cmpi slt, %iota3A, %sign3A_30 : vector<16xi32>
      %sign3A_32 = arith.extui %sign3A_31 : vector<16xi1> to vector<16xi32>
      %sign3A_33 = arith.subi %sign3A_28, %sign3A_32 : vector<16xi32>
      %sign3A_34 = arith.constant 0 : i32
      %sign3A_35 = arith.cmpi sgt, %jit3A_24, %sign3A_34 : i32
      %sign3A_36 = arith.extui %sign3A_35 : i1 to i32
      %sign3A_37 = arith.constant 0 : i32
      %sign3A_38 = arith.cmpi slt, %jit3A_24, %sign3A_37 : i32
      %sign3A_39 = arith.extui %sign3A_38 : i1 to i32
      %sign3A_40 = arith.subi %sign3A_36, %sign3A_39 : i32
      %ne3A = vector.broadcast %sign3A_40 : i32 to vector<16xi32>
      %ne3A_41 = arith.cmpi ne, %sign3A_33, %ne3A : vector<16xi32>
      %rem3A = vector.broadcast %jit3A_24 : i32 to vector<16xi32>
      %rem3A_42 = arith.remsi %iota3A, %rem3A : vector<16xi32>
      %ne3A_43 = arith.constant 0 : i32
      %ne3A_44 = vector.broadcast %ne3A_43 : i32 to vector<16xi32>
      %ne3A_45 = arith.cmpi ne, %rem3A_42, %ne3A_44 : vector<16xi32>
      %and3A_46 = arith.andi %ne3A_41, %ne3A_45 : vector<16xi1>
      %sub3A = arith.constant 1 : i32
      %sub3A_47 = vector.broadcast %sub3A : i32 to vector<16xi32>
      %sub3A_48 = arith.subi %div3A_25, %sub3A_47 : vector<16xi32>
      %select_n3A_49 = arith.select %and3A_46, %sub3A_48, %div3A_25 : vector<16xi1>, vector<16xi32>
      %sub3A_50 = arith.constant 1 : i32
      %sub3A_51 = vector.broadcast %sub3A_50 : i32 to vector<16xi32>
      %sub3A_52 = arith.subi %select_n3A_49, %sub3A_51 : vector<16xi32>
      %jit3A_53 = arith.constant 3 : i32
      %eq3A_54 = arith.constant 0 : i32
      %eq3A_55 = arith.cmpi eq, %jit3A_53, %eq3A_54 : i32
      %jit3A_56 = arith.constant 1 : i32
      %select_n3A_57 = arith.select %eq3A_55, %jit3A_56, %jit3A_53 : i32
      %rem3A_58 = vector.broadcast %select_n3A_57 : i32 to vector<16xi32>
      %rem3A_59 = arith.remsi %iota3A, %rem3A_58 : vector<16xi32>
      %ne3A_60 = arith.constant 0 : i32
      %ne3A_61 = vector.broadcast %ne3A_60 : i32 to vector<16xi32>
      %ne3A_62 = arith.cmpi ne, %rem3A_59, %ne3A_61 : vector<16xi32>
      %lt3A = arith.constant 0 : i32
      %lt3A_63 = vector.broadcast %lt3A : i32 to vector<16xi32>
      %lt3A_64 = arith.cmpi slt, %rem3A_59, %lt3A_63 : vector<16xi32>
      %lt3A_65 = arith.constant 0 : i32
      %lt3A_66 = arith.cmpi slt, %select_n3A_57, %lt3A_65 : i32
      %ne3A_67 = vector.broadcast %lt3A_66 : i1 to vector<16xi1>
      %ne3A_68 = vector.broadcast %ne3A_67 : vector<16xi1> to vector<16xi1>
      %ne3A_69 = arith.xori %lt3A_64, %ne3A_68 : vector<16xi1>
      %and3A_70 = arith.andi %ne3A_69, %ne3A_62 : vector<16xi1>
      %add3A_71 = vector.broadcast %select_n3A_57 : i32 to vector<16xi32>
      %add3A_72 = arith.addi %rem3A_59, %add3A_71 : vector<16xi32>
      %select_n3A_73 = arith.select %and3A_70, %add3A_72, %rem3A_59 : vector<16xi1>, vector<16xi32>
      %sub3A_74 = arith.constant 1 : i32
      %sub3A_75 = vector.broadcast %sub3A_74 : i32 to vector<16xi32>
      %sub3A_76 = arith.subi %select_n3A_73, %sub3A_75 : vector<16xi32>
      %lt3A_77 = arith.constant 9 : i32
      %lt3A_78 = vector.broadcast %lt3A_77 : i32 to vector<16xi32>
      %lt3A_79 = arith.cmpi slt, %iota3A, %lt3A_78 : vector<16xi32>
      %add3A_80 = arith.constant 256 : i32
      %add3A_81 = arith.addi %add3A, %add3A_80 : i32
      %sub3A_82 = arith.constant 1 : i32
      %sub3A_83 = arith.subi %add3A_81, %sub3A_82 : i32
      %jit3A_84 = arith.constant 256 : i32
      %div3A_85 = arith.divsi %sub3A_83, %jit3A_84 : i32
      %sign3A_86 = arith.constant 0 : i32
      %sign3A_87 = arith.cmpi sgt, %sub3A_83, %sign3A_86 : i32
      %sign3A_88 = arith.extui %sign3A_87 : i1 to i32
      %sign3A_89 = arith.constant 0 : i32
      %sign3A_90 = arith.cmpi slt, %sub3A_83, %sign3A_89 : i32
      %sign3A_91 = arith.extui %sign3A_90 : i1 to i32
      %sign3A_92 = arith.subi %sign3A_88, %sign3A_91 : i32
      %sign3A_93 = arith.constant 0 : i32
      %sign3A_94 = arith.cmpi sgt, %jit3A_84, %sign3A_93 : i32
      %sign3A_95 = arith.extui %sign3A_94 : i1 to i32
      %sign3A_96 = arith.constant 0 : i32
      %sign3A_97 = arith.cmpi slt, %jit3A_84, %sign3A_96 : i32
      %sign3A_98 = arith.extui %sign3A_97 : i1 to i32
      %sign3A_99 = arith.subi %sign3A_95, %sign3A_98 : i32
      %ne3A_100 = arith.cmpi ne, %sign3A_92, %sign3A_99 : i32
      %rem3A_101 = arith.remsi %sub3A_83, %jit3A_84 : i32
      %ne3A_102 = arith.constant 0 : i32
      %ne3A_103 = arith.cmpi ne, %rem3A_101, %ne3A_102 : i32
      %and3A_104 = arith.andi %ne3A_100, %ne3A_103 : i1
      %sub3A_105 = arith.constant 1 : i32
      %sub3A_106 = arith.subi %div3A_85, %sub3A_105 : i32
      %select_n3A_107 = arith.select %and3A_104, %sub3A_106, %div3A_85 : i32
      %while3A = arith.constant 0 : i32
      %while3A_108 = arith.constant 0 : i32
      %while3A_109 = arith.subi %select_n3A_107, %while3A_108 : i32
      %while3A_110 = arith.addi %while3A_108, %while3A_109 : i32
      %while3A_111 = arith.constant 1 : i32
      %while3A_112 = arith.divsi %while3A_109, %while3A_111 : i32
      %while3A_113 = arith.muli %while3A_112, %while3A_111 : i32
      %while3A_114 = arith.addi %while3A_108, %while3A_113 : i32
      %while3A_115 = arith.constant 1 : i32
      scf.for %while3A_117 = %while3A_108 to %while3A_114 step %while3A_115  : i32 {
        %mul3A = arith.constant 256 : i32
        %mul3A_118 = arith.muli %while3A_117, %mul3A : i32
        %sub3A_119 = arith.subi %add3A, %mul3A_118 : i32
        %min3A_120 = arith.constant 256 : i32
        %min3A_121 = arith.minsi %sub3A_119, %min3A_120 : i32
        %while3A_122 = arith.constant 0 : i32
        %while3A_123 = arith.constant 0 : i32
        %while3A_124 = arith.subi %min3A_121, %while3A_123 : i32
        %while3A_125 = arith.addi %while3A_123, %while3A_124 : i32
        %while3A_126 = arith.constant 1 : i32
        %while3A_127 = arith.divsi %while3A_124, %while3A_126 : i32
        %while3A_128 = arith.muli %while3A_127, %while3A_126 : i32
        %while3A_129 = arith.addi %while3A_123, %while3A_128 : i32
        %while3A_130 = arith.constant 1 : i32
        scf.for %while3A_152 = %while3A_123 to %while3A_129 step %while3A_130  : i32 {
          %add3A_153 = arith.addi %mul3A_118, %while3A_152 : i32
          %lt3A_154 = arith.cmpi slt, %add3A_153, %min3A_11 : i32
          %sub3A_155 = arith.subi %add3A_153, %min3A_11 : i32
          %select_n3A_156 = arith.select %lt3A_154, %add3A_153, %sub3A_155 : i32
          %jit3A_157 = arith.constant 16 : i32
          %div3A_158 = arith.divsi %select_n3A_156, %jit3A_157 : i32
          %sign3A_159 = arith.constant 0 : i32
          %sign3A_160 = arith.cmpi sgt, %select_n3A_156, %sign3A_159 : i32
          %sign3A_161 = arith.extui %sign3A_160 : i1 to i32
          %sign3A_162 = arith.constant 0 : i32
          %sign3A_163 = arith.cmpi slt, %select_n3A_156, %sign3A_162 : i32
          %sign3A_164 = arith.extui %sign3A_163 : i1 to i32
          %sign3A_165 = arith.subi %sign3A_161, %sign3A_164 : i32
          %sign3A_166 = arith.constant 0 : i32
          %sign3A_167 = arith.cmpi sgt, %jit3A_157, %sign3A_166 : i32
          %sign3A_168 = arith.extui %sign3A_167 : i1 to i32
          %sign3A_169 = arith.constant 0 : i32
          %sign3A_170 = arith.cmpi slt, %jit3A_157, %sign3A_169 : i32
          %sign3A_171 = arith.extui %sign3A_170 : i1 to i32
          %sign3A_172 = arith.subi %sign3A_168, %sign3A_171 : i32
          %ne3A_173 = arith.cmpi ne, %sign3A_165, %sign3A_172 : i32
          %rem3A_174 = arith.remsi %select_n3A_156, %jit3A_157 : i32
          %ne3A_175 = arith.constant 0 : i32
          %ne3A_176 = arith.cmpi ne, %rem3A_174, %ne3A_175 : i32
          %and3A_177 = arith.andi %ne3A_173, %ne3A_176 : i1
          %sub3A_178 = arith.constant 1 : i32
          %sub3A_179 = arith.subi %div3A_158, %sub3A_178 : i32
          %select_n3A_180 = arith.select %and3A_177, %sub3A_179, %div3A_158 : i32
          %mul3A_181 = arith.constant 16 : i32
          %mul3A_182 = arith.muli %select_n3A_180, %mul3A_181 : i32
          %multiple_of3A = tpu.assume_multiple %mul3A_182, 16 : i32
          %sub3A_183 = arith.subi %select_n3A_156, %multiple_of3A : i32
          %get3A_184 = arith.index_cast %multiple_of3A : i32 to index
          %get3A_185 = tpu.vector_load %arg8[%get3A_184] {strides = array<i32>} : memref<1024xi32, #tpu.memory_space<vmem>>, vector<16xi32>,
          %get3A_186 = arith.index_cast %multiple_of3A : i32 to index
          %get3A_187 = tpu.vector_load %arg9[%get3A_186] {strides = array<i32>} : memref<1024xi32, #tpu.memory_space<vmem>>, vector<16xi32>,
          %lt3A_188 = arith.cmpi slt, %add3A_153, %min3A_11 : i32
          %broadcast_in_dim3A_189 = vector.broadcast %lt3A_188 : i1 to vector<16xi1>
          %select_n3A_190 = arith.select %broadcast_in_dim3A_189, %get3A_185, %get3A_187 : vector<16xi1>, vector<16xi32>
          %eq3A_191 = vector.broadcast %sub3A_183 : i32 to vector<16xi32>
          %eq3A_192 = arith.cmpi eq, %iota3A, %eq3A_191 : vector<16xi32>
          %jit3A_193 = arith.constant 0 : i32
          %broadcast_in_dim3A_194 = vector.broadcast %jit3A_193 : i32 to vector<16xi32>
          %select_n3A_195 = arith.select %eq3A_192, %select_n3A_190, %broadcast_in_dim3A_194 : vector<16xi1>, vector<16xi32>
          %reduce_sum3A_196 = arith.constant true
          %reduce_sum3A_197 = vector.broadcast %reduce_sum3A_196 : i1 to vector<16xi1>
          %reduce_sum3A_198 = tpu.scan <sum>, %select_n3A_195 masked %reduce_sum3A_197 : vector<16xi32>, vector<16xi1> -> vector<16xi32>
          %reduce_sum3A_199 = vector.extract %reduce_sum3A_198[15] : i32 from vector<16xi32>
          %jit3A_200 = arith.constant 50176 : i32
          %div3A_201 = arith.divsi %reduce_sum3A_199, %jit3A_200 : i32
          %sign3A_202 = arith.constant 0 : i32
          %sign3A_203 = arith.cmpi sgt, %reduce_sum3A_199, %sign3A_202 : i32
          %sign3A_204 = arith.extui %sign3A_203 : i1 to i32
          %sign3A_205 = arith.constant 0 : i32
          %sign3A_206 = arith.cmpi slt, %reduce_sum3A_199, %sign3A_205 : i32
          %sign3A_207 = arith.extui %sign3A_206 : i1 to i32
          %sign3A_208 = arith.subi %sign3A_204, %sign3A_207 : i32
          %sign3A_209 = arith.constant 0 : i32
          %sign3A_210 = arith.cmpi sgt, %jit3A_200, %sign3A_209 : i32
          %sign3A_211 = arith.extui %sign3A_210 : i1 to i32
          %sign3A_212 = arith.constant 0 : i32
          %sign3A_213 = arith.cmpi slt, %jit3A_200, %sign3A_212 : i32
          %sign3A_214 = arith.extui %sign3A_213 : i1 to i32
          %sign3A_215 = arith.subi %sign3A_211, %sign3A_214 : i32
          %ne3A_216 = arith.cmpi ne, %sign3A_208, %sign3A_215 : i32
          %rem3A_217 = arith.remsi %reduce_sum3A_199, %jit3A_200 : i32
          %ne3A_218 = arith.constant 0 : i32
          %ne3A_219 = arith.cmpi ne, %rem3A_217, %ne3A_218 : i32
          %and3A_220 = arith.andi %ne3A_216, %ne3A_219 : i1
          %sub3A_221 = arith.constant 1 : i32
          %sub3A_222 = arith.subi %div3A_201, %sub3A_221 : i32
          %select_n3A_223 = arith.select %and3A_220, %sub3A_222, %div3A_201 : i32
          %mul3A_224 = arith.constant 50176 : i32
          %mul3A_225 = arith.muli %select_n3A_223, %mul3A_224 : i32
          %sub3A_226 = arith.subi %reduce_sum3A_199, %mul3A_225 : i32
          %jit3A_227 = arith.constant 224 : i32
          %div3A_228 = arith.divsi %sub3A_226, %jit3A_227 : i32
          %sign3A_229 = arith.constant 0 : i32
          %sign3A_230 = arith.cmpi sgt, %sub3A_226, %sign3A_229 : i32
          %sign3A_231 = arith.extui %sign3A_230 : i1 to i32
          %sign3A_232 = arith.constant 0 : i32
          %sign3A_233 = arith.cmpi slt, %sub3A_226, %sign3A_232 : i32
          %sign3A_234 = arith.extui %sign3A_233 : i1 to i32
          %sign3A_235 = arith.subi %sign3A_231, %sign3A_234 : i32
          %sign3A_236 = arith.constant 0 : i32
          %sign3A_237 = arith.cmpi sgt, %jit3A_227, %sign3A_236 : i32
          %sign3A_238 = arith.extui %sign3A_237 : i1 to i32
          %sign3A_239 = arith.constant 0 : i32
          %sign3A_240 = arith.cmpi slt, %jit3A_227, %sign3A_239 : i32
          %sign3A_241 = arith.extui %sign3A_240 : i1 to i32
          %sign3A_242 = arith.subi %sign3A_238, %sign3A_241 : i32
          %ne3A_243 = arith.cmpi ne, %sign3A_235, %sign3A_242 : i32
          %rem3A_244 = arith.remsi %sub3A_226, %jit3A_227 : i32
          %ne3A_245 = arith.constant 0 : i32
          %ne3A_246 = arith.cmpi ne, %rem3A_244, %ne3A_245 : i32
          %and3A_247 = arith.andi %ne3A_243, %ne3A_246 : i1
          %sub3A_248 = arith.constant 1 : i32
          %sub3A_249 = arith.subi %div3A_228, %sub3A_248 : i32
          %select_n3A_250 = arith.select %and3A_247, %sub3A_249, %div3A_228 : i32
          %mul3A_251 = arith.constant 224 : i32
          %mul3A_252 = arith.muli %select_n3A_250, %mul3A_251 : i32
          %sub3A_253 = arith.subi %sub3A_226, %mul3A_252 : i32
          %add3A_254 = vector.broadcast %select_n3A_250 : i32 to vector<16xi32>
          %add3A_255 = arith.addi %add3A_254, %sub3A_52 : vector<16xi32>
          %add3A_256 = vector.broadcast %sub3A_253 : i32 to vector<16xi32>
          %add3A_257 = arith.addi %add3A_256, %sub3A_76 : vector<16xi32>
          %ge3A = arith.constant 0 : i32
          %ge3A_258 = vector.broadcast %ge3A : i32 to vector<16xi32>
          %ge3A_259 = arith.cmpi sge, %add3A_255, %ge3A_258 : vector<16xi32>
          %and3A_260 = arith.andi %lt3A_79, %ge3A_259 : vector<16xi1>
          %lt3A_261 = arith.constant 224 : i32
          %lt3A_262 = vector.broadcast %lt3A_261 : i32 to vector<16xi32>
          %lt3A_263 = arith.cmpi slt, %add3A_255, %lt3A_262 : vector<16xi32>
          %and3A_264 = arith.andi %and3A_260, %lt3A_263 : vector<16xi1>
          %ge3A_265 = arith.constant 0 : i32
          %ge3A_266 = vector.broadcast %ge3A_265 : i32 to vector<16xi32>
          %ge3A_267 = arith.cmpi sge, %add3A_257, %ge3A_266 : vector<16xi32>
          %and3A_268 = arith.andi %and3A_264, %ge3A_267 : vector<16xi1>
          %lt3A_269 = arith.constant 224 : i32
          %lt3A_270 = vector.broadcast %lt3A_269 : i32 to vector<16xi32>
          %lt3A_271 = arith.cmpi slt, %add3A_257, %lt3A_270 : vector<16xi32>
          %and3A_272 = arith.andi %and3A_268, %lt3A_271 : vector<16xi1>
          %jit3A_273 = arith.constant 0 : i32
          %jit3A_274 = arith.constant 223 : i32
          %max3A = vector.broadcast %jit3A_273 : i32 to vector<16xi32>
          %max3A_275 = arith.maxsi %max3A, %add3A_255 : vector<16xi32>
          %min3A_276 = vector.broadcast %jit3A_274 : i32 to vector<16xi32>
          %min3A_277 = arith.minsi %min3A_276, %max3A_275 : vector<16xi32>
          %jit3A_278 = arith.constant 0 : i32
          %jit3A_279 = arith.constant 223 : i32
          %max3A_280 = vector.broadcast %jit3A_278 : i32 to vector<16xi32>
          %max3A_281 = arith.maxsi %max3A_280, %add3A_257 : vector<16xi32>
          %min3A_282 = vector.broadcast %jit3A_279 : i32 to vector<16xi32>
          %min3A_283 = arith.minsi %min3A_282, %max3A_281 : vector<16xi32>
          %mul3A_284 = arith.constant 224 : i32
          %mul3A_285 = vector.broadcast %mul3A_284 : i32 to vector<16xi32>
          %mul3A_286 = arith.muli %min3A_277, %mul3A_285 : vector<16xi32>
          %add3A_287 = vector.broadcast %mul3A_225 : i32 to vector<16xi32>
          %add3A_288 = arith.addi %add3A_287, %mul3A_286 : vector<16xi32>
          %add3A_289 = arith.addi %add3A_288, %min3A_283 : vector<16xi32>
          %broadcast_in_dim3A_290 = vector.broadcast %reduce_sum3A_199 : i32 to vector<16xi32>
          %select_n3A_291 = arith.select %and3A_272, %add3A_289, %broadcast_in_dim3A_290 : vector<16xi1>, vector<16xi32>
          %swap3A = arith.index_cast %while3A_152 : i32 to index
          %swap3A_292 = arith.constant 0 : index
          %swap3A_293 = tpu.vector_load %arg11[%swap3A, %swap3A_292] {strides = array<i32>} : memref<256x16xi32, #tpu.memory_space<vmem>>, vector<16xi32>,
          tpu.vector_store %arg11[%swap3A, %swap3A_292], %select_n3A_291 {strides = array<i32>} : memref<256x16xi32, #tpu.memory_space<vmem>>, vector<16xi32>,
          %dma_start3A = arith.constant 0 : i32
          %dma_start3A_294 = tpu.memref_slice %arg12[%while3A_152, %dma_start3A] : memref<256x16xf32, #tpu.memory_space<vmem>> -> memref<1x16xf32, #tpu.memory_space<vmem>>
          %dma_start3A_295 = tpu.memref_squeeze %dma_start3A_294 : memref<1x16xf32, #tpu.memory_space<vmem>> -> memref<16xf32, #tpu.memory_space<vmem>>
          %dma_start3A_296 = arith.constant 0 : i32
          %dma_start3A_297 = tpu.memref_slice %arg11[%while3A_152, %dma_start3A_296] : memref<256x16xi32, #tpu.memory_space<vmem>> -> memref<1x16xi32, #tpu.memory_space<vmem>>
          %dma_start3A_298 = tpu.memref_squeeze %dma_start3A_297 : memref<1x16xi32, #tpu.memory_space<vmem>> -> memref<16xi32, #tpu.memory_space<vmem>>
          %dma_start3A_299 = arith.constant 0 : i32
          %dma_start3A_300 = tpu.memref_slice %arg2[%dma_start3A_299] : memref<77070336xf32, #tpu.memory_space<hbm>> -> memref<77070336xf32, #tpu.memory_space<hbm>>
          tpu.enqueue_indirect_dma source(%dma_start3A_300 : memref<77070336xf32, #tpu.memory_space<hbm>>) target(%dma_start3A_295 : memref<16xf32, #tpu.memory_space<vmem>>) offsets(%dma_start3A_298 : memref<16xi32, #tpu.memory_space<vmem>>) semaphore(%arg15 : memref<!tpu.dma_semaphore, #tpu.memory_space<semaphore_mem>>)
        }
        %while3A_131 = arith.constant 1 : i32
        scf.for %while3A_152 = %while3A_129 to %while3A_125 step %while3A_131  : i32 {
          %add3A_153 = arith.addi %mul3A_118, %while3A_152 : i32
          %lt3A_154 = arith.cmpi slt, %add3A_153, %min3A_11 : i32
          %sub3A_155 = arith.subi %add3A_153, %min3A_11 : i32
          %select_n3A_156 = arith.select %lt3A_154, %add3A_153, %sub3A_155 : i32
          %jit3A_157 = arith.constant 16 : i32
          %div3A_158 = arith.divsi %select_n3A_156, %jit3A_157 : i32
          %sign3A_159 = arith.constant 0 : i32
          %sign3A_160 = arith.cmpi sgt, %select_n3A_156, %sign3A_159 : i32
          %sign3A_161 = arith.extui %sign3A_160 : i1 to i32
          %sign3A_162 = arith.constant 0 : i32
          %sign3A_163 = arith.cmpi slt, %select_n3A_156, %sign3A_162 : i32
          %sign3A_164 = arith.extui %sign3A_163 : i1 to i32
          %sign3A_165 = arith.subi %sign3A_161, %sign3A_164 : i32
          %sign3A_166 = arith.constant 0 : i32
          %sign3A_167 = arith.cmpi sgt, %jit3A_157, %sign3A_166 : i32
          %sign3A_168 = arith.extui %sign3A_167 : i1 to i32
          %sign3A_169 = arith.constant 0 : i32
          %sign3A_170 = arith.cmpi slt, %jit3A_157, %sign3A_169 : i32
          %sign3A_171 = arith.extui %sign3A_170 : i1 to i32
          %sign3A_172 = arith.subi %sign3A_168, %sign3A_171 : i32
          %ne3A_173 = arith.cmpi ne, %sign3A_165, %sign3A_172 : i32
          %rem3A_174 = arith.remsi %select_n3A_156, %jit3A_157 : i32
          %ne3A_175 = arith.constant 0 : i32
          %ne3A_176 = arith.cmpi ne, %rem3A_174, %ne3A_175 : i32
          %and3A_177 = arith.andi %ne3A_173, %ne3A_176 : i1
          %sub3A_178 = arith.constant 1 : i32
          %sub3A_179 = arith.subi %div3A_158, %sub3A_178 : i32
          %select_n3A_180 = arith.select %and3A_177, %sub3A_179, %div3A_158 : i32
          %mul3A_181 = arith.constant 16 : i32
          %mul3A_182 = arith.muli %select_n3A_180, %mul3A_181 : i32
          %multiple_of3A = tpu.assume_multiple %mul3A_182, 16 : i32
          %sub3A_183 = arith.subi %select_n3A_156, %multiple_of3A : i32
          %get3A_184 = arith.index_cast %multiple_of3A : i32 to index
          %get3A_185 = tpu.vector_load %arg8[%get3A_184] {strides = array<i32>} : memref<1024xi32, #tpu.memory_space<vmem>>, vector<16xi32>,
          %get3A_186 = arith.index_cast %multiple_of3A : i32 to index
          %get3A_187 = tpu.vector_load %arg9[%get3A_186] {strides = array<i32>} : memref<1024xi32, #tpu.memory_space<vmem>>, vector<16xi32>,
          %lt3A_188 = arith.cmpi slt, %add3A_153, %min3A_11 : i32
          %broadcast_in_dim3A_189 = vector.broadcast %lt3A_188 : i1 to vector<16xi1>
          %select_n3A_190 = arith.select %broadcast_in_dim3A_189, %get3A_185, %get3A_187 : vector<16xi1>, vector<16xi32>
          %eq3A_191 = vector.broadcast %sub3A_183 : i32 to vector<16xi32>
          %eq3A_192 = arith.cmpi eq, %iota3A, %eq3A_191 : vector<16xi32>
          %jit3A_193 = arith.constant 0 : i32
          %broadcast_in_dim3A_194 = vector.broadcast %jit3A_193 : i32 to vector<16xi32>
          %select_n3A_195 = arith.select %eq3A_192, %select_n3A_190, %broadcast_in_dim3A_194 : vector<16xi1>, vector<16xi32>
          %reduce_sum3A_196 = arith.constant true
          %reduce_sum3A_197 = vector.broadcast %reduce_sum3A_196 : i1 to vector<16xi1>
          %reduce_sum3A_198 = tpu.scan <sum>, %select_n3A_195 masked %reduce_sum3A_197 : vector<16xi32>, vector<16xi1> -> vector<16xi32>
          %reduce_sum3A_199 = vector.extract %reduce_sum3A_198[15] : i32 from vector<16xi32>
          %jit3A_200 = arith.constant 50176 : i32
          %div3A_201 = arith.divsi %reduce_sum3A_199, %jit3A_200 : i32
          %sign3A_202 = arith.constant 0 : i32
          %sign3A_203 = arith.cmpi sgt, %reduce_sum3A_199, %sign3A_202 : i32
          %sign3A_204 = arith.extui %sign3A_203 : i1 to i32
          %sign3A_205 = arith.constant 0 : i32
          %sign3A_206 = arith.cmpi slt, %reduce_sum3A_199, %sign3A_205 : i32
          %sign3A_207 = arith.extui %sign3A_206 : i1 to i32
          %sign3A_208 = arith.subi %sign3A_204, %sign3A_207 : i32
          %sign3A_209 = arith.constant 0 : i32
          %sign3A_210 = arith.cmpi sgt, %jit3A_200, %sign3A_209 : i32
          %sign3A_211 = arith.extui %sign3A_210 : i1 to i32
          %sign3A_212 = arith.constant 0 : i32
          %sign3A_213 = arith.cmpi slt, %jit3A_200, %sign3A_212 : i32
          %sign3A_214 = arith.extui %sign3A_213 : i1 to i32
          %sign3A_215 = arith.subi %sign3A_211, %sign3A_214 : i32
          %ne3A_216 = arith.cmpi ne, %sign3A_208, %sign3A_215 : i32
          %rem3A_217 = arith.remsi %reduce_sum3A_199, %jit3A_200 : i32
          %ne3A_218 = arith.constant 0 : i32
          %ne3A_219 = arith.cmpi ne, %rem3A_217, %ne3A_218 : i32
          %and3A_220 = arith.andi %ne3A_216, %ne3A_219 : i1
          %sub3A_221 = arith.constant 1 : i32
          %sub3A_222 = arith.subi %div3A_201, %sub3A_221 : i32
          %select_n3A_223 = arith.select %and3A_220, %sub3A_222, %div3A_201 : i32
          %mul3A_224 = arith.constant 50176 : i32
          %mul3A_225 = arith.muli %select_n3A_223, %mul3A_224 : i32
          %sub3A_226 = arith.subi %reduce_sum3A_199, %mul3A_225 : i32
          %jit3A_227 = arith.constant 224 : i32
          %div3A_228 = arith.divsi %sub3A_226, %jit3A_227 : i32
          %sign3A_229 = arith.constant 0 : i32
          %sign3A_230 = arith.cmpi sgt, %sub3A_226, %sign3A_229 : i32
          %sign3A_231 = arith.extui %sign3A_230 : i1 to i32
          %sign3A_232 = arith.constant 0 : i32
          %sign3A_233 = arith.cmpi slt, %sub3A_226, %sign3A_232 : i32
          %sign3A_234 = arith.extui %sign3A_233 : i1 to i32
          %sign3A_235 = arith.subi %sign3A_231, %sign3A_234 : i32
          %sign3A_236 = arith.constant 0 : i32
          %sign3A_237 = arith.cmpi sgt, %jit3A_227, %sign3A_236 : i32
          %sign3A_238 = arith.extui %sign3A_237 : i1 to i32
          %sign3A_239 = arith.constant 0 : i32
          %sign3A_240 = arith.cmpi slt, %jit3A_227, %sign3A_239 : i32
          %sign3A_241 = arith.extui %sign3A_240 : i1 to i32
          %sign3A_242 = arith.subi %sign3A_238, %sign3A_241 : i32
          %ne3A_243 = arith.cmpi ne, %sign3A_235, %sign3A_242 : i32
          %rem3A_244 = arith.remsi %sub3A_226, %jit3A_227 : i32
          %ne3A_245 = arith.constant 0 : i32
          %ne3A_246 = arith.cmpi ne, %rem3A_244, %ne3A_245 : i32
          %and3A_247 = arith.andi %ne3A_243, %ne3A_246 : i1
          %sub3A_248 = arith.constant 1 : i32
          %sub3A_249 = arith.subi %div3A_228, %sub3A_248 : i32
          %select_n3A_250 = arith.select %and3A_247, %sub3A_249, %div3A_228 : i32
          %mul3A_251 = arith.constant 224 : i32
          %mul3A_252 = arith.muli %select_n3A_250, %mul3A_251 : i32
          %sub3A_253 = arith.subi %sub3A_226, %mul3A_252 : i32
          %add3A_254 = vector.broadcast %select_n3A_250 : i32 to vector<16xi32>
          %add3A_255 = arith.addi %add3A_254, %sub3A_52 : vector<16xi32>
          %add3A_256 = vector.broadcast %sub3A_253 : i32 to vector<16xi32>
          %add3A_257 = arith.addi %add3A_256, %sub3A_76 : vector<16xi32>
          %ge3A = arith.constant 0 : i32
          %ge3A_258 = vector.broadcast %ge3A : i32 to vector<16xi32>
          %ge3A_259 = arith.cmpi sge, %add3A_255, %ge3A_258 : vector<16xi32>
          %and3A_260 = arith.andi %lt3A_79, %ge3A_259 : vector<16xi1>
          %lt3A_261 = arith.constant 224 : i32
          %lt3A_262 = vector.broadcast %lt3A_261 : i32 to vector<16xi32>
          %lt3A_263 = arith.cmpi slt, %add3A_255, %lt3A_262 : vector<16xi32>
          %and3A_264 = arith.andi %and3A_260, %lt3A_263 : vector<16xi1>
          %ge3A_265 = arith.constant 0 : i32
          %ge3A_266 = vector.broadcast %ge3A_265 : i32 to vector<16xi32>
          %ge3A_267 = arith.cmpi sge, %add3A_257, %ge3A_266 : vector<16xi32>
          %and3A_268 = arith.andi %and3A_264, %ge3A_267 : vector<16xi1>
          %lt3A_269 = arith.constant 224 : i32
          %lt3A_270 = vector.broadcast %lt3A_269 : i32 to vector<16xi32>
          %lt3A_271 = arith.cmpi slt, %add3A_257, %lt3A_270 : vector<16xi32>
          %and3A_272 = arith.andi %and3A_268, %lt3A_271 : vector<16xi1>
          %jit3A_273 = arith.constant 0 : i32
          %jit3A_274 = arith.constant 223 : i32
          %max3A = vector.broadcast %jit3A_273 : i32 to vector<16xi32>
          %max3A_275 = arith.maxsi %max3A, %add3A_255 : vector<16xi32>
          %min3A_276 = vector.broadcast %jit3A_274 : i32 to vector<16xi32>
          %min3A_277 = arith.minsi %min3A_276, %max3A_275 : vector<16xi32>
          %jit3A_278 = arith.constant 0 : i32
          %jit3A_279 = arith.constant 223 : i32
          %max3A_280 = vector.broadcast %jit3A_278 : i32 to vector<16xi32>
          %max3A_281 = arith.maxsi %max3A_280, %add3A_257 : vector<16xi32>
          %min3A_282 = vector.broadcast %jit3A_279 : i32 to vector<16xi32>
          %min3A_283 = arith.minsi %min3A_282, %max3A_281 : vector<16xi32>
          %mul3A_284 = arith.constant 224 : i32
          %mul3A_285 = vector.broadcast %mul3A_284 : i32 to vector<16xi32>
          %mul3A_286 = arith.muli %min3A_277, %mul3A_285 : vector<16xi32>
          %add3A_287 = vector.broadcast %mul3A_225 : i32 to vector<16xi32>
          %add3A_288 = arith.addi %add3A_287, %mul3A_286 : vector<16xi32>
          %add3A_289 = arith.addi %add3A_288, %min3A_283 : vector<16xi32>
          %broadcast_in_dim3A_290 = vector.broadcast %reduce_sum3A_199 : i32 to vector<16xi32>
          %select_n3A_291 = arith.select %and3A_272, %add3A_289, %broadcast_in_dim3A_290 : vector<16xi1>, vector<16xi32>
          %swap3A = arith.index_cast %while3A_152 : i32 to index
          %swap3A_292 = arith.constant 0 : index
          %swap3A_293 = tpu.vector_load %arg11[%swap3A, %swap3A_292] {strides = array<i32>} : memref<256x16xi32, #tpu.memory_space<vmem>>, vector<16xi32>,
          tpu.vector_store %arg11[%swap3A, %swap3A_292], %select_n3A_291 {strides = array<i32>} : memref<256x16xi32, #tpu.memory_space<vmem>>, vector<16xi32>,
          %dma_start3A = arith.constant 0 : i32
          %dma_start3A_294 = tpu.memref_slice %arg12[%while3A_152, %dma_start3A] : memref<256x16xf32, #tpu.memory_space<vmem>> -> memref<1x16xf32, #tpu.memory_space<vmem>>
          %dma_start3A_295 = tpu.memref_squeeze %dma_start3A_294 : memref<1x16xf32, #tpu.memory_space<vmem>> -> memref<16xf32, #tpu.memory_space<vmem>>
          %dma_start3A_296 = arith.constant 0 : i32
          %dma_start3A_297 = tpu.memref_slice %arg11[%while3A_152, %dma_start3A_296] : memref<256x16xi32, #tpu.memory_space<vmem>> -> memref<1x16xi32, #tpu.memory_space<vmem>>
          %dma_start3A_298 = tpu.memref_squeeze %dma_start3A_297 : memref<1x16xi32, #tpu.memory_space<vmem>> -> memref<16xi32, #tpu.memory_space<vmem>>
          %dma_start3A_299 = arith.constant 0 : i32
          %dma_start3A_300 = tpu.memref_slice %arg2[%dma_start3A_299] : memref<77070336xf32, #tpu.memory_space<hbm>> -> memref<77070336xf32, #tpu.memory_space<hbm>>
          tpu.enqueue_indirect_dma source(%dma_start3A_300 : memref<77070336xf32, #tpu.memory_space<hbm>>) target(%dma_start3A_295 : memref<16xf32, #tpu.memory_space<vmem>>) offsets(%dma_start3A_298 : memref<16xi32, #tpu.memory_space<vmem>>) semaphore(%arg15 : memref<!tpu.dma_semaphore, #tpu.memory_space<semaphore_mem>>)
        }
        %while3A_132 = arith.constant 0 : i32
        %while3A_133 = arith.constant 0 : i32
        %while3A_134 = arith.subi %min3A_121, %while3A_133 : i32
        %while3A_135 = arith.addi %while3A_133, %while3A_134 : i32
        %while3A_136 = arith.constant 1 : i32
        %while3A_137 = arith.divsi %while3A_134, %while3A_136 : i32
        %while3A_138 = arith.muli %while3A_137, %while3A_136 : i32
        %while3A_139 = arith.addi %while3A_133, %while3A_138 : i32
        %while3A_140 = arith.constant 1 : i32
        scf.for %while3A_152 = %while3A_133 to %while3A_139 step %while3A_140  : i32 {
          %dma_wait3A = arith.constant 0 : i32
          %dma_wait3A_153 = tpu.memref_slice %arg12[%while3A_152, %dma_wait3A] : memref<256x16xf32, #tpu.memory_space<vmem>> -> memref<1x16xf32, #tpu.memory_space<vmem>>
          %dma_wait3A_154 = tpu.memref_squeeze %dma_wait3A_153 : memref<1x16xf32, #tpu.memory_space<vmem>> -> memref<16xf32, #tpu.memory_space<vmem>>
          %dma_wait3A_155 = arith.constant 0 : i32
          %dma_wait3A_156 = tpu.memref_slice %arg11[%while3A_152, %dma_wait3A_155] : memref<256x16xi32, #tpu.memory_space<vmem>> -> memref<1x16xi32, #tpu.memory_space<vmem>>
          %dma_wait3A_157 = tpu.memref_squeeze %dma_wait3A_156 : memref<1x16xi32, #tpu.memory_space<vmem>> -> memref<16xi32, #tpu.memory_space<vmem>>
          %dma_wait3A_158 = arith.constant 0 : i32
          %dma_wait3A_159 = tpu.memref_slice %arg2[%dma_wait3A_158] : memref<77070336xf32, #tpu.memory_space<hbm>> -> memref<77070336xf32, #tpu.memory_space<hbm>>
          tpu.wait_indirect_dma semaphore(%arg15 : memref<!tpu.dma_semaphore, #tpu.memory_space<semaphore_mem>>) src(%dma_wait3A_159 : memref<77070336xf32, #tpu.memory_space<hbm>>) dst(%dma_wait3A_154 : memref<16xf32, #tpu.memory_space<vmem>>)
        }
        %while3A_141 = arith.constant 1 : i32
        scf.for %while3A_152 = %while3A_139 to %while3A_135 step %while3A_141  : i32 {
          %dma_wait3A = arith.constant 0 : i32
          %dma_wait3A_153 = tpu.memref_slice %arg12[%while3A_152, %dma_wait3A] : memref<256x16xf32, #tpu.memory_space<vmem>> -> memref<1x16xf32, #tpu.memory_space<vmem>>
          %dma_wait3A_154 = tpu.memref_squeeze %dma_wait3A_153 : memref<1x16xf32, #tpu.memory_space<vmem>> -> memref<16xf32, #tpu.memory_space<vmem>>
          %dma_wait3A_155 = arith.constant 0 : i32
          %dma_wait3A_156 = tpu.memref_slice %arg11[%while3A_152, %dma_wait3A_155] : memref<256x16xi32, #tpu.memory_space<vmem>> -> memref<1x16xi32, #tpu.memory_space<vmem>>
          %dma_wait3A_157 = tpu.memref_squeeze %dma_wait3A_156 : memref<1x16xi32, #tpu.memory_space<vmem>> -> memref<16xi32, #tpu.memory_space<vmem>>
          %dma_wait3A_158 = arith.constant 0 : i32
          %dma_wait3A_159 = tpu.memref_slice %arg2[%dma_wait3A_158] : memref<77070336xf32, #tpu.memory_space<hbm>> -> memref<77070336xf32, #tpu.memory_space<hbm>>
          tpu.wait_indirect_dma semaphore(%arg15 : memref<!tpu.dma_semaphore, #tpu.memory_space<semaphore_mem>>) src(%dma_wait3A_159 : memref<77070336xf32, #tpu.memory_space<hbm>>) dst(%dma_wait3A_154 : memref<16xf32, #tpu.memory_space<vmem>>)
        }
        %add3A_142 = arith.addi %mul3A_118, %min3A_121 : i32
        %while3A_143 = arith.constant 0 : i32
        %while3A_144 = arith.subi %add3A_142, %mul3A_118 : i32
        %while3A_145 = arith.addi %mul3A_118, %while3A_144 : i32
        %while3A_146 = arith.constant 1 : i32
        %while3A_147 = arith.divsi %while3A_144, %while3A_146 : i32
        %while3A_148 = arith.muli %while3A_147, %while3A_146 : i32
        %while3A_149 = arith.addi %mul3A_118, %while3A_148 : i32
        %while3A_150 = arith.constant 1 : i32
        scf.for %while3A_152 = %mul3A_118 to %while3A_149 step %while3A_150  : i32 {
          %lt3A_153 = arith.cmpi slt, %while3A_152, %min3A_11 : i32
          %sub3A_154 = arith.subi %while3A_152, %min3A_11 : i32
          %select_n3A_155 = arith.select %lt3A_153, %while3A_152, %sub3A_154 : i32
          %jit3A_156 = arith.constant 16 : i32
          %div3A_157 = arith.divsi %select_n3A_155, %jit3A_156 : i32
          %sign3A_158 = arith.constant 0 : i32
          %sign3A_159 = arith.cmpi sgt, %select_n3A_155, %sign3A_158 : i32
          %sign3A_160 = arith.extui %sign3A_159 : i1 to i32
          %sign3A_161 = arith.constant 0 : i32
          %sign3A_162 = arith.cmpi slt, %select_n3A_155, %sign3A_161 : i32
          %sign3A_163 = arith.extui %sign3A_162 : i1 to i32
          %sign3A_164 = arith.subi %sign3A_160, %sign3A_163 : i32
          %sign3A_165 = arith.constant 0 : i32
          %sign3A_166 = arith.cmpi sgt, %jit3A_156, %sign3A_165 : i32
          %sign3A_167 = arith.extui %sign3A_166 : i1 to i32
          %sign3A_168 = arith.constant 0 : i32
          %sign3A_169 = arith.cmpi slt, %jit3A_156, %sign3A_168 : i32
          %sign3A_170 = arith.extui %sign3A_169 : i1 to i32
          %sign3A_171 = arith.subi %sign3A_167, %sign3A_170 : i32
          %ne3A_172 = arith.cmpi ne, %sign3A_164, %sign3A_171 : i32
          %rem3A_173 = arith.remsi %select_n3A_155, %jit3A_156 : i32
          %ne3A_174 = arith.constant 0 : i32
          %ne3A_175 = arith.cmpi ne, %rem3A_173, %ne3A_174 : i32
          %and3A_176 = arith.andi %ne3A_172, %ne3A_175 : i1
          %sub3A_177 = arith.constant 1 : i32
          %sub3A_178 = arith.subi %div3A_157, %sub3A_177 : i32
          %select_n3A_179 = arith.select %and3A_176, %sub3A_178, %div3A_157 : i32
          %mul3A_180 = arith.constant 16 : i32
          %mul3A_181 = arith.muli %select_n3A_179, %mul3A_180 : i32
          %multiple_of3A = tpu.assume_multiple %mul3A_181, 16 : i32
          %sub3A_182 = arith.subi %select_n3A_155, %multiple_of3A : i32
          %get3A_183 = arith.index_cast %multiple_of3A : i32 to index
          %get3A_184 = tpu.vector_load %arg8[%get3A_183] {strides = array<i32>} : memref<1024xi32, #tpu.memory_space<vmem>>, vector<16xi32>,
          %get3A_185 = arith.index_cast %multiple_of3A : i32 to index
          %get3A_186 = tpu.vector_load %arg9[%get3A_185] {strides = array<i32>} : memref<1024xi32, #tpu.memory_space<vmem>>, vector<16xi32>,
          %lt3A_187 = arith.cmpi slt, %while3A_152, %min3A_11 : i32
          %broadcast_in_dim3A_188 = vector.broadcast %lt3A_187 : i1 to vector<16xi1>
          %select_n3A_189 = arith.select %broadcast_in_dim3A_188, %get3A_184, %get3A_186 : vector<16xi1>, vector<16xi32>
          %eq3A_190 = vector.broadcast %sub3A_182 : i32 to vector<16xi32>
          %eq3A_191 = arith.cmpi eq, %iota3A, %eq3A_190 : vector<16xi32>
          %jit3A_192 = arith.constant 0 : i32
          %broadcast_in_dim3A_193 = vector.broadcast %jit3A_192 : i32 to vector<16xi32>
          %select_n3A_194 = arith.select %eq3A_191, %select_n3A_189, %broadcast_in_dim3A_193 : vector<16xi1>, vector<16xi32>
          %reduce_sum3A_195 = arith.constant true
          %reduce_sum3A_196 = vector.broadcast %reduce_sum3A_195 : i1 to vector<16xi1>
          %reduce_sum3A_197 = tpu.scan <sum>, %select_n3A_194 masked %reduce_sum3A_196 : vector<16xi32>, vector<16xi1> -> vector<16xi32>
          %reduce_sum3A_198 = vector.extract %reduce_sum3A_197[15] : i32 from vector<16xi32>
          %jit3A_199 = arith.constant 50176 : i32
          %div3A_200 = arith.divsi %reduce_sum3A_198, %jit3A_199 : i32
          %sign3A_201 = arith.constant 0 : i32
          %sign3A_202 = arith.cmpi sgt, %reduce_sum3A_198, %sign3A_201 : i32
          %sign3A_203 = arith.extui %sign3A_202 : i1 to i32
          %sign3A_204 = arith.constant 0 : i32
          %sign3A_205 = arith.cmpi slt, %reduce_sum3A_198, %sign3A_204 : i32
          %sign3A_206 = arith.extui %sign3A_205 : i1 to i32
          %sign3A_207 = arith.subi %sign3A_203, %sign3A_206 : i32
          %sign3A_208 = arith.constant 0 : i32
          %sign3A_209 = arith.cmpi sgt, %jit3A_199, %sign3A_208 : i32
          %sign3A_210 = arith.extui %sign3A_209 : i1 to i32
          %sign3A_211 = arith.constant 0 : i32
          %sign3A_212 = arith.cmpi slt, %jit3A_199, %sign3A_211 : i32
          %sign3A_213 = arith.extui %sign3A_212 : i1 to i32
          %sign3A_214 = arith.subi %sign3A_210, %sign3A_213 : i32
          %ne3A_215 = arith.cmpi ne, %sign3A_207, %sign3A_214 : i32
          %rem3A_216 = arith.remsi %reduce_sum3A_198, %jit3A_199 : i32
          %ne3A_217 = arith.constant 0 : i32
          %ne3A_218 = arith.cmpi ne, %rem3A_216, %ne3A_217 : i32
          %and3A_219 = arith.andi %ne3A_215, %ne3A_218 : i1
          %sub3A_220 = arith.constant 1 : i32
          %sub3A_221 = arith.subi %div3A_200, %sub3A_220 : i32
          %select_n3A_222 = arith.select %and3A_219, %sub3A_221, %div3A_200 : i32
          %mul3A_223 = arith.constant 50176 : i32
          %mul3A_224 = arith.muli %select_n3A_222, %mul3A_223 : i32
          %sub3A_225 = arith.subi %reduce_sum3A_198, %mul3A_224 : i32
          %jit3A_226 = arith.constant 224 : i32
          %div3A_227 = arith.divsi %sub3A_225, %jit3A_226 : i32
          %sign3A_228 = arith.constant 0 : i32
          %sign3A_229 = arith.cmpi sgt, %sub3A_225, %sign3A_228 : i32
          %sign3A_230 = arith.extui %sign3A_229 : i1 to i32
          %sign3A_231 = arith.constant 0 : i32
          %sign3A_232 = arith.cmpi slt, %sub3A_225, %sign3A_231 : i32
          %sign3A_233 = arith.extui %sign3A_232 : i1 to i32
          %sign3A_234 = arith.subi %sign3A_230, %sign3A_233 : i32
          %sign3A_235 = arith.constant 0 : i32
          %sign3A_236 = arith.cmpi sgt, %jit3A_226, %sign3A_235 : i32
          %sign3A_237 = arith.extui %sign3A_236 : i1 to i32
          %sign3A_238 = arith.constant 0 : i32
          %sign3A_239 = arith.cmpi slt, %jit3A_226, %sign3A_238 : i32
          %sign3A_240 = arith.extui %sign3A_239 : i1 to i32
          %sign3A_241 = arith.subi %sign3A_237, %sign3A_240 : i32
          %ne3A_242 = arith.cmpi ne, %sign3A_234, %sign3A_241 : i32
          %rem3A_243 = arith.remsi %sub3A_225, %jit3A_226 : i32
          %ne3A_244 = arith.constant 0 : i32
          %ne3A_245 = arith.cmpi ne, %rem3A_243, %ne3A_244 : i32
          %and3A_246 = arith.andi %ne3A_242, %ne3A_245 : i1
          %sub3A_247 = arith.constant 1 : i32
          %sub3A_248 = arith.subi %div3A_227, %sub3A_247 : i32
          %select_n3A_249 = arith.select %and3A_246, %sub3A_248, %div3A_227 : i32
          %mul3A_250 = arith.constant 224 : i32
          %mul3A_251 = arith.muli %select_n3A_249, %mul3A_250 : i32
          %sub3A_252 = arith.subi %sub3A_225, %mul3A_251 : i32
          %add3A_253 = vector.broadcast %select_n3A_249 : i32 to vector<16xi32>
          %add3A_254 = arith.addi %add3A_253, %sub3A_52 : vector<16xi32>
          %add3A_255 = vector.broadcast %sub3A_252 : i32 to vector<16xi32>
          %add3A_256 = arith.addi %add3A_255, %sub3A_76 : vector<16xi32>
          %ge3A = arith.constant 0 : i32
          %ge3A_257 = vector.broadcast %ge3A : i32 to vector<16xi32>
          %ge3A_258 = arith.cmpi sge, %add3A_254, %ge3A_257 : vector<16xi32>
          %and3A_259 = arith.andi %lt3A_79, %ge3A_258 : vector<16xi1>
          %lt3A_260 = arith.constant 224 : i32
          %lt3A_261 = vector.broadcast %lt3A_260 : i32 to vector<16xi32>
          %lt3A_262 = arith.cmpi slt, %add3A_254, %lt3A_261 : vector<16xi32>
          %and3A_263 = arith.andi %and3A_259, %lt3A_262 : vector<16xi1>
          %ge3A_264 = arith.constant 0 : i32
          %ge3A_265 = vector.broadcast %ge3A_264 : i32 to vector<16xi32>
          %ge3A_266 = arith.cmpi sge, %add3A_256, %ge3A_265 : vector<16xi32>
          %and3A_267 = arith.andi %and3A_263, %ge3A_266 : vector<16xi1>
          %lt3A_268 = arith.constant 224 : i32
          %lt3A_269 = vector.broadcast %lt3A_268 : i32 to vector<16xi32>
          %lt3A_270 = arith.cmpi slt, %add3A_256, %lt3A_269 : vector<16xi32>
          %and3A_271 = arith.andi %and3A_267, %lt3A_270 : vector<16xi1>
          %jit3A_272 = arith.constant 0 : i32
          %jit3A_273 = arith.constant 223 : i32
          %max3A = vector.broadcast %jit3A_272 : i32 to vector<16xi32>
          %max3A_274 = arith.maxsi %max3A, %add3A_254 : vector<16xi32>
          %min3A_275 = vector.broadcast %jit3A_273 : i32 to vector<16xi32>
          %min3A_276 = arith.minsi %min3A_275, %max3A_274 : vector<16xi32>
          %jit3A_277 = arith.constant 0 : i32
          %jit3A_278 = arith.constant 223 : i32
          %max3A_279 = vector.broadcast %jit3A_277 : i32 to vector<16xi32>
          %max3A_280 = arith.maxsi %max3A_279, %add3A_256 : vector<16xi32>
          %min3A_281 = vector.broadcast %jit3A_278 : i32 to vector<16xi32>
          %min3A_282 = arith.minsi %min3A_281, %max3A_280 : vector<16xi32>
          %mul3A_283 = arith.constant 224 : i32
          %mul3A_284 = vector.broadcast %mul3A_283 : i32 to vector<16xi32>
          %mul3A_285 = arith.muli %min3A_276, %mul3A_284 : vector<16xi32>
          %add3A_286 = vector.broadcast %mul3A_224 : i32 to vector<16xi32>
          %add3A_287 = arith.addi %add3A_286, %mul3A_285 : vector<16xi32>
          %add3A_288 = arith.addi %add3A_287, %min3A_282 : vector<16xi32>
          %broadcast_in_dim3A_289 = vector.broadcast %reduce_sum3A_198 : i32 to vector<16xi32>
          %select_n3A_290 = arith.select %and3A_271, %add3A_288, %broadcast_in_dim3A_289 : vector<16xi1>, vector<16xi32>
          %jit3A_291 = arith.constant 256 : i32
          %div3A_292 = arith.divsi %while3A_152, %jit3A_291 : i32
          %sign3A_293 = arith.constant 0 : i32
          %sign3A_294 = arith.cmpi sgt, %while3A_152, %sign3A_293 : i32
          %sign3A_295 = arith.extui %sign3A_294 : i1 to i32
          %sign3A_296 = arith.constant 0 : i32
          %sign3A_297 = arith.cmpi slt, %while3A_152, %sign3A_296 : i32
          %sign3A_298 = arith.extui %sign3A_297 : i1 to i32
          %sign3A_299 = arith.subi %sign3A_295, %sign3A_298 : i32
          %sign3A_300 = arith.constant 0 : i32
          %sign3A_301 = arith.cmpi sgt, %jit3A_291, %sign3A_300 : i32
          %sign3A_302 = arith.extui %sign3A_301 : i1 to i32
          %sign3A_303 = arith.constant 0 : i32
          %sign3A_304 = arith.cmpi slt, %jit3A_291, %sign3A_303 : i32
          %sign3A_305 = arith.extui %sign3A_304 : i1 to i32
          %sign3A_306 = arith.subi %sign3A_302, %sign3A_305 : i32
          %ne3A_307 = arith.cmpi ne, %sign3A_299, %sign3A_306 : i32
          %rem3A_308 = arith.remsi %while3A_152, %jit3A_291 : i32
          %ne3A_309 = arith.constant 0 : i32
          %ne3A_310 = arith.cmpi ne, %rem3A_308, %ne3A_309 : i32
          %and3A_311 = arith.andi %ne3A_307, %ne3A_310 : i1
          %sub3A_312 = arith.constant 1 : i32
          %sub3A_313 = arith.subi %div3A_292, %sub3A_312 : i32
          %select_n3A_314 = arith.select %and3A_311, %sub3A_313, %div3A_292 : i32
          %mul3A_315 = arith.constant 256 : i32
          %mul3A_316 = arith.muli %select_n3A_314, %mul3A_315 : i32
          %sub3A_317 = arith.subi %while3A_152, %mul3A_316 : i32
          %get3A_318 = arith.index_cast %sub3A_317 : i32 to index
          %get3A_319 = arith.constant 0 : index
          %get3A_320 = tpu.vector_load %arg12[%get3A_318, %get3A_319] {strides = array<i32>} : memref<256x16xf32, #tpu.memory_space<vmem>>, vector<16xf32>,
          %while3A_321 = arith.constant 0 : i32
          %while3A_322 = arith.subi %while3A_152, %while3A_321 : i32
          %while3A_323 = arith.addi %while3A_321, %while3A_322 : i32
          %while3A_324 = arith.constant 1 : i32
          %while3A_325 = arith.divsi %while3A_322, %while3A_324 : i32
          %while3A_326 = arith.muli %while3A_325, %while3A_324 : i32
          %while3A_327 = arith.addi %while3A_321, %while3A_326 : i32
          %while3A_328 = arith.constant 1 : i32
          %while3A_329 = scf.for %while3A_425 = %while3A_321 to %while3A_327 step %while3A_328 iter_args(%while3A_426 = %get3A_320) -> (vector<16xf32>)  : i32 {
            %jit3A_427 = arith.constant 16 : i32
            %div3A_428 = arith.divsi %while3A_425, %jit3A_427 : i32
            %sign3A_429 = arith.constant 0 : i32
            %sign3A_430 = arith.cmpi sgt, %while3A_425, %sign3A_429 : i32
            %sign3A_431 = arith.extui %sign3A_430 : i1 to i32
            %sign3A_432 = arith.constant 0 : i32
            %sign3A_433 = arith.cmpi slt, %while3A_425, %sign3A_432 : i32
            %sign3A_434 = arith.extui %sign3A_433 : i1 to i32
            %sign3A_435 = arith.subi %sign3A_431, %sign3A_434 : i32
            %sign3A_436 = arith.constant 0 : i32
            %sign3A_437 = arith.cmpi sgt, %jit3A_427, %sign3A_436 : i32
            %sign3A_438 = arith.extui %sign3A_437 : i1 to i32
            %sign3A_439 = arith.constant 0 : i32
            %sign3A_440 = arith.cmpi slt, %jit3A_427, %sign3A_439 : i32
            %sign3A_441 = arith.extui %sign3A_440 : i1 to i32
            %sign3A_442 = arith.subi %sign3A_438, %sign3A_441 : i32
            %ne3A_443 = arith.cmpi ne, %sign3A_435, %sign3A_442 : i32
            %rem3A_444 = arith.remsi %while3A_425, %jit3A_427 : i32
            %ne3A_445 = arith.constant 0 : i32
            %ne3A_446 = arith.cmpi ne, %rem3A_444, %ne3A_445 : i32
            %and3A_447 = arith.andi %ne3A_443, %ne3A_446 : i1
            %sub3A_448 = arith.constant 1 : i32
            %sub3A_449 = arith.subi %div3A_428, %sub3A_448 : i32
            %select_n3A_450 = arith.select %and3A_447, %sub3A_449, %div3A_428 : i32
            %mul3A_451 = arith.constant 16 : i32
            %mul3A_452 = arith.muli %select_n3A_450, %mul3A_451 : i32
            %multiple_of3A_453 = tpu.assume_multiple %mul3A_452, 16 : i32
            %sub3A_454 = arith.subi %while3A_425, %multiple_of3A_453 : i32
            %get3A_455 = arith.index_cast %multiple_of3A_453 : i32 to index
            %get3A_456 = tpu.vector_load %arg13[%get3A_455] {strides = array<i32>} : memref<2048xi32, #tpu.memory_space<vmem>>, vector<16xi32>,
            %get3A_457 = arith.index_cast %multiple_of3A_453 : i32 to index
            %get3A_458 = tpu.vector_load %arg14[%get3A_457] {strides = array<i32>} : memref<2048xf32, #tpu.memory_space<vmem>>, vector<16xf32>,
            %eq3A_459 = vector.broadcast %sub3A_454 : i32 to vector<16xi32>
            %eq3A_460 = arith.cmpi eq, %iota3A, %eq3A_459 : vector<16xi32>
            %jit3A_461 = arith.constant 0 : i32
            %broadcast_in_dim3A_462 = vector.broadcast %jit3A_461 : i32 to vector<16xi32>
            %select_n3A_463 = arith.select %eq3A_460, %get3A_456, %broadcast_in_dim3A_462 : vector<16xi1>, vector<16xi32>
            %reduce_sum3A_464 = arith.constant true
            %reduce_sum3A_465 = vector.broadcast %reduce_sum3A_464 : i1 to vector<16xi1>
            %reduce_sum3A_466 = tpu.scan <sum>, %select_n3A_463 masked %reduce_sum3A_465 : vector<16xi32>, vector<16xi1> -> vector<16xi32>
            %reduce_sum3A_467 = vector.extract %reduce_sum3A_466[15] : i32 from vector<16xi32>
            %eq3A_468 = vector.broadcast %sub3A_454 : i32 to vector<16xi32>
            %eq3A_469 = arith.cmpi eq, %iota3A, %eq3A_468 : vector<16xi32>
            %jit3A_470 = arith.constant 0.000000e+00 : f32
            %broadcast_in_dim3A_471 = vector.broadcast %jit3A_470 : f32 to vector<16xf32>
            %select_n3A_472 = arith.select %eq3A_469, %get3A_458, %broadcast_in_dim3A_471 : vector<16xi1>, vector<16xf32>
            %reduce_sum3A_473 = arith.constant true
            %reduce_sum3A_474 = vector.broadcast %reduce_sum3A_473 : i1 to vector<16xi1>
            %reduce_sum3A_475 = tpu.scan <sum>, %select_n3A_472 masked %reduce_sum3A_474 : vector<16xf32>, vector<16xi1> -> vector<16xf32>
            %reduce_sum3A_476 = vector.extract %reduce_sum3A_475[15] : f32 from vector<16xf32>
            %eq3A_477 = vector.broadcast %reduce_sum3A_467 : i32 to vector<16xi32>
            %eq3A_478 = arith.cmpi eq, %select_n3A_290, %eq3A_477 : vector<16xi32>
            %broadcast_in_dim3A_479 = vector.broadcast %reduce_sum3A_476 : f32 to vector<16xf32>
            %select_n3A_480 = arith.select %eq3A_478, %broadcast_in_dim3A_479, %while3A_426 : vector<16xi1>, vector<16xf32>
            scf.yield %select_n3A_480 : vector<16xf32>
          }
          %while3A_330 = arith.constant 1 : i32
          %while3A_331 = scf.for %while3A_425 = %while3A_327 to %while3A_323 step %while3A_330 iter_args(%while3A_426 = %while3A_329) -> (vector<16xf32>)  : i32 {
            %jit3A_427 = arith.constant 16 : i32
            %div3A_428 = arith.divsi %while3A_425, %jit3A_427 : i32
            %sign3A_429 = arith.constant 0 : i32
            %sign3A_430 = arith.cmpi sgt, %while3A_425, %sign3A_429 : i32
            %sign3A_431 = arith.extui %sign3A_430 : i1 to i32
            %sign3A_432 = arith.constant 0 : i32
            %sign3A_433 = arith.cmpi slt, %while3A_425, %sign3A_432 : i32
            %sign3A_434 = arith.extui %sign3A_433 : i1 to i32
            %sign3A_435 = arith.subi %sign3A_431, %sign3A_434 : i32
            %sign3A_436 = arith.constant 0 : i32
            %sign3A_437 = arith.cmpi sgt, %jit3A_427, %sign3A_436 : i32
            %sign3A_438 = arith.extui %sign3A_437 : i1 to i32
            %sign3A_439 = arith.constant 0 : i32
            %sign3A_440 = arith.cmpi slt, %jit3A_427, %sign3A_439 : i32
            %sign3A_441 = arith.extui %sign3A_440 : i1 to i32
            %sign3A_442 = arith.subi %sign3A_438, %sign3A_441 : i32
            %ne3A_443 = arith.cmpi ne, %sign3A_435, %sign3A_442 : i32
            %rem3A_444 = arith.remsi %while3A_425, %jit3A_427 : i32
            %ne3A_445 = arith.constant 0 : i32
            %ne3A_446 = arith.cmpi ne, %rem3A_444, %ne3A_445 : i32
            %and3A_447 = arith.andi %ne3A_443, %ne3A_446 : i1
            %sub3A_448 = arith.constant 1 : i32
            %sub3A_449 = arith.subi %div3A_428, %sub3A_448 : i32
            %select_n3A_450 = arith.select %and3A_447, %sub3A_449, %div3A_428 : i32
            %mul3A_451 = arith.constant 16 : i32
            %mul3A_452 = arith.muli %select_n3A_450, %mul3A_451 : i32
            %multiple_of3A_453 = tpu.assume_multiple %mul3A_452, 16 : i32
            %sub3A_454 = arith.subi %while3A_425, %multiple_of3A_453 : i32
            %get3A_455 = arith.index_cast %multiple_of3A_453 : i32 to index
            %get3A_456 = tpu.vector_load %arg13[%get3A_455] {strides = array<i32>} : memref<2048xi32, #tpu.memory_space<vmem>>, vector<16xi32>,
            %get3A_457 = arith.index_cast %multiple_of3A_453 : i32 to index
            %get3A_458 = tpu.vector_load %arg14[%get3A_457] {strides = array<i32>} : memref<2048xf32, #tpu.memory_space<vmem>>, vector<16xf32>,
            %eq3A_459 = vector.broadcast %sub3A_454 : i32 to vector<16xi32>
            %eq3A_460 = arith.cmpi eq, %iota3A, %eq3A_459 : vector<16xi32>
            %jit3A_461 = arith.constant 0 : i32
            %broadcast_in_dim3A_462 = vector.broadcast %jit3A_461 : i32 to vector<16xi32>
            %select_n3A_463 = arith.select %eq3A_460, %get3A_456, %broadcast_in_dim3A_462 : vector<16xi1>, vector<16xi32>
            %reduce_sum3A_464 = arith.constant true
            %reduce_sum3A_465 = vector.broadcast %reduce_sum3A_464 : i1 to vector<16xi1>
            %reduce_sum3A_466 = tpu.scan <sum>, %select_n3A_463 masked %reduce_sum3A_465 : vector<16xi32>, vector<16xi1> -> vector<16xi32>
            %reduce_sum3A_467 = vector.extract %reduce_sum3A_466[15] : i32 from vector<16xi32>
            %eq3A_468 = vector.broadcast %sub3A_454 : i32 to vector<16xi32>
            %eq3A_469 = arith.cmpi eq, %iota3A, %eq3A_468 : vector<16xi32>
            %jit3A_470 = arith.constant 0.000000e+00 : f32
            %broadcast_in_dim3A_471 = vector.broadcast %jit3A_470 : f32 to vector<16xf32>
            %select_n3A_472 = arith.select %eq3A_469, %get3A_458, %broadcast_in_dim3A_471 : vector<16xi1>, vector<16xf32>
            %reduce_sum3A_473 = arith.constant true
            %reduce_sum3A_474 = vector.broadcast %reduce_sum3A_473 : i1 to vector<16xi1>
            %reduce_sum3A_475 = tpu.scan <sum>, %select_n3A_472 masked %reduce_sum3A_474 : vector<16xf32>, vector<16xi1> -> vector<16xf32>
            %reduce_sum3A_476 = vector.extract %reduce_sum3A_475[15] : f32 from vector<16xf32>
            %eq3A_477 = vector.broadcast %reduce_sum3A_467 : i32 to vector<16xi32>
            %eq3A_478 = arith.cmpi eq, %select_n3A_290, %eq3A_477 : vector<16xi32>
            %broadcast_in_dim3A_479 = vector.broadcast %reduce_sum3A_476 : f32 to vector<16xf32>
            %select_n3A_480 = arith.select %eq3A_478, %broadcast_in_dim3A_479, %while3A_426 : vector<16xi1>, vector<16xf32>
            scf.yield %select_n3A_480 : vector<16xf32>
          }
          %jit3A_332 = arith.constant 1 : i32
          %jit3A_333 = arith.constant 0 : i32
          %broadcast_in_dim3A_334 = vector.broadcast %jit3A_332 : i32 to vector<16xi32>
          %broadcast_in_dim3A_335 = vector.broadcast %jit3A_333 : i32 to vector<16xi32>
          %select_n3A_336 = arith.select %and3A_271, %broadcast_in_dim3A_334, %broadcast_in_dim3A_335 : vector<16xi1>, vector<16xi32>
          %reduce_sum3A_337 = arith.constant true
          %reduce_sum3A_338 = vector.broadcast %reduce_sum3A_337 : i1 to vector<16xi1>
          %reduce_sum3A_339 = tpu.scan <sum>, %select_n3A_336 masked %reduce_sum3A_338 : vector<16xi32>, vector<16xi1> -> vector<16xi32>
          %reduce_sum3A_340 = vector.extract %reduce_sum3A_339[15] : i32 from vector<16xi32>
          %eq3A_341 = arith.constant 2 : i32
          %eq3A_342 = arith.cmpi eq, %reduce_sum3A_340, %eq3A_341 : i32
          %jit3A_343 = arith.constant 5.000000e-01 : f32
          %jit3A_344 = arith.constant 1.000000e+00 : f32
          %select_n3A_345 = arith.select %eq3A_342, %jit3A_343, %jit3A_344 : f32
          %eq3A_346 = arith.constant 3 : i32
          %eq3A_347 = arith.cmpi eq, %reduce_sum3A_340, %eq3A_346 : i32
          %jit3A_348 = arith.constant 0.333333343 : f32
          %select_n3A_349 = arith.select %eq3A_347, %jit3A_348, %select_n3A_345 : f32
          %eq3A_350 = arith.constant 4 : i32
          %eq3A_351 = arith.cmpi eq, %reduce_sum3A_340, %eq3A_350 : i32
          %jit3A_352 = arith.constant 2.500000e-01 : f32
          %select_n3A_353 = arith.select %eq3A_351, %jit3A_352, %select_n3A_349 : f32
          %eq3A_354 = arith.constant 5 : i32
          %eq3A_355 = arith.cmpi eq, %reduce_sum3A_340, %eq3A_354 : i32
          %jit3A_356 = arith.constant 2.000000e-01 : f32
          %select_n3A_357 = arith.select %eq3A_355, %jit3A_356, %select_n3A_353 : f32
          %eq3A_358 = arith.constant 6 : i32
          %eq3A_359 = arith.cmpi eq, %reduce_sum3A_340, %eq3A_358 : i32
          %jit3A_360 = arith.constant 0.166666672 : f32
          %select_n3A_361 = arith.select %eq3A_359, %jit3A_360, %select_n3A_357 : f32
          %eq3A_362 = arith.constant 7 : i32
          %eq3A_363 = arith.cmpi eq, %reduce_sum3A_340, %eq3A_362 : i32
          %jit3A_364 = arith.constant 0.142857149 : f32
          %select_n3A_365 = arith.select %eq3A_363, %jit3A_364, %select_n3A_361 : f32
          %eq3A_366 = arith.constant 8 : i32
          %eq3A_367 = arith.cmpi eq, %reduce_sum3A_340, %eq3A_366 : i32
          %jit3A_368 = arith.constant 1.250000e-01 : f32
          %select_n3A_369 = arith.select %eq3A_367, %jit3A_368, %select_n3A_365 : f32
          %eq3A_370 = arith.constant 9 : i32
          %eq3A_371 = arith.cmpi eq, %reduce_sum3A_340, %eq3A_370 : i32
          %jit3A_372 = arith.constant 0.111111112 : f32
          %select_n3A_373 = arith.select %eq3A_371, %jit3A_372, %select_n3A_369 : f32
          %jit3A_374 = arith.constant 0.000000e+00 : f32
          %broadcast_in_dim3A_375 = vector.broadcast %jit3A_374 : f32 to vector<16xf32>
          %select_n3A_376 = arith.select %and3A_271, %while3A_331, %broadcast_in_dim3A_375 : vector<16xi1>, vector<16xf32>
          %reduce_sum3A_377 = arith.constant true
          %reduce_sum3A_378 = vector.broadcast %reduce_sum3A_377 : i1 to vector<16xi1>
          %reduce_sum3A_379 = tpu.scan <sum>, %select_n3A_376 masked %reduce_sum3A_378 : vector<16xf32>, vector<16xi1> -> vector<16xf32>
          %reduce_sum3A_380 = vector.extract %reduce_sum3A_379[15] : f32 from vector<16xf32>
          %mul3A_381 = arith.mulf %reduce_sum3A_380, %select_n3A_373 : f32
          %jit3A_382 = arith.constant 16 : i32
          %div3A_383 = arith.divsi %while3A_152, %jit3A_382 : i32
          %sign3A_384 = arith.constant 0 : i32
          %sign3A_385 = arith.cmpi sgt, %while3A_152, %sign3A_384 : i32
          %sign3A_386 = arith.extui %sign3A_385 : i1 to i32
          %sign3A_387 = arith.constant 0 : i32
          %sign3A_388 = arith.cmpi slt, %while3A_152, %sign3A_387 : i32
          %sign3A_389 = arith.extui %sign3A_388 : i1 to i32
          %sign3A_390 = arith.subi %sign3A_386, %sign3A_389 : i32
          %sign3A_391 = arith.constant 0 : i32
          %sign3A_392 = arith.cmpi sgt, %jit3A_382, %sign3A_391 : i32
          %sign3A_393 = arith.extui %sign3A_392 : i1 to i32
          %sign3A_394 = arith.constant 0 : i32
          %sign3A_395 = arith.cmpi slt, %jit3A_382, %sign3A_394 : i32
          %sign3A_396 = arith.extui %sign3A_395 : i1 to i32
          %sign3A_397 = arith.subi %sign3A_393, %sign3A_396 : i32
          %ne3A_398 = arith.cmpi ne, %sign3A_390, %sign3A_397 : i32
          %rem3A_399 = arith.remsi %while3A_152, %jit3A_382 : i32
          %ne3A_400 = arith.constant 0 : i32
          %ne3A_401 = arith.cmpi ne, %rem3A_399, %ne3A_400 : i32
          %and3A_402 = arith.andi %ne3A_398, %ne3A_401 : i1
          %sub3A_403 = arith.constant 1 : i32
          %sub3A_404 = arith.subi %div3A_383, %sub3A_403 : i32
          %select_n3A_405 = arith.select %and3A_402, %sub3A_404, %div3A_383 : i32
          %mul3A_406 = arith.constant 16 : i32
          %mul3A_407 = arith.muli %select_n3A_405, %mul3A_406 : i32
          %multiple_of3A_408 = tpu.assume_multiple %mul3A_407, 16 : i32
          %sub3A_409 = arith.subi %while3A_152, %multiple_of3A_408 : i32
          %eq3A_410 = vector.broadcast %sub3A_409 : i32 to vector<16xi32>
          %eq3A_411 = arith.cmpi eq, %iota3A, %eq3A_410 : vector<16xi32>
          %get3A_412 = arith.index_cast %multiple_of3A_408 : i32 to index
          %get3A_413 = tpu.vector_load %arg13[%get3A_412] {strides = array<i32>} : memref<2048xi32, #tpu.memory_space<vmem>>, vector<16xi32>,
          %broadcast_in_dim3A_414 = vector.broadcast %reduce_sum3A_198 : i32 to vector<16xi32>
          %select_n3A_415 = arith.select %eq3A_411, %broadcast_in_dim3A_414, %get3A_413 : vector<16xi1>, vector<16xi32>
          %swap3A = arith.index_cast %multiple_of3A_408 : i32 to index
          %swap3A_416 = tpu.vector_load %arg13[%swap3A] {strides = array<i32>} : memref<2048xi32, #tpu.memory_space<vmem>>, vector<16xi32>,
          tpu.vector_store %arg13[%swap3A], %select_n3A_415 {strides = array<i32>} : memref<2048xi32, #tpu.memory_space<vmem>>, vector<16xi32>,
          %eq3A_417 = vector.broadcast %sub3A_409 : i32 to vector<16xi32>
          %eq3A_418 = arith.cmpi eq, %iota3A, %eq3A_417 : vector<16xi32>
          %get3A_419 = arith.index_cast %multiple_of3A_408 : i32 to index
          %get3A_420 = tpu.vector_load %arg14[%get3A_419] {strides = array<i32>} : memref<2048xf32, #tpu.memory_space<vmem>>, vector<16xf32>,
          %broadcast_in_dim3A_421 = vector.broadcast %mul3A_381 : f32 to vector<16xf32>
          %select_n3A_422 = arith.select %eq3A_418, %broadcast_in_dim3A_421, %get3A_420 : vector<16xi1>, vector<16xf32>
          %swap3A_423 = arith.index_cast %multiple_of3A_408 : i32 to index
          %swap3A_424 = tpu.vector_load %arg14[%swap3A_423] {strides = array<i32>} : memref<2048xf32, #tpu.memory_space<vmem>>, vector<16xf32>,
          tpu.vector_store %arg14[%swap3A_423], %select_n3A_422 {strides = array<i32>} : memref<2048xf32, #tpu.memory_space<vmem>>, vector<16xf32>,
        }
        %while3A_151 = arith.constant 1 : i32
        scf.for %while3A_152 = %while3A_149 to %while3A_145 step %while3A_151  : i32 {
          %lt3A_153 = arith.cmpi slt, %while3A_152, %min3A_11 : i32
          %sub3A_154 = arith.subi %while3A_152, %min3A_11 : i32
          %select_n3A_155 = arith.select %lt3A_153, %while3A_152, %sub3A_154 : i32
          %jit3A_156 = arith.constant 16 : i32
          %div3A_157 = arith.divsi %select_n3A_155, %jit3A_156 : i32
          %sign3A_158 = arith.constant 0 : i32
          %sign3A_159 = arith.cmpi sgt, %select_n3A_155, %sign3A_158 : i32
          %sign3A_160 = arith.extui %sign3A_159 : i1 to i32
          %sign3A_161 = arith.constant 0 : i32
          %sign3A_162 = arith.cmpi slt, %select_n3A_155, %sign3A_161 : i32
          %sign3A_163 = arith.extui %sign3A_162 : i1 to i32
          %sign3A_164 = arith.subi %sign3A_160, %sign3A_163 : i32
          %sign3A_165 = arith.constant 0 : i32
          %sign3A_166 = arith.cmpi sgt, %jit3A_156, %sign3A_165 : i32
          %sign3A_167 = arith.extui %sign3A_166 : i1 to i32
          %sign3A_168 = arith.constant 0 : i32
          %sign3A_169 = arith.cmpi slt, %jit3A_156, %sign3A_168 : i32
          %sign3A_170 = arith.extui %sign3A_169 : i1 to i32
          %sign3A_171 = arith.subi %sign3A_167, %sign3A_170 : i32
          %ne3A_172 = arith.cmpi ne, %sign3A_164, %sign3A_171 : i32
          %rem3A_173 = arith.remsi %select_n3A_155, %jit3A_156 : i32
          %ne3A_174 = arith.constant 0 : i32
          %ne3A_175 = arith.cmpi ne, %rem3A_173, %ne3A_174 : i32
          %and3A_176 = arith.andi %ne3A_172, %ne3A_175 : i1
          %sub3A_177 = arith.constant 1 : i32
          %sub3A_178 = arith.subi %div3A_157, %sub3A_177 : i32
          %select_n3A_179 = arith.select %and3A_176, %sub3A_178, %div3A_157 : i32
          %mul3A_180 = arith.constant 16 : i32
          %mul3A_181 = arith.muli %select_n3A_179, %mul3A_180 : i32
          %multiple_of3A = tpu.assume_multiple %mul3A_181, 16 : i32
          %sub3A_182 = arith.subi %select_n3A_155, %multiple_of3A : i32
          %get3A_183 = arith.index_cast %multiple_of3A : i32 to index
          %get3A_184 = tpu.vector_load %arg8[%get3A_183] {strides = array<i32>} : memref<1024xi32, #tpu.memory_space<vmem>>, vector<16xi32>,
          %get3A_185 = arith.index_cast %multiple_of3A : i32 to index
          %get3A_186 = tpu.vector_load %arg9[%get3A_185] {strides = array<i32>} : memref<1024xi32, #tpu.memory_space<vmem>>, vector<16xi32>,
          %lt3A_187 = arith.cmpi slt, %while3A_152, %min3A_11 : i32
          %broadcast_in_dim3A_188 = vector.broadcast %lt3A_187 : i1 to vector<16xi1>
          %select_n3A_189 = arith.select %broadcast_in_dim3A_188, %get3A_184, %get3A_186 : vector<16xi1>, vector<16xi32>
          %eq3A_190 = vector.broadcast %sub3A_182 : i32 to vector<16xi32>
          %eq3A_191 = arith.cmpi eq, %iota3A, %eq3A_190 : vector<16xi32>
          %jit3A_192 = arith.constant 0 : i32
          %broadcast_in_dim3A_193 = vector.broadcast %jit3A_192 : i32 to vector<16xi32>
          %select_n3A_194 = arith.select %eq3A_191, %select_n3A_189, %broadcast_in_dim3A_193 : vector<16xi1>, vector<16xi32>
          %reduce_sum3A_195 = arith.constant true
          %reduce_sum3A_196 = vector.broadcast %reduce_sum3A_195 : i1 to vector<16xi1>
          %reduce_sum3A_197 = tpu.scan <sum>, %select_n3A_194 masked %reduce_sum3A_196 : vector<16xi32>, vector<16xi1> -> vector<16xi32>
          %reduce_sum3A_198 = vector.extract %reduce_sum3A_197[15] : i32 from vector<16xi32>
          %jit3A_199 = arith.constant 50176 : i32
          %div3A_200 = arith.divsi %reduce_sum3A_198, %jit3A_199 : i32
          %sign3A_201 = arith.constant 0 : i32
          %sign3A_202 = arith.cmpi sgt, %reduce_sum3A_198, %sign3A_201 : i32
          %sign3A_203 = arith.extui %sign3A_202 : i1 to i32
          %sign3A_204 = arith.constant 0 : i32
          %sign3A_205 = arith.cmpi slt, %reduce_sum3A_198, %sign3A_204 : i32
          %sign3A_206 = arith.extui %sign3A_205 : i1 to i32
          %sign3A_207 = arith.subi %sign3A_203, %sign3A_206 : i32
          %sign3A_208 = arith.constant 0 : i32
          %sign3A_209 = arith.cmpi sgt, %jit3A_199, %sign3A_208 : i32
          %sign3A_210 = arith.extui %sign3A_209 : i1 to i32
          %sign3A_211 = arith.constant 0 : i32
          %sign3A_212 = arith.cmpi slt, %jit3A_199, %sign3A_211 : i32
          %sign3A_213 = arith.extui %sign3A_212 : i1 to i32
          %sign3A_214 = arith.subi %sign3A_210, %sign3A_213 : i32
          %ne3A_215 = arith.cmpi ne, %sign3A_207, %sign3A_214 : i32
          %rem3A_216 = arith.remsi %reduce_sum3A_198, %jit3A_199 : i32
          %ne3A_217 = arith.constant 0 : i32
          %ne3A_218 = arith.cmpi ne, %rem3A_216, %ne3A_217 : i32
          %and3A_219 = arith.andi %ne3A_215, %ne3A_218 : i1
          %sub3A_220 = arith.constant 1 : i32
          %sub3A_221 = arith.subi %div3A_200, %sub3A_220 : i32
          %select_n3A_222 = arith.select %and3A_219, %sub3A_221, %div3A_200 : i32
          %mul3A_223 = arith.constant 50176 : i32
          %mul3A_224 = arith.muli %select_n3A_222, %mul3A_223 : i32
          %sub3A_225 = arith.subi %reduce_sum3A_198, %mul3A_224 : i32
          %jit3A_226 = arith.constant 224 : i32
          %div3A_227 = arith.divsi %sub3A_225, %jit3A_226 : i32
          %sign3A_228 = arith.constant 0 : i32
          %sign3A_229 = arith.cmpi sgt, %sub3A_225, %sign3A_228 : i32
          %sign3A_230 = arith.extui %sign3A_229 : i1 to i32
          %sign3A_231 = arith.constant 0 : i32
          %sign3A_232 = arith.cmpi slt, %sub3A_225, %sign3A_231 : i32
          %sign3A_233 = arith.extui %sign3A_232 : i1 to i32
          %sign3A_234 = arith.subi %sign3A_230, %sign3A_233 : i32
          %sign3A_235 = arith.constant 0 : i32
          %sign3A_236 = arith.cmpi sgt, %jit3A_226, %sign3A_235 : i32
          %sign3A_237 = arith.extui %sign3A_236 : i1 to i32
          %sign3A_238 = arith.constant 0 : i32
          %sign3A_239 = arith.cmpi slt, %jit3A_226, %sign3A_238 : i32
          %sign3A_240 = arith.extui %sign3A_239 : i1 to i32
          %sign3A_241 = arith.subi %sign3A_237, %sign3A_240 : i32
          %ne3A_242 = arith.cmpi ne, %sign3A_234, %sign3A_241 : i32
          %rem3A_243 = arith.remsi %sub3A_225, %jit3A_226 : i32
          %ne3A_244 = arith.constant 0 : i32
          %ne3A_245 = arith.cmpi ne, %rem3A_243, %ne3A_244 : i32
          %and3A_246 = arith.andi %ne3A_242, %ne3A_245 : i1
          %sub3A_247 = arith.constant 1 : i32
          %sub3A_248 = arith.subi %div3A_227, %sub3A_247 : i32
          %select_n3A_249 = arith.select %and3A_246, %sub3A_248, %div3A_227 : i32
          %mul3A_250 = arith.constant 224 : i32
          %mul3A_251 = arith.muli %select_n3A_249, %mul3A_250 : i32
          %sub3A_252 = arith.subi %sub3A_225, %mul3A_251 : i32
          %add3A_253 = vector.broadcast %select_n3A_249 : i32 to vector<16xi32>
          %add3A_254 = arith.addi %add3A_253, %sub3A_52 : vector<16xi32>
          %add3A_255 = vector.broadcast %sub3A_252 : i32 to vector<16xi32>
          %add3A_256 = arith.addi %add3A_255, %sub3A_76 : vector<16xi32>
          %ge3A = arith.constant 0 : i32
          %ge3A_257 = vector.broadcast %ge3A : i32 to vector<16xi32>
          %ge3A_258 = arith.cmpi sge, %add3A_254, %ge3A_257 : vector<16xi32>
          %and3A_259 = arith.andi %lt3A_79, %ge3A_258 : vector<16xi1>
          %lt3A_260 = arith.constant 224 : i32
          %lt3A_261 = vector.broadcast %lt3A_260 : i32 to vector<16xi32>
          %lt3A_262 = arith.cmpi slt, %add3A_254, %lt3A_261 : vector<16xi32>
          %and3A_263 = arith.andi %and3A_259, %lt3A_262 : vector<16xi1>
          %ge3A_264 = arith.constant 0 : i32
          %ge3A_265 = vector.broadcast %ge3A_264 : i32 to vector<16xi32>
          %ge3A_266 = arith.cmpi sge, %add3A_256, %ge3A_265 : vector<16xi32>
          %and3A_267 = arith.andi %and3A_263, %ge3A_266 : vector<16xi1>
          %lt3A_268 = arith.constant 224 : i32
          %lt3A_269 = vector.broadcast %lt3A_268 : i32 to vector<16xi32>
          %lt3A_270 = arith.cmpi slt, %add3A_256, %lt3A_269 : vector<16xi32>
          %and3A_271 = arith.andi %and3A_267, %lt3A_270 : vector<16xi1>
          %jit3A_272 = arith.constant 0 : i32
          %jit3A_273 = arith.constant 223 : i32
          %max3A = vector.broadcast %jit3A_272 : i32 to vector<16xi32>
          %max3A_274 = arith.maxsi %max3A, %add3A_254 : vector<16xi32>
          %min3A_275 = vector.broadcast %jit3A_273 : i32 to vector<16xi32>
          %min3A_276 = arith.minsi %min3A_275, %max3A_274 : vector<16xi32>
          %jit3A_277 = arith.constant 0 : i32
          %jit3A_278 = arith.constant 223 : i32
          %max3A_279 = vector.broadcast %jit3A_277 : i32 to vector<16xi32>
          %max3A_280 = arith.maxsi %max3A_279, %add3A_256 : vector<16xi32>
          %min3A_281 = vector.broadcast %jit3A_278 : i32 to vector<16xi32>
          %min3A_282 = arith.minsi %min3A_281, %max3A_280 : vector<16xi32>
          %mul3A_283 = arith.constant 224 : i32
          %mul3A_284 = vector.broadcast %mul3A_283 : i32 to vector<16xi32>
          %mul3A_285 = arith.muli %min3A_276, %mul3A_284 : vector<16xi32>
          %add3A_286 = vector.broadcast %mul3A_224 : i32 to vector<16xi32>
          %add3A_287 = arith.addi %add3A_286, %mul3A_285 : vector<16xi32>
          %add3A_288 = arith.addi %add3A_287, %min3A_282 : vector<16xi32>
          %broadcast_in_dim3A_289 = vector.broadcast %reduce_sum3A_198 : i32 to vector<16xi32>
          %select_n3A_290 = arith.select %and3A_271, %add3A_288, %broadcast_in_dim3A_289 : vector<16xi1>, vector<16xi32>
          %jit3A_291 = arith.constant 256 : i32
          %div3A_292 = arith.divsi %while3A_152, %jit3A_291 : i32
          %sign3A_293 = arith.constant 0 : i32
          %sign3A_294 = arith.cmpi sgt, %while3A_152, %sign3A_293 : i32
          %sign3A_295 = arith.extui %sign3A_294 : i1 to i32
          %sign3A_296 = arith.constant 0 : i32
          %sign3A_297 = arith.cmpi slt, %while3A_152, %sign3A_296 : i32
          %sign3A_298 = arith.extui %sign3A_297 : i1 to i32
          %sign3A_299 = arith.subi %sign3A_295, %sign3A_298 : i32
          %sign3A_300 = arith.constant 0 : i32
          %sign3A_301 = arith.cmpi sgt, %jit3A_291, %sign3A_300 : i32
          %sign3A_302 = arith.extui %sign3A_301 : i1 to i32
          %sign3A_303 = arith.constant 0 : i32
          %sign3A_304 = arith.cmpi slt, %jit3A_291, %sign3A_303 : i32
          %sign3A_305 = arith.extui %sign3A_304 : i1 to i32
          %sign3A_306 = arith.subi %sign3A_302, %sign3A_305 : i32
          %ne3A_307 = arith.cmpi ne, %sign3A_299, %sign3A_306 : i32
          %rem3A_308 = arith.remsi %while3A_152, %jit3A_291 : i32
          %ne3A_309 = arith.constant 0 : i32
          %ne3A_310 = arith.cmpi ne, %rem3A_308, %ne3A_309 : i32
          %and3A_311 = arith.andi %ne3A_307, %ne3A_310 : i1
          %sub3A_312 = arith.constant 1 : i32
          %sub3A_313 = arith.subi %div3A_292, %sub3A_312 : i32
          %select_n3A_314 = arith.select %and3A_311, %sub3A_313, %div3A_292 : i32
          %mul3A_315 = arith.constant 256 : i32
          %mul3A_316 = arith.muli %select_n3A_314, %mul3A_315 : i32
          %sub3A_317 = arith.subi %while3A_152, %mul3A_316 : i32
          %get3A_318 = arith.index_cast %sub3A_317 : i32 to index
          %get3A_319 = arith.constant 0 : index
          %get3A_320 = tpu.vector_load %arg12[%get3A_318, %get3A_319] {strides = array<i32>} : memref<256x16xf32, #tpu.memory_space<vmem>>, vector<16xf32>,
          %while3A_321 = arith.constant 0 : i32
          %while3A_322 = arith.subi %while3A_152, %while3A_321 : i32
          %while3A_323 = arith.addi %while3A_321, %while3A_322 : i32
          %while3A_324 = arith.constant 1 : i32
          %while3A_325 = arith.divsi %while3A_322, %while3A_324 : i32
          %while3A_326 = arith.muli %while3A_325, %while3A_324 : i32
          %while3A_327 = arith.addi %while3A_321, %while3A_326 : i32
          %while3A_328 = arith.constant 1 : i32
          %while3A_329 = scf.for %while3A_425 = %while3A_321 to %while3A_327 step %while3A_328 iter_args(%while3A_426 = %get3A_320) -> (vector<16xf32>)  : i32 {
            %jit3A_427 = arith.constant 16 : i32
            %div3A_428 = arith.divsi %while3A_425, %jit3A_427 : i32
            %sign3A_429 = arith.constant 0 : i32
            %sign3A_430 = arith.cmpi sgt, %while3A_425, %sign3A_429 : i32
            %sign3A_431 = arith.extui %sign3A_430 : i1 to i32
            %sign3A_432 = arith.constant 0 : i32
            %sign3A_433 = arith.cmpi slt, %while3A_425, %sign3A_432 : i32
            %sign3A_434 = arith.extui %sign3A_433 : i1 to i32
            %sign3A_435 = arith.subi %sign3A_431, %sign3A_434 : i32
            %sign3A_436 = arith.constant 0 : i32
            %sign3A_437 = arith.cmpi sgt, %jit3A_427, %sign3A_436 : i32
            %sign3A_438 = arith.extui %sign3A_437 : i1 to i32
            %sign3A_439 = arith.constant 0 : i32
            %sign3A_440 = arith.cmpi slt, %jit3A_427, %sign3A_439 : i32
            %sign3A_441 = arith.extui %sign3A_440 : i1 to i32
            %sign3A_442 = arith.subi %sign3A_438, %sign3A_441 : i32
            %ne3A_443 = arith.cmpi ne, %sign3A_435, %sign3A_442 : i32
            %rem3A_444 = arith.remsi %while3A_425, %jit3A_427 : i32
            %ne3A_445 = arith.constant 0 : i32
            %ne3A_446 = arith.cmpi ne, %rem3A_444, %ne3A_445 : i32
            %and3A_447 = arith.andi %ne3A_443, %ne3A_446 : i1
            %sub3A_448 = arith.constant 1 : i32
            %sub3A_449 = arith.subi %div3A_428, %sub3A_448 : i32
            %select_n3A_450 = arith.select %and3A_447, %sub3A_449, %div3A_428 : i32
            %mul3A_451 = arith.constant 16 : i32
            %mul3A_452 = arith.muli %select_n3A_450, %mul3A_451 : i32
            %multiple_of3A_453 = tpu.assume_multiple %mul3A_452, 16 : i32
            %sub3A_454 = arith.subi %while3A_425, %multiple_of3A_453 : i32
            %get3A_455 = arith.index_cast %multiple_of3A_453 : i32 to index
            %get3A_456 = tpu.vector_load %arg13[%get3A_455] {strides = array<i32>} : memref<2048xi32, #tpu.memory_space<vmem>>, vector<16xi32>,
            %get3A_457 = arith.index_cast %multiple_of3A_453 : i32 to index
            %get3A_458 = tpu.vector_load %arg14[%get3A_457] {strides = array<i32>} : memref<2048xf32, #tpu.memory_space<vmem>>, vector<16xf32>,
            %eq3A_459 = vector.broadcast %sub3A_454 : i32 to vector<16xi32>
            %eq3A_460 = arith.cmpi eq, %iota3A, %eq3A_459 : vector<16xi32>
            %jit3A_461 = arith.constant 0 : i32
            %broadcast_in_dim3A_462 = vector.broadcast %jit3A_461 : i32 to vector<16xi32>
            %select_n3A_463 = arith.select %eq3A_460, %get3A_456, %broadcast_in_dim3A_462 : vector<16xi1>, vector<16xi32>
            %reduce_sum3A_464 = arith.constant true
            %reduce_sum3A_465 = vector.broadcast %reduce_sum3A_464 : i1 to vector<16xi1>
            %reduce_sum3A_466 = tpu.scan <sum>, %select_n3A_463 masked %reduce_sum3A_465 : vector<16xi32>, vector<16xi1> -> vector<16xi32>
            %reduce_sum3A_467 = vector.extract %reduce_sum3A_466[15] : i32 from vector<16xi32>
            %eq3A_468 = vector.broadcast %sub3A_454 : i32 to vector<16xi32>
            %eq3A_469 = arith.cmpi eq, %iota3A, %eq3A_468 : vector<16xi32>
            %jit3A_470 = arith.constant 0.000000e+00 : f32
            %broadcast_in_dim3A_471 = vector.broadcast %jit3A_470 : f32 to vector<16xf32>
            %select_n3A_472 = arith.select %eq3A_469, %get3A_458, %broadcast_in_dim3A_471 : vector<16xi1>, vector<16xf32>
            %reduce_sum3A_473 = arith.constant true
            %reduce_sum3A_474 = vector.broadcast %reduce_sum3A_473 : i1 to vector<16xi1>
            %reduce_sum3A_475 = tpu.scan <sum>, %select_n3A_472 masked %reduce_sum3A_474 : vector<16xf32>, vector<16xi1> -> vector<16xf32>
            %reduce_sum3A_476 = vector.extract %reduce_sum3A_475[15] : f32 from vector<16xf32>
            %eq3A_477 = vector.broadcast %reduce_sum3A_467 : i32 to vector<16xi32>
            %eq3A_478 = arith.cmpi eq, %select_n3A_290, %eq3A_477 : vector<16xi32>
            %broadcast_in_dim3A_479 = vector.broadcast %reduce_sum3A_476 : f32 to vector<16xf32>
            %select_n3A_480 = arith.select %eq3A_478, %broadcast_in_dim3A_479, %while3A_426 : vector<16xi1>, vector<16xf32>
            scf.yield %select_n3A_480 : vector<16xf32>
          }
          %while3A_330 = arith.constant 1 : i32
          %while3A_331 = scf.for %while3A_425 = %while3A_327 to %while3A_323 step %while3A_330 iter_args(%while3A_426 = %while3A_329) -> (vector<16xf32>)  : i32 {
            %jit3A_427 = arith.constant 16 : i32
            %div3A_428 = arith.divsi %while3A_425, %jit3A_427 : i32
            %sign3A_429 = arith.constant 0 : i32
            %sign3A_430 = arith.cmpi sgt, %while3A_425, %sign3A_429 : i32
            %sign3A_431 = arith.extui %sign3A_430 : i1 to i32
            %sign3A_432 = arith.constant 0 : i32
            %sign3A_433 = arith.cmpi slt, %while3A_425, %sign3A_432 : i32
            %sign3A_434 = arith.extui %sign3A_433 : i1 to i32
            %sign3A_435 = arith.subi %sign3A_431, %sign3A_434 : i32
            %sign3A_436 = arith.constant 0 : i32
            %sign3A_437 = arith.cmpi sgt, %jit3A_427, %sign3A_436 : i32
            %sign3A_438 = arith.extui %sign3A_437 : i1 to i32
            %sign3A_439 = arith.constant 0 : i32
            %sign3A_440 = arith.cmpi slt, %jit3A_427, %sign3A_439 : i32
            %sign3A_441 = arith.extui %sign3A_440 : i1 to i32
            %sign3A_442 = arith.subi %sign3A_438, %sign3A_441 : i32
            %ne3A_443 = arith.cmpi ne, %sign3A_435, %sign3A_442 : i32
            %rem3A_444 = arith.remsi %while3A_425, %jit3A_427 : i32
            %ne3A_445 = arith.constant 0 : i32
            %ne3A_446 = arith.cmpi ne, %rem3A_444, %ne3A_445 : i32
            %and3A_447 = arith.andi %ne3A_443, %ne3A_446 : i1
            %sub3A_448 = arith.constant 1 : i32
            %sub3A_449 = arith.subi %div3A_428, %sub3A_448 : i32
            %select_n3A_450 = arith.select %and3A_447, %sub3A_449, %div3A_428 : i32
            %mul3A_451 = arith.constant 16 : i32
            %mul3A_452 = arith.muli %select_n3A_450, %mul3A_451 : i32
            %multiple_of3A_453 = tpu.assume_multiple %mul3A_452, 16 : i32
            %sub3A_454 = arith.subi %while3A_425, %multiple_of3A_453 : i32
            %get3A_455 = arith.index_cast %multiple_of3A_453 : i32 to index
            %get3A_456 = tpu.vector_load %arg13[%get3A_455] {strides = array<i32>} : memref<2048xi32, #tpu.memory_space<vmem>>, vector<16xi32>,
            %get3A_457 = arith.index_cast %multiple_of3A_453 : i32 to index
            %get3A_458 = tpu.vector_load %arg14[%get3A_457] {strides = array<i32>} : memref<2048xf32, #tpu.memory_space<vmem>>, vector<16xf32>,
            %eq3A_459 = vector.broadcast %sub3A_454 : i32 to vector<16xi32>
            %eq3A_460 = arith.cmpi eq, %iota3A, %eq3A_459 : vector<16xi32>
            %jit3A_461 = arith.constant 0 : i32
            %broadcast_in_dim3A_462 = vector.broadcast %jit3A_461 : i32 to vector<16xi32>
            %select_n3A_463 = arith.select %eq3A_460, %get3A_456, %broadcast_in_dim3A_462 : vector<16xi1>, vector<16xi32>
            %reduce_sum3A_464 = arith.constant true
            %reduce_sum3A_465 = vector.broadcast %reduce_sum3A_464 : i1 to vector<16xi1>
            %reduce_sum3A_466 = tpu.scan <sum>, %select_n3A_463 masked %reduce_sum3A_465 : vector<16xi32>, vector<16xi1> -> vector<16xi32>
            %reduce_sum3A_467 = vector.extract %reduce_sum3A_466[15] : i32 from vector<16xi32>
            %eq3A_468 = vector.broadcast %sub3A_454 : i32 to vector<16xi32>
            %eq3A_469 = arith.cmpi eq, %iota3A, %eq3A_468 : vector<16xi32>
            %jit3A_470 = arith.constant 0.000000e+00 : f32
            %broadcast_in_dim3A_471 = vector.broadcast %jit3A_470 : f32 to vector<16xf32>
            %select_n3A_472 = arith.select %eq3A_469, %get3A_458, %broadcast_in_dim3A_471 : vector<16xi1>, vector<16xf32>
            %reduce_sum3A_473 = arith.constant true
            %reduce_sum3A_474 = vector.broadcast %reduce_sum3A_473 : i1 to vector<16xi1>
            %reduce_sum3A_475 = tpu.scan <sum>, %select_n3A_472 masked %reduce_sum3A_474 : vector<16xf32>, vector<16xi1> -> vector<16xf32>
            %reduce_sum3A_476 = vector.extract %reduce_sum3A_475[15] : f32 from vector<16xf32>
            %eq3A_477 = vector.broadcast %reduce_sum3A_467 : i32 to vector<16xi32>
            %eq3A_478 = arith.cmpi eq, %select_n3A_290, %eq3A_477 : vector<16xi32>
            %broadcast_in_dim3A_479 = vector.broadcast %reduce_sum3A_476 : f32 to vector<16xf32>
            %select_n3A_480 = arith.select %eq3A_478, %broadcast_in_dim3A_479, %while3A_426 : vector<16xi1>, vector<16xf32>
            scf.yield %select_n3A_480 : vector<16xf32>
          }
          %jit3A_332 = arith.constant 1 : i32
          %jit3A_333 = arith.constant 0 : i32
          %broadcast_in_dim3A_334 = vector.broadcast %jit3A_332 : i32 to vector<16xi32>
          %broadcast_in_dim3A_335 = vector.broadcast %jit3A_333 : i32 to vector<16xi32>
          %select_n3A_336 = arith.select %and3A_271, %broadcast_in_dim3A_334, %broadcast_in_dim3A_335 : vector<16xi1>, vector<16xi32>
          %reduce_sum3A_337 = arith.constant true
          %reduce_sum3A_338 = vector.broadcast %reduce_sum3A_337 : i1 to vector<16xi1>
          %reduce_sum3A_339 = tpu.scan <sum>, %select_n3A_336 masked %reduce_sum3A_338 : vector<16xi32>, vector<16xi1> -> vector<16xi32>
          %reduce_sum3A_340 = vector.extract %reduce_sum3A_339[15] : i32 from vector<16xi32>
          %eq3A_341 = arith.constant 2 : i32
          %eq3A_342 = arith.cmpi eq, %reduce_sum3A_340, %eq3A_341 : i32
          %jit3A_343 = arith.constant 5.000000e-01 : f32
          %jit3A_344 = arith.constant 1.000000e+00 : f32
          %select_n3A_345 = arith.select %eq3A_342, %jit3A_343, %jit3A_344 : f32
          %eq3A_346 = arith.constant 3 : i32
          %eq3A_347 = arith.cmpi eq, %reduce_sum3A_340, %eq3A_346 : i32
          %jit3A_348 = arith.constant 0.333333343 : f32
          %select_n3A_349 = arith.select %eq3A_347, %jit3A_348, %select_n3A_345 : f32
          %eq3A_350 = arith.constant 4 : i32
          %eq3A_351 = arith.cmpi eq, %reduce_sum3A_340, %eq3A_350 : i32
          %jit3A_352 = arith.constant 2.500000e-01 : f32
          %select_n3A_353 = arith.select %eq3A_351, %jit3A_352, %select_n3A_349 : f32
          %eq3A_354 = arith.constant 5 : i32
          %eq3A_355 = arith.cmpi eq, %reduce_sum3A_340, %eq3A_354 : i32
          %jit3A_356 = arith.constant 2.000000e-01 : f32
          %select_n3A_357 = arith.select %eq3A_355, %jit3A_356, %select_n3A_353 : f32
          %eq3A_358 = arith.constant 6 : i32
          %eq3A_359 = arith.cmpi eq, %reduce_sum3A_340, %eq3A_358 : i32
          %jit3A_360 = arith.constant 0.166666672 : f32
          %select_n3A_361 = arith.select %eq3A_359, %jit3A_360, %select_n3A_357 : f32
          %eq3A_362 = arith.constant 7 : i32
          %eq3A_363 = arith.cmpi eq, %reduce_sum3A_340, %eq3A_362 : i32
          %jit3A_364 = arith.constant 0.142857149 : f32
          %select_n3A_365 = arith.select %eq3A_363, %jit3A_364, %select_n3A_361 : f32
          %eq3A_366 = arith.constant 8 : i32
          %eq3A_367 = arith.cmpi eq, %reduce_sum3A_340, %eq3A_366 : i32
          %jit3A_368 = arith.constant 1.250000e-01 : f32
          %select_n3A_369 = arith.select %eq3A_367, %jit3A_368, %select_n3A_365 : f32
          %eq3A_370 = arith.constant 9 : i32
          %eq3A_371 = arith.cmpi eq, %reduce_sum3A_340, %eq3A_370 : i32
          %jit3A_372 = arith.constant 0.111111112 : f32
          %select_n3A_373 = arith.select %eq3A_371, %jit3A_372, %select_n3A_369 : f32
          %jit3A_374 = arith.constant 0.000000e+00 : f32
          %broadcast_in_dim3A_375 = vector.broadcast %jit3A_374 : f32 to vector<16xf32>
          %select_n3A_376 = arith.select %and3A_271, %while3A_331, %broadcast_in_dim3A_375 : vector<16xi1>, vector<16xf32>
          %reduce_sum3A_377 = arith.constant true
          %reduce_sum3A_378 = vector.broadcast %reduce_sum3A_377 : i1 to vector<16xi1>
          %reduce_sum3A_379 = tpu.scan <sum>, %select_n3A_376 masked %reduce_sum3A_378 : vector<16xf32>, vector<16xi1> -> vector<16xf32>
          %reduce_sum3A_380 = vector.extract %reduce_sum3A_379[15] : f32 from vector<16xf32>
          %mul3A_381 = arith.mulf %reduce_sum3A_380, %select_n3A_373 : f32
          %jit3A_382 = arith.constant 16 : i32
          %div3A_383 = arith.divsi %while3A_152, %jit3A_382 : i32
          %sign3A_384 = arith.constant 0 : i32
          %sign3A_385 = arith.cmpi sgt, %while3A_152, %sign3A_384 : i32
          %sign3A_386 = arith.extui %sign3A_385 : i1 to i32
          %sign3A_387 = arith.constant 0 : i32
          %sign3A_388 = arith.cmpi slt, %while3A_152, %sign3A_387 : i32
          %sign3A_389 = arith.extui %sign3A_388 : i1 to i32
          %sign3A_390 = arith.subi %sign3A_386, %sign3A_389 : i32
          %sign3A_391 = arith.constant 0 : i32
          %sign3A_392 = arith.cmpi sgt, %jit3A_382, %sign3A_391 : i32
          %sign3A_393 = arith.extui %sign3A_392 : i1 to i32
          %sign3A_394 = arith.constant 0 : i32
          %sign3A_395 = arith.cmpi slt, %jit3A_382, %sign3A_394 : i32
          %sign3A_396 = arith.extui %sign3A_395 : i1 to i32
          %sign3A_397 = arith.subi %sign3A_393, %sign3A_396 : i32
          %ne3A_398 = arith.cmpi ne, %sign3A_390, %sign3A_397 : i32
          %rem3A_399 = arith.remsi %while3A_152, %jit3A_382 : i32
          %ne3A_400 = arith.constant 0 : i32
          %ne3A_401 = arith.cmpi ne, %rem3A_399, %ne3A_400 : i32
          %and3A_402 = arith.andi %ne3A_398, %ne3A_401 : i1
          %sub3A_403 = arith.constant 1 : i32
          %sub3A_404 = arith.subi %div3A_383, %sub3A_403 : i32
          %select_n3A_405 = arith.select %and3A_402, %sub3A_404, %div3A_383 : i32
          %mul3A_406 = arith.constant 16 : i32
          %mul3A_407 = arith.muli %select_n3A_405, %mul3A_406 : i32
          %multiple_of3A_408 = tpu.assume_multiple %mul3A_407, 16 : i32
          %sub3A_409 = arith.subi %while3A_152, %multiple_of3A_408 : i32
          %eq3A_410 = vector.broadcast %sub3A_409 : i32 to vector<16xi32>
          %eq3A_411 = arith.cmpi eq, %iota3A, %eq3A_410 : vector<16xi32>
          %get3A_412 = arith.index_cast %multiple_of3A_408 : i32 to index
          %get3A_413 = tpu.vector_load %arg13[%get3A_412] {strides = array<i32>} : memref<2048xi32, #tpu.memory_space<vmem>>, vector<16xi32>,
          %broadcast_in_dim3A_414 = vector.broadcast %reduce_sum3A_198 : i32 to vector<16xi32>
          %select_n3A_415 = arith.select %eq3A_411, %broadcast_in_dim3A_414, %get3A_413 : vector<16xi1>, vector<16xi32>
          %swap3A = arith.index_cast %multiple_of3A_408 : i32 to index
          %swap3A_416 = tpu.vector_load %arg13[%swap3A] {strides = array<i32>} : memref<2048xi32, #tpu.memory_space<vmem>>, vector<16xi32>,
          tpu.vector_store %arg13[%swap3A], %select_n3A_415 {strides = array<i32>} : memref<2048xi32, #tpu.memory_space<vmem>>, vector<16xi32>,
          %eq3A_417 = vector.broadcast %sub3A_409 : i32 to vector<16xi32>
          %eq3A_418 = arith.cmpi eq, %iota3A, %eq3A_417 : vector<16xi32>
          %get3A_419 = arith.index_cast %multiple_of3A_408 : i32 to index
          %get3A_420 = tpu.vector_load %arg14[%get3A_419] {strides = array<i32>} : memref<2048xf32, #tpu.memory_space<vmem>>, vector<16xf32>,
          %broadcast_in_dim3A_421 = vector.broadcast %mul3A_381 : f32 to vector<16xf32>
          %select_n3A_422 = arith.select %eq3A_418, %broadcast_in_dim3A_421, %get3A_420 : vector<16xi1>, vector<16xf32>
          %swap3A_423 = arith.index_cast %multiple_of3A_408 : i32 to index
          %swap3A_424 = tpu.vector_load %arg14[%swap3A_423] {strides = array<i32>} : memref<2048xf32, #tpu.memory_space<vmem>>, vector<16xf32>,
          tpu.vector_store %arg14[%swap3A_423], %select_n3A_422 {strides = array<i32>} : memref<2048xf32, #tpu.memory_space<vmem>>, vector<16xf32>,
        }
      }
      %while3A_116 = arith.constant 1 : i32
      scf.for %while3A_117 = %while3A_114 to %while3A_110 step %while3A_116  : i32 {
        %mul3A = arith.constant 256 : i32
        %mul3A_118 = arith.muli %while3A_117, %mul3A : i32
        %sub3A_119 = arith.subi %add3A, %mul3A_118 : i32
        %min3A_120 = arith.constant 256 : i32
        %min3A_121 = arith.minsi %sub3A_119, %min3A_120 : i32
        %while3A_122 = arith.constant 0 : i32
        %while3A_123 = arith.constant 0 : i32
        %while3A_124 = arith.subi %min3A_121, %while3A_123 : i32
        %while3A_125 = arith.addi %while3A_123, %while3A_124 : i32
        %while3A_126 = arith.constant 1 : i32
        %while3A_127 = arith.divsi %while3A_124, %while3A_126 : i32
        %while3A_128 = arith.muli %while3A_127, %while3A_126 : i32
        %while3A_129 = arith.addi %while3A_123, %while3A_128 : i32
        %while3A_130 = arith.constant 1 : i32
        scf.for %while3A_152 = %while3A_123 to %while3A_129 step %while3A_130  : i32 {
          %add3A_153 = arith.addi %mul3A_118, %while3A_152 : i32
          %lt3A_154 = arith.cmpi slt, %add3A_153, %min3A_11 : i32
          %sub3A_155 = arith.subi %add3A_153, %min3A_11 : i32
          %select_n3A_156 = arith.select %lt3A_154, %add3A_153, %sub3A_155 : i32
          %jit3A_157 = arith.constant 16 : i32
          %div3A_158 = arith.divsi %select_n3A_156, %jit3A_157 : i32
          %sign3A_159 = arith.constant 0 : i32
          %sign3A_160 = arith.cmpi sgt, %select_n3A_156, %sign3A_159 : i32
          %sign3A_161 = arith.extui %sign3A_160 : i1 to i32
          %sign3A_162 = arith.constant 0 : i32
          %sign3A_163 = arith.cmpi slt, %select_n3A_156, %sign3A_162 : i32
          %sign3A_164 = arith.extui %sign3A_163 : i1 to i32
          %sign3A_165 = arith.subi %sign3A_161, %sign3A_164 : i32
          %sign3A_166 = arith.constant 0 : i32
          %sign3A_167 = arith.cmpi sgt, %jit3A_157, %sign3A_166 : i32
          %sign3A_168 = arith.extui %sign3A_167 : i1 to i32
          %sign3A_169 = arith.constant 0 : i32
          %sign3A_170 = arith.cmpi slt, %jit3A_157, %sign3A_169 : i32
          %sign3A_171 = arith.extui %sign3A_170 : i1 to i32
          %sign3A_172 = arith.subi %sign3A_168, %sign3A_171 : i32
          %ne3A_173 = arith.cmpi ne, %sign3A_165, %sign3A_172 : i32
          %rem3A_174 = arith.remsi %select_n3A_156, %jit3A_157 : i32
          %ne3A_175 = arith.constant 0 : i32
          %ne3A_176 = arith.cmpi ne, %rem3A_174, %ne3A_175 : i32
          %and3A_177 = arith.andi %ne3A_173, %ne3A_176 : i1
          %sub3A_178 = arith.constant 1 : i32
          %sub3A_179 = arith.subi %div3A_158, %sub3A_178 : i32
          %select_n3A_180 = arith.select %and3A_177, %sub3A_179, %div3A_158 : i32
          %mul3A_181 = arith.constant 16 : i32
          %mul3A_182 = arith.muli %select_n3A_180, %mul3A_181 : i32
          %multiple_of3A = tpu.assume_multiple %mul3A_182, 16 : i32
          %sub3A_183 = arith.subi %select_n3A_156, %multiple_of3A : i32
          %get3A_184 = arith.index_cast %multiple_of3A : i32 to index
          %get3A_185 = tpu.vector_load %arg8[%get3A_184] {strides = array<i32>} : memref<1024xi32, #tpu.memory_space<vmem>>, vector<16xi32>,
          %get3A_186 = arith.index_cast %multiple_of3A : i32 to index
          %get3A_187 = tpu.vector_load %arg9[%get3A_186] {strides = array<i32>} : memref<1024xi32, #tpu.memory_space<vmem>>, vector<16xi32>,
          %lt3A_188 = arith.cmpi slt, %add3A_153, %min3A_11 : i32
          %broadcast_in_dim3A_189 = vector.broadcast %lt3A_188 : i1 to vector<16xi1>
          %select_n3A_190 = arith.select %broadcast_in_dim3A_189, %get3A_185, %get3A_187 : vector<16xi1>, vector<16xi32>
          %eq3A_191 = vector.broadcast %sub3A_183 : i32 to vector<16xi32>
          %eq3A_192 = arith.cmpi eq, %iota3A, %eq3A_191 : vector<16xi32>
          %jit3A_193 = arith.constant 0 : i32
          %broadcast_in_dim3A_194 = vector.broadcast %jit3A_193 : i32 to vector<16xi32>
          %select_n3A_195 = arith.select %eq3A_192, %select_n3A_190, %broadcast_in_dim3A_194 : vector<16xi1>, vector<16xi32>
          %reduce_sum3A_196 = arith.constant true
          %reduce_sum3A_197 = vector.broadcast %reduce_sum3A_196 : i1 to vector<16xi1>
          %reduce_sum3A_198 = tpu.scan <sum>, %select_n3A_195 masked %reduce_sum3A_197 : vector<16xi32>, vector<16xi1> -> vector<16xi32>
          %reduce_sum3A_199 = vector.extract %reduce_sum3A_198[15] : i32 from vector<16xi32>
          %jit3A_200 = arith.constant 50176 : i32
          %div3A_201 = arith.divsi %reduce_sum3A_199, %jit3A_200 : i32
          %sign3A_202 = arith.constant 0 : i32
          %sign3A_203 = arith.cmpi sgt, %reduce_sum3A_199, %sign3A_202 : i32
          %sign3A_204 = arith.extui %sign3A_203 : i1 to i32
          %sign3A_205 = arith.constant 0 : i32
          %sign3A_206 = arith.cmpi slt, %reduce_sum3A_199, %sign3A_205 : i32
          %sign3A_207 = arith.extui %sign3A_206 : i1 to i32
          %sign3A_208 = arith.subi %sign3A_204, %sign3A_207 : i32
          %sign3A_209 = arith.constant 0 : i32
          %sign3A_210 = arith.cmpi sgt, %jit3A_200, %sign3A_209 : i32
          %sign3A_211 = arith.extui %sign3A_210 : i1 to i32
          %sign3A_212 = arith.constant 0 : i32
          %sign3A_213 = arith.cmpi slt, %jit3A_200, %sign3A_212 : i32
          %sign3A_214 = arith.extui %sign3A_213 : i1 to i32
          %sign3A_215 = arith.subi %sign3A_211, %sign3A_214 : i32
          %ne3A_216 = arith.cmpi ne, %sign3A_208, %sign3A_215 : i32
          %rem3A_217 = arith.remsi %reduce_sum3A_199, %jit3A_200 : i32
          %ne3A_218 = arith.constant 0 : i32
          %ne3A_219 = arith.cmpi ne, %rem3A_217, %ne3A_218 : i32
          %and3A_220 = arith.andi %ne3A_216, %ne3A_219 : i1
          %sub3A_221 = arith.constant 1 : i32
          %sub3A_222 = arith.subi %div3A_201, %sub3A_221 : i32
          %select_n3A_223 = arith.select %and3A_220, %sub3A_222, %div3A_201 : i32
          %mul3A_224 = arith.constant 50176 : i32
          %mul3A_225 = arith.muli %select_n3A_223, %mul3A_224 : i32
          %sub3A_226 = arith.subi %reduce_sum3A_199, %mul3A_225 : i32
          %jit3A_227 = arith.constant 224 : i32
          %div3A_228 = arith.divsi %sub3A_226, %jit3A_227 : i32
          %sign3A_229 = arith.constant 0 : i32
          %sign3A_230 = arith.cmpi sgt, %sub3A_226, %sign3A_229 : i32
          %sign3A_231 = arith.extui %sign3A_230 : i1 to i32
          %sign3A_232 = arith.constant 0 : i32
          %sign3A_233 = arith.cmpi slt, %sub3A_226, %sign3A_232 : i32
          %sign3A_234 = arith.extui %sign3A_233 : i1 to i32
          %sign3A_235 = arith.subi %sign3A_231, %sign3A_234 : i32
          %sign3A_236 = arith.constant 0 : i32
          %sign3A_237 = arith.cmpi sgt, %jit3A_227, %sign3A_236 : i32
          %sign3A_238 = arith.extui %sign3A_237 : i1 to i32
          %sign3A_239 = arith.constant 0 : i32
          %sign3A_240 = arith.cmpi slt, %jit3A_227, %sign3A_239 : i32
          %sign3A_241 = arith.extui %sign3A_240 : i1 to i32
          %sign3A_242 = arith.subi %sign3A_238, %sign3A_241 : i32
          %ne3A_243 = arith.cmpi ne, %sign3A_235, %sign3A_242 : i32
          %rem3A_244 = arith.remsi %sub3A_226, %jit3A_227 : i32
          %ne3A_245 = arith.constant 0 : i32
          %ne3A_246 = arith.cmpi ne, %rem3A_244, %ne3A_245 : i32
          %and3A_247 = arith.andi %ne3A_243, %ne3A_246 : i1
          %sub3A_248 = arith.constant 1 : i32
          %sub3A_249 = arith.subi %div3A_228, %sub3A_248 : i32
          %select_n3A_250 = arith.select %and3A_247, %sub3A_249, %div3A_228 : i32
          %mul3A_251 = arith.constant 224 : i32
          %mul3A_252 = arith.muli %select_n3A_250, %mul3A_251 : i32
          %sub3A_253 = arith.subi %sub3A_226, %mul3A_252 : i32
          %add3A_254 = vector.broadcast %select_n3A_250 : i32 to vector<16xi32>
          %add3A_255 = arith.addi %add3A_254, %sub3A_52 : vector<16xi32>
          %add3A_256 = vector.broadcast %sub3A_253 : i32 to vector<16xi32>
          %add3A_257 = arith.addi %add3A_256, %sub3A_76 : vector<16xi32>
          %ge3A = arith.constant 0 : i32
          %ge3A_258 = vector.broadcast %ge3A : i32 to vector<16xi32>
          %ge3A_259 = arith.cmpi sge, %add3A_255, %ge3A_258 : vector<16xi32>
          %and3A_260 = arith.andi %lt3A_79, %ge3A_259 : vector<16xi1>
          %lt3A_261 = arith.constant 224 : i32
          %lt3A_262 = vector.broadcast %lt3A_261 : i32 to vector<16xi32>
          %lt3A_263 = arith.cmpi slt, %add3A_255, %lt3A_262 : vector<16xi32>
          %and3A_264 = arith.andi %and3A_260, %lt3A_263 : vector<16xi1>
          %ge3A_265 = arith.constant 0 : i32
          %ge3A_266 = vector.broadcast %ge3A_265 : i32 to vector<16xi32>
          %ge3A_267 = arith.cmpi sge, %add3A_257, %ge3A_266 : vector<16xi32>
          %and3A_268 = arith.andi %and3A_264, %ge3A_267 : vector<16xi1>
          %lt3A_269 = arith.constant 224 : i32
          %lt3A_270 = vector.broadcast %lt3A_269 : i32 to vector<16xi32>
          %lt3A_271 = arith.cmpi slt, %add3A_257, %lt3A_270 : vector<16xi32>
          %and3A_272 = arith.andi %and3A_268, %lt3A_271 : vector<16xi1>
          %jit3A_273 = arith.constant 0 : i32
          %jit3A_274 = arith.constant 223 : i32
          %max3A = vector.broadcast %jit3A_273 : i32 to vector<16xi32>
          %max3A_275 = arith.maxsi %max3A, %add3A_255 : vector<16xi32>
          %min3A_276 = vector.broadcast %jit3A_274 : i32 to vector<16xi32>
          %min3A_277 = arith.minsi %min3A_276, %max3A_275 : vector<16xi32>
          %jit3A_278 = arith.constant 0 : i32
          %jit3A_279 = arith.constant 223 : i32
          %max3A_280 = vector.broadcast %jit3A_278 : i32 to vector<16xi32>
          %max3A_281 = arith.maxsi %max3A_280, %add3A_257 : vector<16xi32>
          %min3A_282 = vector.broadcast %jit3A_279 : i32 to vector<16xi32>
          %min3A_283 = arith.minsi %min3A_282, %max3A_281 : vector<16xi32>
          %mul3A_284 = arith.constant 224 : i32
          %mul3A_285 = vector.broadcast %mul3A_284 : i32 to vector<16xi32>
          %mul3A_286 = arith.muli %min3A_277, %mul3A_285 : vector<16xi32>
          %add3A_287 = vector.broadcast %mul3A_225 : i32 to vector<16xi32>
          %add3A_288 = arith.addi %add3A_287, %mul3A_286 : vector<16xi32>
          %add3A_289 = arith.addi %add3A_288, %min3A_283 : vector<16xi32>
          %broadcast_in_dim3A_290 = vector.broadcast %reduce_sum3A_199 : i32 to vector<16xi32>
          %select_n3A_291 = arith.select %and3A_272, %add3A_289, %broadcast_in_dim3A_290 : vector<16xi1>, vector<16xi32>
          %swap3A = arith.index_cast %while3A_152 : i32 to index
          %swap3A_292 = arith.constant 0 : index
          %swap3A_293 = tpu.vector_load %arg11[%swap3A, %swap3A_292] {strides = array<i32>} : memref<256x16xi32, #tpu.memory_space<vmem>>, vector<16xi32>,
          tpu.vector_store %arg11[%swap3A, %swap3A_292], %select_n3A_291 {strides = array<i32>} : memref<256x16xi32, #tpu.memory_space<vmem>>, vector<16xi32>,
          %dma_start3A = arith.constant 0 : i32
          %dma_start3A_294 = tpu.memref_slice %arg12[%while3A_152, %dma_start3A] : memref<256x16xf32, #tpu.memory_space<vmem>> -> memref<1x16xf32, #tpu.memory_space<vmem>>
          %dma_start3A_295 = tpu.memref_squeeze %dma_start3A_294 : memref<1x16xf32, #tpu.memory_space<vmem>> -> memref<16xf32, #tpu.memory_space<vmem>>
          %dma_start3A_296 = arith.constant 0 : i32
          %dma_start3A_297 = tpu.memref_slice %arg11[%while3A_152, %dma_start3A_296] : memref<256x16xi32, #tpu.memory_space<vmem>> -> memref<1x16xi32, #tpu.memory_space<vmem>>
          %dma_start3A_298 = tpu.memref_squeeze %dma_start3A_297 : memref<1x16xi32, #tpu.memory_space<vmem>> -> memref<16xi32, #tpu.memory_space<vmem>>
          %dma_start3A_299 = arith.constant 0 : i32
          %dma_start3A_300 = tpu.memref_slice %arg2[%dma_start3A_299] : memref<77070336xf32, #tpu.memory_space<hbm>> -> memref<77070336xf32, #tpu.memory_space<hbm>>
          tpu.enqueue_indirect_dma source(%dma_start3A_300 : memref<77070336xf32, #tpu.memory_space<hbm>>) target(%dma_start3A_295 : memref<16xf32, #tpu.memory_space<vmem>>) offsets(%dma_start3A_298 : memref<16xi32, #tpu.memory_space<vmem>>) semaphore(%arg15 : memref<!tpu.dma_semaphore, #tpu.memory_space<semaphore_mem>>)
        }
        %while3A_131 = arith.constant 1 : i32
        scf.for %while3A_152 = %while3A_129 to %while3A_125 step %while3A_131  : i32 {
          %add3A_153 = arith.addi %mul3A_118, %while3A_152 : i32
          %lt3A_154 = arith.cmpi slt, %add3A_153, %min3A_11 : i32
          %sub3A_155 = arith.subi %add3A_153, %min3A_11 : i32
          %select_n3A_156 = arith.select %lt3A_154, %add3A_153, %sub3A_155 : i32
          %jit3A_157 = arith.constant 16 : i32
          %div3A_158 = arith.divsi %select_n3A_156, %jit3A_157 : i32
          %sign3A_159 = arith.constant 0 : i32
          %sign3A_160 = arith.cmpi sgt, %select_n3A_156, %sign3A_159 : i32
          %sign3A_161 = arith.extui %sign3A_160 : i1 to i32
          %sign3A_162 = arith.constant 0 : i32
          %sign3A_163 = arith.cmpi slt, %select_n3A_156, %sign3A_162 : i32
          %sign3A_164 = arith.extui %sign3A_163 : i1 to i32
          %sign3A_165 = arith.subi %sign3A_161, %sign3A_164 : i32
          %sign3A_166 = arith.constant 0 : i32
          %sign3A_167 = arith.cmpi sgt, %jit3A_157, %sign3A_166 : i32
          %sign3A_168 = arith.extui %sign3A_167 : i1 to i32
          %sign3A_169 = arith.constant 0 : i32
          %sign3A_170 = arith.cmpi slt, %jit3A_157, %sign3A_169 : i32
          %sign3A_171 = arith.extui %sign3A_170 : i1 to i32
          %sign3A_172 = arith.subi %sign3A_168, %sign3A_171 : i32
          %ne3A_173 = arith.cmpi ne, %sign3A_165, %sign3A_172 : i32
          %rem3A_174 = arith.remsi %select_n3A_156, %jit3A_157 : i32
          %ne3A_175 = arith.constant 0 : i32
          %ne3A_176 = arith.cmpi ne, %rem3A_174, %ne3A_175 : i32
          %and3A_177 = arith.andi %ne3A_173, %ne3A_176 : i1
          %sub3A_178 = arith.constant 1 : i32
          %sub3A_179 = arith.subi %div3A_158, %sub3A_178 : i32
          %select_n3A_180 = arith.select %and3A_177, %sub3A_179, %div3A_158 : i32
          %mul3A_181 = arith.constant 16 : i32
          %mul3A_182 = arith.muli %select_n3A_180, %mul3A_181 : i32
          %multiple_of3A = tpu.assume_multiple %mul3A_182, 16 : i32
          %sub3A_183 = arith.subi %select_n3A_156, %multiple_of3A : i32
          %get3A_184 = arith.index_cast %multiple_of3A : i32 to index
          %get3A_185 = tpu.vector_load %arg8[%get3A_184] {strides = array<i32>} : memref<1024xi32, #tpu.memory_space<vmem>>, vector<16xi32>,
          %get3A_186 = arith.index_cast %multiple_of3A : i32 to index
          %get3A_187 = tpu.vector_load %arg9[%get3A_186] {strides = array<i32>} : memref<1024xi32, #tpu.memory_space<vmem>>, vector<16xi32>,
          %lt3A_188 = arith.cmpi slt, %add3A_153, %min3A_11 : i32
          %broadcast_in_dim3A_189 = vector.broadcast %lt3A_188 : i1 to vector<16xi1>
          %select_n3A_190 = arith.select %broadcast_in_dim3A_189, %get3A_185, %get3A_187 : vector<16xi1>, vector<16xi32>
          %eq3A_191 = vector.broadcast %sub3A_183 : i32 to vector<16xi32>
          %eq3A_192 = arith.cmpi eq, %iota3A, %eq3A_191 : vector<16xi32>
          %jit3A_193 = arith.constant 0 : i32
          %broadcast_in_dim3A_194 = vector.broadcast %jit3A_193 : i32 to vector<16xi32>
          %select_n3A_195 = arith.select %eq3A_192, %select_n3A_190, %broadcast_in_dim3A_194 : vector<16xi1>, vector<16xi32>
          %reduce_sum3A_196 = arith.constant true
          %reduce_sum3A_197 = vector.broadcast %reduce_sum3A_196 : i1 to vector<16xi1>
          %reduce_sum3A_198 = tpu.scan <sum>, %select_n3A_195 masked %reduce_sum3A_197 : vector<16xi32>, vector<16xi1> -> vector<16xi32>
          %reduce_sum3A_199 = vector.extract %reduce_sum3A_198[15] : i32 from vector<16xi32>
          %jit3A_200 = arith.constant 50176 : i32
          %div3A_201 = arith.divsi %reduce_sum3A_199, %jit3A_200 : i32
          %sign3A_202 = arith.constant 0 : i32
          %sign3A_203 = arith.cmpi sgt, %reduce_sum3A_199, %sign3A_202 : i32
          %sign3A_204 = arith.extui %sign3A_203 : i1 to i32
          %sign3A_205 = arith.constant 0 : i32
          %sign3A_206 = arith.cmpi slt, %reduce_sum3A_199, %sign3A_205 : i32
          %sign3A_207 = arith.extui %sign3A_206 : i1 to i32
          %sign3A_208 = arith.subi %sign3A_204, %sign3A_207 : i32
          %sign3A_209 = arith.constant 0 : i32
          %sign3A_210 = arith.cmpi sgt, %jit3A_200, %sign3A_209 : i32
          %sign3A_211 = arith.extui %sign3A_210 : i1 to i32
          %sign3A_212 = arith.constant 0 : i32
          %sign3A_213 = arith.cmpi slt, %jit3A_200, %sign3A_212 : i32
          %sign3A_214 = arith.extui %sign3A_213 : i1 to i32
          %sign3A_215 = arith.subi %sign3A_211, %sign3A_214 : i32
          %ne3A_216 = arith.cmpi ne, %sign3A_208, %sign3A_215 : i32
          %rem3A_217 = arith.remsi %reduce_sum3A_199, %jit3A_200 : i32
          %ne3A_218 = arith.constant 0 : i32
          %ne3A_219 = arith.cmpi ne, %rem3A_217, %ne3A_218 : i32
          %and3A_220 = arith.andi %ne3A_216, %ne3A_219 : i1
          %sub3A_221 = arith.constant 1 : i32
          %sub3A_222 = arith.subi %div3A_201, %sub3A_221 : i32
          %select_n3A_223 = arith.select %and3A_220, %sub3A_222, %div3A_201 : i32
          %mul3A_224 = arith.constant 50176 : i32
          %mul3A_225 = arith.muli %select_n3A_223, %mul3A_224 : i32
          %sub3A_226 = arith.subi %reduce_sum3A_199, %mul3A_225 : i32
          %jit3A_227 = arith.constant 224 : i32
          %div3A_228 = arith.divsi %sub3A_226, %jit3A_227 : i32
          %sign3A_229 = arith.constant 0 : i32
          %sign3A_230 = arith.cmpi sgt, %sub3A_226, %sign3A_229 : i32
          %sign3A_231 = arith.extui %sign3A_230 : i1 to i32
          %sign3A_232 = arith.constant 0 : i32
          %sign3A_233 = arith.cmpi slt, %sub3A_226, %sign3A_232 : i32
          %sign3A_234 = arith.extui %sign3A_233 : i1 to i32
          %sign3A_235 = arith.subi %sign3A_231, %sign3A_234 : i32
          %sign3A_236 = arith.constant 0 : i32
          %sign3A_237 = arith.cmpi sgt, %jit3A_227, %sign3A_236 : i32
          %sign3A_238 = arith.extui %sign3A_237 : i1 to i32
          %sign3A_239 = arith.constant 0 : i32
          %sign3A_240 = arith.cmpi slt, %jit3A_227, %sign3A_239 : i32
          %sign3A_241 = arith.extui %sign3A_240 : i1 to i32
          %sign3A_242 = arith.subi %sign3A_238, %sign3A_241 : i32
          %ne3A_243 = arith.cmpi ne, %sign3A_235, %sign3A_242 : i32
          %rem3A_244 = arith.remsi %sub3A_226, %jit3A_227 : i32
          %ne3A_245 = arith.constant 0 : i32
          %ne3A_246 = arith.cmpi ne, %rem3A_244, %ne3A_245 : i32
          %and3A_247 = arith.andi %ne3A_243, %ne3A_246 : i1
          %sub3A_248 = arith.constant 1 : i32
          %sub3A_249 = arith.subi %div3A_228, %sub3A_248 : i32
          %select_n3A_250 = arith.select %and3A_247, %sub3A_249, %div3A_228 : i32
          %mul3A_251 = arith.constant 224 : i32
          %mul3A_252 = arith.muli %select_n3A_250, %mul3A_251 : i32
          %sub3A_253 = arith.subi %sub3A_226, %mul3A_252 : i32
          %add3A_254 = vector.broadcast %select_n3A_250 : i32 to vector<16xi32>
          %add3A_255 = arith.addi %add3A_254, %sub3A_52 : vector<16xi32>
          %add3A_256 = vector.broadcast %sub3A_253 : i32 to vector<16xi32>
          %add3A_257 = arith.addi %add3A_256, %sub3A_76 : vector<16xi32>
          %ge3A = arith.constant 0 : i32
          %ge3A_258 = vector.broadcast %ge3A : i32 to vector<16xi32>
          %ge3A_259 = arith.cmpi sge, %add3A_255, %ge3A_258 : vector<16xi32>
          %and3A_260 = arith.andi %lt3A_79, %ge3A_259 : vector<16xi1>
          %lt3A_261 = arith.constant 224 : i32
          %lt3A_262 = vector.broadcast %lt3A_261 : i32 to vector<16xi32>
          %lt3A_263 = arith.cmpi slt, %add3A_255, %lt3A_262 : vector<16xi32>
          %and3A_264 = arith.andi %and3A_260, %lt3A_263 : vector<16xi1>
          %ge3A_265 = arith.constant 0 : i32
          %ge3A_266 = vector.broadcast %ge3A_265 : i32 to vector<16xi32>
          %ge3A_267 = arith.cmpi sge, %add3A_257, %ge3A_266 : vector<16xi32>
          %and3A_268 = arith.andi %and3A_264, %ge3A_267 : vector<16xi1>
          %lt3A_269 = arith.constant 224 : i32
          %lt3A_270 = vector.broadcast %lt3A_269 : i32 to vector<16xi32>
          %lt3A_271 = arith.cmpi slt, %add3A_257, %lt3A_270 : vector<16xi32>
          %and3A_272 = arith.andi %and3A_268, %lt3A_271 : vector<16xi1>
          %jit3A_273 = arith.constant 0 : i32
          %jit3A_274 = arith.constant 223 : i32
          %max3A = vector.broadcast %jit3A_273 : i32 to vector<16xi32>
          %max3A_275 = arith.maxsi %max3A, %add3A_255 : vector<16xi32>
          %min3A_276 = vector.broadcast %jit3A_274 : i32 to vector<16xi32>
          %min3A_277 = arith.minsi %min3A_276, %max3A_275 : vector<16xi32>
          %jit3A_278 = arith.constant 0 : i32
          %jit3A_279 = arith.constant 223 : i32
          %max3A_280 = vector.broadcast %jit3A_278 : i32 to vector<16xi32>
          %max3A_281 = arith.maxsi %max3A_280, %add3A_257 : vector<16xi32>
          %min3A_282 = vector.broadcast %jit3A_279 : i32 to vector<16xi32>
          %min3A_283 = arith.minsi %min3A_282, %max3A_281 : vector<16xi32>
          %mul3A_284 = arith.constant 224 : i32
          %mul3A_285 = vector.broadcast %mul3A_284 : i32 to vector<16xi32>
          %mul3A_286 = arith.muli %min3A_277, %mul3A_285 : vector<16xi32>
          %add3A_287 = vector.broadcast %mul3A_225 : i32 to vector<16xi32>
          %add3A_288 = arith.addi %add3A_287, %mul3A_286 : vector<16xi32>
          %add3A_289 = arith.addi %add3A_288, %min3A_283 : vector<16xi32>
          %broadcast_in_dim3A_290 = vector.broadcast %reduce_sum3A_199 : i32 to vector<16xi32>
          %select_n3A_291 = arith.select %and3A_272, %add3A_289, %broadcast_in_dim3A_290 : vector<16xi1>, vector<16xi32>
          %swap3A = arith.index_cast %while3A_152 : i32 to index
          %swap3A_292 = arith.constant 0 : index
          %swap3A_293 = tpu.vector_load %arg11[%swap3A, %swap3A_292] {strides = array<i32>} : memref<256x16xi32, #tpu.memory_space<vmem>>, vector<16xi32>,
          tpu.vector_store %arg11[%swap3A, %swap3A_292], %select_n3A_291 {strides = array<i32>} : memref<256x16xi32, #tpu.memory_space<vmem>>, vector<16xi32>,
          %dma_start3A = arith.constant 0 : i32
          %dma_start3A_294 = tpu.memref_slice %arg12[%while3A_152, %dma_start3A] : memref<256x16xf32, #tpu.memory_space<vmem>> -> memref<1x16xf32, #tpu.memory_space<vmem>>
          %dma_start3A_295 = tpu.memref_squeeze %dma_start3A_294 : memref<1x16xf32, #tpu.memory_space<vmem>> -> memref<16xf32, #tpu.memory_space<vmem>>
          %dma_start3A_296 = arith.constant 0 : i32
          %dma_start3A_297 = tpu.memref_slice %arg11[%while3A_152, %dma_start3A_296] : memref<256x16xi32, #tpu.memory_space<vmem>> -> memref<1x16xi32, #tpu.memory_space<vmem>>
          %dma_start3A_298 = tpu.memref_squeeze %dma_start3A_297 : memref<1x16xi32, #tpu.memory_space<vmem>> -> memref<16xi32, #tpu.memory_space<vmem>>
          %dma_start3A_299 = arith.constant 0 : i32
          %dma_start3A_300 = tpu.memref_slice %arg2[%dma_start3A_299] : memref<77070336xf32, #tpu.memory_space<hbm>> -> memref<77070336xf32, #tpu.memory_space<hbm>>
          tpu.enqueue_indirect_dma source(%dma_start3A_300 : memref<77070336xf32, #tpu.memory_space<hbm>>) target(%dma_start3A_295 : memref<16xf32, #tpu.memory_space<vmem>>) offsets(%dma_start3A_298 : memref<16xi32, #tpu.memory_space<vmem>>) semaphore(%arg15 : memref<!tpu.dma_semaphore, #tpu.memory_space<semaphore_mem>>)
        }
        %while3A_132 = arith.constant 0 : i32
        %while3A_133 = arith.constant 0 : i32
        %while3A_134 = arith.subi %min3A_121, %while3A_133 : i32
        %while3A_135 = arith.addi %while3A_133, %while3A_134 : i32
        %while3A_136 = arith.constant 1 : i32
        %while3A_137 = arith.divsi %while3A_134, %while3A_136 : i32
        %while3A_138 = arith.muli %while3A_137, %while3A_136 : i32
        %while3A_139 = arith.addi %while3A_133, %while3A_138 : i32
        %while3A_140 = arith.constant 1 : i32
        scf.for %while3A_152 = %while3A_133 to %while3A_139 step %while3A_140  : i32 {
          %dma_wait3A = arith.constant 0 : i32
          %dma_wait3A_153 = tpu.memref_slice %arg12[%while3A_152, %dma_wait3A] : memref<256x16xf32, #tpu.memory_space<vmem>> -> memref<1x16xf32, #tpu.memory_space<vmem>>
          %dma_wait3A_154 = tpu.memref_squeeze %dma_wait3A_153 : memref<1x16xf32, #tpu.memory_space<vmem>> -> memref<16xf32, #tpu.memory_space<vmem>>
          %dma_wait3A_155 = arith.constant 0 : i32
          %dma_wait3A_156 = tpu.memref_slice %arg11[%while3A_152, %dma_wait3A_155] : memref<256x16xi32, #tpu.memory_space<vmem>> -> memref<1x16xi32, #tpu.memory_space<vmem>>
          %dma_wait3A_157 = tpu.memref_squeeze %dma_wait3A_156 : memref<1x16xi32, #tpu.memory_space<vmem>> -> memref<16xi32, #tpu.memory_space<vmem>>
          %dma_wait3A_158 = arith.constant 0 : i32
          %dma_wait3A_159 = tpu.memref_slice %arg2[%dma_wait3A_158] : memref<77070336xf32, #tpu.memory_space<hbm>> -> memref<77070336xf32, #tpu.memory_space<hbm>>
          tpu.wait_indirect_dma semaphore(%arg15 : memref<!tpu.dma_semaphore, #tpu.memory_space<semaphore_mem>>) src(%dma_wait3A_159 : memref<77070336xf32, #tpu.memory_space<hbm>>) dst(%dma_wait3A_154 : memref<16xf32, #tpu.memory_space<vmem>>)
        }
        %while3A_141 = arith.constant 1 : i32
        scf.for %while3A_152 = %while3A_139 to %while3A_135 step %while3A_141  : i32 {
          %dma_wait3A = arith.constant 0 : i32
          %dma_wait3A_153 = tpu.memref_slice %arg12[%while3A_152, %dma_wait3A] : memref<256x16xf32, #tpu.memory_space<vmem>> -> memref<1x16xf32, #tpu.memory_space<vmem>>
          %dma_wait3A_154 = tpu.memref_squeeze %dma_wait3A_153 : memref<1x16xf32, #tpu.memory_space<vmem>> -> memref<16xf32, #tpu.memory_space<vmem>>
          %dma_wait3A_155 = arith.constant 0 : i32
          %dma_wait3A_156 = tpu.memref_slice %arg11[%while3A_152, %dma_wait3A_155] : memref<256x16xi32, #tpu.memory_space<vmem>> -> memref<1x16xi32, #tpu.memory_space<vmem>>
          %dma_wait3A_157 = tpu.memref_squeeze %dma_wait3A_156 : memref<1x16xi32, #tpu.memory_space<vmem>> -> memref<16xi32, #tpu.memory_space<vmem>>
          %dma_wait3A_158 = arith.constant 0 : i32
          %dma_wait3A_159 = tpu.memref_slice %arg2[%dma_wait3A_158] : memref<77070336xf32, #tpu.memory_space<hbm>> -> memref<77070336xf32, #tpu.memory_space<hbm>>
          tpu.wait_indirect_dma semaphore(%arg15 : memref<!tpu.dma_semaphore, #tpu.memory_space<semaphore_mem>>) src(%dma_wait3A_159 : memref<77070336xf32, #tpu.memory_space<hbm>>) dst(%dma_wait3A_154 : memref<16xf32, #tpu.memory_space<vmem>>)
        }
        %add3A_142 = arith.addi %mul3A_118, %min3A_121 : i32
        %while3A_143 = arith.constant 0 : i32
        %while3A_144 = arith.subi %add3A_142, %mul3A_118 : i32
        %while3A_145 = arith.addi %mul3A_118, %while3A_144 : i32
        %while3A_146 = arith.constant 1 : i32
        %while3A_147 = arith.divsi %while3A_144, %while3A_146 : i32
        %while3A_148 = arith.muli %while3A_147, %while3A_146 : i32
        %while3A_149 = arith.addi %mul3A_118, %while3A_148 : i32
        %while3A_150 = arith.constant 1 : i32
        scf.for %while3A_152 = %mul3A_118 to %while3A_149 step %while3A_150  : i32 {
          %lt3A_153 = arith.cmpi slt, %while3A_152, %min3A_11 : i32
          %sub3A_154 = arith.subi %while3A_152, %min3A_11 : i32
          %select_n3A_155 = arith.select %lt3A_153, %while3A_152, %sub3A_154 : i32
          %jit3A_156 = arith.constant 16 : i32
          %div3A_157 = arith.divsi %select_n3A_155, %jit3A_156 : i32
          %sign3A_158 = arith.constant 0 : i32
          %sign3A_159 = arith.cmpi sgt, %select_n3A_155, %sign3A_158 : i32
          %sign3A_160 = arith.extui %sign3A_159 : i1 to i32
          %sign3A_161 = arith.constant 0 : i32
          %sign3A_162 = arith.cmpi slt, %select_n3A_155, %sign3A_161 : i32
          %sign3A_163 = arith.extui %sign3A_162 : i1 to i32
          %sign3A_164 = arith.subi %sign3A_160, %sign3A_163 : i32
          %sign3A_165 = arith.constant 0 : i32
          %sign3A_166 = arith.cmpi sgt, %jit3A_156, %sign3A_165 : i32
          %sign3A_167 = arith.extui %sign3A_166 : i1 to i32
          %sign3A_168 = arith.constant 0 : i32
          %sign3A_169 = arith.cmpi slt, %jit3A_156, %sign3A_168 : i32
          %sign3A_170 = arith.extui %sign3A_169 : i1 to i32
          %sign3A_171 = arith.subi %sign3A_167, %sign3A_170 : i32
          %ne3A_172 = arith.cmpi ne, %sign3A_164, %sign3A_171 : i32
          %rem3A_173 = arith.remsi %select_n3A_155, %jit3A_156 : i32
          %ne3A_174 = arith.constant 0 : i32
          %ne3A_175 = arith.cmpi ne, %rem3A_173, %ne3A_174 : i32
          %and3A_176 = arith.andi %ne3A_172, %ne3A_175 : i1
          %sub3A_177 = arith.constant 1 : i32
          %sub3A_178 = arith.subi %div3A_157, %sub3A_177 : i32
          %select_n3A_179 = arith.select %and3A_176, %sub3A_178, %div3A_157 : i32
          %mul3A_180 = arith.constant 16 : i32
          %mul3A_181 = arith.muli %select_n3A_179, %mul3A_180 : i32
          %multiple_of3A = tpu.assume_multiple %mul3A_181, 16 : i32
          %sub3A_182 = arith.subi %select_n3A_155, %multiple_of3A : i32
          %get3A_183 = arith.index_cast %multiple_of3A : i32 to index
          %get3A_184 = tpu.vector_load %arg8[%get3A_183] {strides = array<i32>} : memref<1024xi32, #tpu.memory_space<vmem>>, vector<16xi32>,
          %get3A_185 = arith.index_cast %multiple_of3A : i32 to index
          %get3A_186 = tpu.vector_load %arg9[%get3A_185] {strides = array<i32>} : memref<1024xi32, #tpu.memory_space<vmem>>, vector<16xi32>,
          %lt3A_187 = arith.cmpi slt, %while3A_152, %min3A_11 : i32
          %broadcast_in_dim3A_188 = vector.broadcast %lt3A_187 : i1 to vector<16xi1>
          %select_n3A_189 = arith.select %broadcast_in_dim3A_188, %get3A_184, %get3A_186 : vector<16xi1>, vector<16xi32>
          %eq3A_190 = vector.broadcast %sub3A_182 : i32 to vector<16xi32>
          %eq3A_191 = arith.cmpi eq, %iota3A, %eq3A_190 : vector<16xi32>
          %jit3A_192 = arith.constant 0 : i32
          %broadcast_in_dim3A_193 = vector.broadcast %jit3A_192 : i32 to vector<16xi32>
          %select_n3A_194 = arith.select %eq3A_191, %select_n3A_189, %broadcast_in_dim3A_193 : vector<16xi1>, vector<16xi32>
          %reduce_sum3A_195 = arith.constant true
          %reduce_sum3A_196 = vector.broadcast %reduce_sum3A_195 : i1 to vector<16xi1>
          %reduce_sum3A_197 = tpu.scan <sum>, %select_n3A_194 masked %reduce_sum3A_196 : vector<16xi32>, vector<16xi1> -> vector<16xi32>
          %reduce_sum3A_198 = vector.extract %reduce_sum3A_197[15] : i32 from vector<16xi32>
          %jit3A_199 = arith.constant 50176 : i32
          %div3A_200 = arith.divsi %reduce_sum3A_198, %jit3A_199 : i32
          %sign3A_201 = arith.constant 0 : i32
          %sign3A_202 = arith.cmpi sgt, %reduce_sum3A_198, %sign3A_201 : i32
          %sign3A_203 = arith.extui %sign3A_202 : i1 to i32
          %sign3A_204 = arith.constant 0 : i32
          %sign3A_205 = arith.cmpi slt, %reduce_sum3A_198, %sign3A_204 : i32
          %sign3A_206 = arith.extui %sign3A_205 : i1 to i32
          %sign3A_207 = arith.subi %sign3A_203, %sign3A_206 : i32
          %sign3A_208 = arith.constant 0 : i32
          %sign3A_209 = arith.cmpi sgt, %jit3A_199, %sign3A_208 : i32
          %sign3A_210 = arith.extui %sign3A_209 : i1 to i32
          %sign3A_211 = arith.constant 0 : i32
          %sign3A_212 = arith.cmpi slt, %jit3A_199, %sign3A_211 : i32
          %sign3A_213 = arith.extui %sign3A_212 : i1 to i32
          %sign3A_214 = arith.subi %sign3A_210, %sign3A_213 : i32
          %ne3A_215 = arith.cmpi ne, %sign3A_207, %sign3A_214 : i32
          %rem3A_216 = arith.remsi %reduce_sum3A_198, %jit3A_199 : i32
          %ne3A_217 = arith.constant 0 : i32
          %ne3A_218 = arith.cmpi ne, %rem3A_216, %ne3A_217 : i32
          %and3A_219 = arith.andi %ne3A_215, %ne3A_218 : i1
          %sub3A_220 = arith.constant 1 : i32
          %sub3A_221 = arith.subi %div3A_200, %sub3A_220 : i32
          %select_n3A_222 = arith.select %and3A_219, %sub3A_221, %div3A_200 : i32
          %mul3A_223 = arith.constant 50176 : i32
          %mul3A_224 = arith.muli %select_n3A_222, %mul3A_223 : i32
          %sub3A_225 = arith.subi %reduce_sum3A_198, %mul3A_224 : i32
          %jit3A_226 = arith.constant 224 : i32
          %div3A_227 = arith.divsi %sub3A_225, %jit3A_226 : i32
          %sign3A_228 = arith.constant 0 : i32
          %sign3A_229 = arith.cmpi sgt, %sub3A_225, %sign3A_228 : i32
          %sign3A_230 = arith.extui %sign3A_229 : i1 to i32
          %sign3A_231 = arith.constant 0 : i32
          %sign3A_232 = arith.cmpi slt, %sub3A_225, %sign3A_231 : i32
          %sign3A_233 = arith.extui %sign3A_232 : i1 to i32
          %sign3A_234 = arith.subi %sign3A_230, %sign3A_233 : i32
          %sign3A_235 = arith.constant 0 : i32
          %sign3A_236 = arith.cmpi sgt, %jit3A_226, %sign3A_235 : i32
          %sign3A_237 = arith.extui %sign3A_236 : i1 to i32
          %sign3A_238 = arith.constant 0 : i32
          %sign3A_239 = arith.cmpi slt, %jit3A_226, %sign3A_238 : i32
          %sign3A_240 = arith.extui %sign3A_239 : i1 to i32
          %sign3A_241 = arith.subi %sign3A_237, %sign3A_240 : i32
          %ne3A_242 = arith.cmpi ne, %sign3A_234, %sign3A_241 : i32
          %rem3A_243 = arith.remsi %sub3A_225, %jit3A_226 : i32
          %ne3A_244 = arith.constant 0 : i32
          %ne3A_245 = arith.cmpi ne, %rem3A_243, %ne3A_244 : i32
          %and3A_246 = arith.andi %ne3A_242, %ne3A_245 : i1
          %sub3A_247 = arith.constant 1 : i32
          %sub3A_248 = arith.subi %div3A_227, %sub3A_247 : i32
          %select_n3A_249 = arith.select %and3A_246, %sub3A_248, %div3A_227 : i32
          %mul3A_250 = arith.constant 224 : i32
          %mul3A_251 = arith.muli %select_n3A_249, %mul3A_250 : i32
          %sub3A_252 = arith.subi %sub3A_225, %mul3A_251 : i32
          %add3A_253 = vector.broadcast %select_n3A_249 : i32 to vector<16xi32>
          %add3A_254 = arith.addi %add3A_253, %sub3A_52 : vector<16xi32>
          %add3A_255 = vector.broadcast %sub3A_252 : i32 to vector<16xi32>
          %add3A_256 = arith.addi %add3A_255, %sub3A_76 : vector<16xi32>
          %ge3A = arith.constant 0 : i32
          %ge3A_257 = vector.broadcast %ge3A : i32 to vector<16xi32>
          %ge3A_258 = arith.cmpi sge, %add3A_254, %ge3A_257 : vector<16xi32>
          %and3A_259 = arith.andi %lt3A_79, %ge3A_258 : vector<16xi1>
          %lt3A_260 = arith.constant 224 : i32
          %lt3A_261 = vector.broadcast %lt3A_260 : i32 to vector<16xi32>
          %lt3A_262 = arith.cmpi slt, %add3A_254, %lt3A_261 : vector<16xi32>
          %and3A_263 = arith.andi %and3A_259, %lt3A_262 : vector<16xi1>
          %ge3A_264 = arith.constant 0 : i32
          %ge3A_265 = vector.broadcast %ge3A_264 : i32 to vector<16xi32>
          %ge3A_266 = arith.cmpi sge, %add3A_256, %ge3A_265 : vector<16xi32>
          %and3A_267 = arith.andi %and3A_263, %ge3A_266 : vector<16xi1>
          %lt3A_268 = arith.constant 224 : i32
          %lt3A_269 = vector.broadcast %lt3A_268 : i32 to vector<16xi32>
          %lt3A_270 = arith.cmpi slt, %add3A_256, %lt3A_269 : vector<16xi32>
          %and3A_271 = arith.andi %and3A_267, %lt3A_270 : vector<16xi1>
          %jit3A_272 = arith.constant 0 : i32
          %jit3A_273 = arith.constant 223 : i32
          %max3A = vector.broadcast %jit3A_272 : i32 to vector<16xi32>
          %max3A_274 = arith.maxsi %max3A, %add3A_254 : vector<16xi32>
          %min3A_275 = vector.broadcast %jit3A_273 : i32 to vector<16xi32>
          %min3A_276 = arith.minsi %min3A_275, %max3A_274 : vector<16xi32>
          %jit3A_277 = arith.constant 0 : i32
          %jit3A_278 = arith.constant 223 : i32
          %max3A_279 = vector.broadcast %jit3A_277 : i32 to vector<16xi32>
          %max3A_280 = arith.maxsi %max3A_279, %add3A_256 : vector<16xi32>
          %min3A_281 = vector.broadcast %jit3A_278 : i32 to vector<16xi32>
          %min3A_282 = arith.minsi %min3A_281, %max3A_280 : vector<16xi32>
          %mul3A_283 = arith.constant 224 : i32
          %mul3A_284 = vector.broadcast %mul3A_283 : i32 to vector<16xi32>
          %mul3A_285 = arith.muli %min3A_276, %mul3A_284 : vector<16xi32>
          %add3A_286 = vector.broadcast %mul3A_224 : i32 to vector<16xi32>
          %add3A_287 = arith.addi %add3A_286, %mul3A_285 : vector<16xi32>
          %add3A_288 = arith.addi %add3A_287, %min3A_282 : vector<16xi32>
          %broadcast_in_dim3A_289 = vector.broadcast %reduce_sum3A_198 : i32 to vector<16xi32>
          %select_n3A_290 = arith.select %and3A_271, %add3A_288, %broadcast_in_dim3A_289 : vector<16xi1>, vector<16xi32>
          %jit3A_291 = arith.constant 256 : i32
          %div3A_292 = arith.divsi %while3A_152, %jit3A_291 : i32
          %sign3A_293 = arith.constant 0 : i32
          %sign3A_294 = arith.cmpi sgt, %while3A_152, %sign3A_293 : i32
          %sign3A_295 = arith.extui %sign3A_294 : i1 to i32
          %sign3A_296 = arith.constant 0 : i32
          %sign3A_297 = arith.cmpi slt, %while3A_152, %sign3A_296 : i32
          %sign3A_298 = arith.extui %sign3A_297 : i1 to i32
          %sign3A_299 = arith.subi %sign3A_295, %sign3A_298 : i32
          %sign3A_300 = arith.constant 0 : i32
          %sign3A_301 = arith.cmpi sgt, %jit3A_291, %sign3A_300 : i32
          %sign3A_302 = arith.extui %sign3A_301 : i1 to i32
          %sign3A_303 = arith.constant 0 : i32
          %sign3A_304 = arith.cmpi slt, %jit3A_291, %sign3A_303 : i32
          %sign3A_305 = arith.extui %sign3A_304 : i1 to i32
          %sign3A_306 = arith.subi %sign3A_302, %sign3A_305 : i32
          %ne3A_307 = arith.cmpi ne, %sign3A_299, %sign3A_306 : i32
          %rem3A_308 = arith.remsi %while3A_152, %jit3A_291 : i32
          %ne3A_309 = arith.constant 0 : i32
          %ne3A_310 = arith.cmpi ne, %rem3A_308, %ne3A_309 : i32
          %and3A_311 = arith.andi %ne3A_307, %ne3A_310 : i1
          %sub3A_312 = arith.constant 1 : i32
          %sub3A_313 = arith.subi %div3A_292, %sub3A_312 : i32
          %select_n3A_314 = arith.select %and3A_311, %sub3A_313, %div3A_292 : i32
          %mul3A_315 = arith.constant 256 : i32
          %mul3A_316 = arith.muli %select_n3A_314, %mul3A_315 : i32
          %sub3A_317 = arith.subi %while3A_152, %mul3A_316 : i32
          %get3A_318 = arith.index_cast %sub3A_317 : i32 to index
          %get3A_319 = arith.constant 0 : index
          %get3A_320 = tpu.vector_load %arg12[%get3A_318, %get3A_319] {strides = array<i32>} : memref<256x16xf32, #tpu.memory_space<vmem>>, vector<16xf32>,
          %while3A_321 = arith.constant 0 : i32
          %while3A_322 = arith.subi %while3A_152, %while3A_321 : i32
          %while3A_323 = arith.addi %while3A_321, %while3A_322 : i32
          %while3A_324 = arith.constant 1 : i32
          %while3A_325 = arith.divsi %while3A_322, %while3A_324 : i32
          %while3A_326 = arith.muli %while3A_325, %while3A_324 : i32
          %while3A_327 = arith.addi %while3A_321, %while3A_326 : i32
          %while3A_328 = arith.constant 1 : i32
          %while3A_329 = scf.for %while3A_425 = %while3A_321 to %while3A_327 step %while3A_328 iter_args(%while3A_426 = %get3A_320) -> (vector<16xf32>)  : i32 {
            %jit3A_427 = arith.constant 16 : i32
            %div3A_428 = arith.divsi %while3A_425, %jit3A_427 : i32
            %sign3A_429 = arith.constant 0 : i32
            %sign3A_430 = arith.cmpi sgt, %while3A_425, %sign3A_429 : i32
            %sign3A_431 = arith.extui %sign3A_430 : i1 to i32
            %sign3A_432 = arith.constant 0 : i32
            %sign3A_433 = arith.cmpi slt, %while3A_425, %sign3A_432 : i32
            %sign3A_434 = arith.extui %sign3A_433 : i1 to i32
            %sign3A_435 = arith.subi %sign3A_431, %sign3A_434 : i32
            %sign3A_436 = arith.constant 0 : i32
            %sign3A_437 = arith.cmpi sgt, %jit3A_427, %sign3A_436 : i32
            %sign3A_438 = arith.extui %sign3A_437 : i1 to i32
            %sign3A_439 = arith.constant 0 : i32
            %sign3A_440 = arith.cmpi slt, %jit3A_427, %sign3A_439 : i32
            %sign3A_441 = arith.extui %sign3A_440 : i1 to i32
            %sign3A_442 = arith.subi %sign3A_438, %sign3A_441 : i32
            %ne3A_443 = arith.cmpi ne, %sign3A_435, %sign3A_442 : i32
            %rem3A_444 = arith.remsi %while3A_425, %jit3A_427 : i32
            %ne3A_445 = arith.constant 0 : i32
            %ne3A_446 = arith.cmpi ne, %rem3A_444, %ne3A_445 : i32
            %and3A_447 = arith.andi %ne3A_443, %ne3A_446 : i1
            %sub3A_448 = arith.constant 1 : i32
            %sub3A_449 = arith.subi %div3A_428, %sub3A_448 : i32
            %select_n3A_450 = arith.select %and3A_447, %sub3A_449, %div3A_428 : i32
            %mul3A_451 = arith.constant 16 : i32
            %mul3A_452 = arith.muli %select_n3A_450, %mul3A_451 : i32
            %multiple_of3A_453 = tpu.assume_multiple %mul3A_452, 16 : i32
            %sub3A_454 = arith.subi %while3A_425, %multiple_of3A_453 : i32
            %get3A_455 = arith.index_cast %multiple_of3A_453 : i32 to index
            %get3A_456 = tpu.vector_load %arg13[%get3A_455] {strides = array<i32>} : memref<2048xi32, #tpu.memory_space<vmem>>, vector<16xi32>,
            %get3A_457 = arith.index_cast %multiple_of3A_453 : i32 to index
            %get3A_458 = tpu.vector_load %arg14[%get3A_457] {strides = array<i32>} : memref<2048xf32, #tpu.memory_space<vmem>>, vector<16xf32>,
            %eq3A_459 = vector.broadcast %sub3A_454 : i32 to vector<16xi32>
            %eq3A_460 = arith.cmpi eq, %iota3A, %eq3A_459 : vector<16xi32>
            %jit3A_461 = arith.constant 0 : i32
            %broadcast_in_dim3A_462 = vector.broadcast %jit3A_461 : i32 to vector<16xi32>
            %select_n3A_463 = arith.select %eq3A_460, %get3A_456, %broadcast_in_dim3A_462 : vector<16xi1>, vector<16xi32>
            %reduce_sum3A_464 = arith.constant true
            %reduce_sum3A_465 = vector.broadcast %reduce_sum3A_464 : i1 to vector<16xi1>
            %reduce_sum3A_466 = tpu.scan <sum>, %select_n3A_463 masked %reduce_sum3A_465 : vector<16xi32>, vector<16xi1> -> vector<16xi32>
            %reduce_sum3A_467 = vector.extract %reduce_sum3A_466[15] : i32 from vector<16xi32>
            %eq3A_468 = vector.broadcast %sub3A_454 : i32 to vector<16xi32>
            %eq3A_469 = arith.cmpi eq, %iota3A, %eq3A_468 : vector<16xi32>
            %jit3A_470 = arith.constant 0.000000e+00 : f32
            %broadcast_in_dim3A_471 = vector.broadcast %jit3A_470 : f32 to vector<16xf32>
            %select_n3A_472 = arith.select %eq3A_469, %get3A_458, %broadcast_in_dim3A_471 : vector<16xi1>, vector<16xf32>
            %reduce_sum3A_473 = arith.constant true
            %reduce_sum3A_474 = vector.broadcast %reduce_sum3A_473 : i1 to vector<16xi1>
            %reduce_sum3A_475 = tpu.scan <sum>, %select_n3A_472 masked %reduce_sum3A_474 : vector<16xf32>, vector<16xi1> -> vector<16xf32>
            %reduce_sum3A_476 = vector.extract %reduce_sum3A_475[15] : f32 from vector<16xf32>
            %eq3A_477 = vector.broadcast %reduce_sum3A_467 : i32 to vector<16xi32>
            %eq3A_478 = arith.cmpi eq, %select_n3A_290, %eq3A_477 : vector<16xi32>
            %broadcast_in_dim3A_479 = vector.broadcast %reduce_sum3A_476 : f32 to vector<16xf32>
            %select_n3A_480 = arith.select %eq3A_478, %broadcast_in_dim3A_479, %while3A_426 : vector<16xi1>, vector<16xf32>
            scf.yield %select_n3A_480 : vector<16xf32>
          }
          %while3A_330 = arith.constant 1 : i32
          %while3A_331 = scf.for %while3A_425 = %while3A_327 to %while3A_323 step %while3A_330 iter_args(%while3A_426 = %while3A_329) -> (vector<16xf32>)  : i32 {
            %jit3A_427 = arith.constant 16 : i32
            %div3A_428 = arith.divsi %while3A_425, %jit3A_427 : i32
            %sign3A_429 = arith.constant 0 : i32
            %sign3A_430 = arith.cmpi sgt, %while3A_425, %sign3A_429 : i32
            %sign3A_431 = arith.extui %sign3A_430 : i1 to i32
            %sign3A_432 = arith.constant 0 : i32
            %sign3A_433 = arith.cmpi slt, %while3A_425, %sign3A_432 : i32
            %sign3A_434 = arith.extui %sign3A_433 : i1 to i32
            %sign3A_435 = arith.subi %sign3A_431, %sign3A_434 : i32
            %sign3A_436 = arith.constant 0 : i32
            %sign3A_437 = arith.cmpi sgt, %jit3A_427, %sign3A_436 : i32
            %sign3A_438 = arith.extui %sign3A_437 : i1 to i32
            %sign3A_439 = arith.constant 0 : i32
            %sign3A_440 = arith.cmpi slt, %jit3A_427, %sign3A_439 : i32
            %sign3A_441 = arith.extui %sign3A_440 : i1 to i32
            %sign3A_442 = arith.subi %sign3A_438, %sign3A_441 : i32
            %ne3A_443 = arith.cmpi ne, %sign3A_435, %sign3A_442 : i32
            %rem3A_444 = arith.remsi %while3A_425, %jit3A_427 : i32
            %ne3A_445 = arith.constant 0 : i32
            %ne3A_446 = arith.cmpi ne, %rem3A_444, %ne3A_445 : i32
            %and3A_447 = arith.andi %ne3A_443, %ne3A_446 : i1
            %sub3A_448 = arith.constant 1 : i32
            %sub3A_449 = arith.subi %div3A_428, %sub3A_448 : i32
            %select_n3A_450 = arith.select %and3A_447, %sub3A_449, %div3A_428 : i32
            %mul3A_451 = arith.constant 16 : i32
            %mul3A_452 = arith.muli %select_n3A_450, %mul3A_451 : i32
            %multiple_of3A_453 = tpu.assume_multiple %mul3A_452, 16 : i32
            %sub3A_454 = arith.subi %while3A_425, %multiple_of3A_453 : i32
            %get3A_455 = arith.index_cast %multiple_of3A_453 : i32 to index
            %get3A_456 = tpu.vector_load %arg13[%get3A_455] {strides = array<i32>} : memref<2048xi32, #tpu.memory_space<vmem>>, vector<16xi32>,
            %get3A_457 = arith.index_cast %multiple_of3A_453 : i32 to index
            %get3A_458 = tpu.vector_load %arg14[%get3A_457] {strides = array<i32>} : memref<2048xf32, #tpu.memory_space<vmem>>, vector<16xf32>,
            %eq3A_459 = vector.broadcast %sub3A_454 : i32 to vector<16xi32>
            %eq3A_460 = arith.cmpi eq, %iota3A, %eq3A_459 : vector<16xi32>
            %jit3A_461 = arith.constant 0 : i32
            %broadcast_in_dim3A_462 = vector.broadcast %jit3A_461 : i32 to vector<16xi32>
            %select_n3A_463 = arith.select %eq3A_460, %get3A_456, %broadcast_in_dim3A_462 : vector<16xi1>, vector<16xi32>
            %reduce_sum3A_464 = arith.constant true
            %reduce_sum3A_465 = vector.broadcast %reduce_sum3A_464 : i1 to vector<16xi1>
            %reduce_sum3A_466 = tpu.scan <sum>, %select_n3A_463 masked %reduce_sum3A_465 : vector<16xi32>, vector<16xi1> -> vector<16xi32>
            %reduce_sum3A_467 = vector.extract %reduce_sum3A_466[15] : i32 from vector<16xi32>
            %eq3A_468 = vector.broadcast %sub3A_454 : i32 to vector<16xi32>
            %eq3A_469 = arith.cmpi eq, %iota3A, %eq3A_468 : vector<16xi32>
            %jit3A_470 = arith.constant 0.000000e+00 : f32
            %broadcast_in_dim3A_471 = vector.broadcast %jit3A_470 : f32 to vector<16xf32>
            %select_n3A_472 = arith.select %eq3A_469, %get3A_458, %broadcast_in_dim3A_471 : vector<16xi1>, vector<16xf32>
            %reduce_sum3A_473 = arith.constant true
            %reduce_sum3A_474 = vector.broadcast %reduce_sum3A_473 : i1 to vector<16xi1>
            %reduce_sum3A_475 = tpu.scan <sum>, %select_n3A_472 masked %reduce_sum3A_474 : vector<16xf32>, vector<16xi1> -> vector<16xf32>
            %reduce_sum3A_476 = vector.extract %reduce_sum3A_475[15] : f32 from vector<16xf32>
            %eq3A_477 = vector.broadcast %reduce_sum3A_467 : i32 to vector<16xi32>
            %eq3A_478 = arith.cmpi eq, %select_n3A_290, %eq3A_477 : vector<16xi32>
            %broadcast_in_dim3A_479 = vector.broadcast %reduce_sum3A_476 : f32 to vector<16xf32>
            %select_n3A_480 = arith.select %eq3A_478, %broadcast_in_dim3A_479, %while3A_426 : vector<16xi1>, vector<16xf32>
            scf.yield %select_n3A_480 : vector<16xf32>
          }
          %jit3A_332 = arith.constant 1 : i32
          %jit3A_333 = arith.constant 0 : i32
          %broadcast_in_dim3A_334 = vector.broadcast %jit3A_332 : i32 to vector<16xi32>
          %broadcast_in_dim3A_335 = vector.broadcast %jit3A_333 : i32 to vector<16xi32>
          %select_n3A_336 = arith.select %and3A_271, %broadcast_in_dim3A_334, %broadcast_in_dim3A_335 : vector<16xi1>, vector<16xi32>
          %reduce_sum3A_337 = arith.constant true
          %reduce_sum3A_338 = vector.broadcast %reduce_sum3A_337 : i1 to vector<16xi1>
          %reduce_sum3A_339 = tpu.scan <sum>, %select_n3A_336 masked %reduce_sum3A_338 : vector<16xi32>, vector<16xi1> -> vector<16xi32>
          %reduce_sum3A_340 = vector.extract %reduce_sum3A_339[15] : i32 from vector<16xi32>
          %eq3A_341 = arith.constant 2 : i32
          %eq3A_342 = arith.cmpi eq, %reduce_sum3A_340, %eq3A_341 : i32
          %jit3A_343 = arith.constant 5.000000e-01 : f32
          %jit3A_344 = arith.constant 1.000000e+00 : f32
          %select_n3A_345 = arith.select %eq3A_342, %jit3A_343, %jit3A_344 : f32
          %eq3A_346 = arith.constant 3 : i32
          %eq3A_347 = arith.cmpi eq, %reduce_sum3A_340, %eq3A_346 : i32
          %jit3A_348 = arith.constant 0.333333343 : f32
          %select_n3A_349 = arith.select %eq3A_347, %jit3A_348, %select_n3A_345 : f32
          %eq3A_350 = arith.constant 4 : i32
          %eq3A_351 = arith.cmpi eq, %reduce_sum3A_340, %eq3A_350 : i32
          %jit3A_352 = arith.constant 2.500000e-01 : f32
          %select_n3A_353 = arith.select %eq3A_351, %jit3A_352, %select_n3A_349 : f32
          %eq3A_354 = arith.constant 5 : i32
          %eq3A_355 = arith.cmpi eq, %reduce_sum3A_340, %eq3A_354 : i32
          %jit3A_356 = arith.constant 2.000000e-01 : f32
          %select_n3A_357 = arith.select %eq3A_355, %jit3A_356, %select_n3A_353 : f32
          %eq3A_358 = arith.constant 6 : i32
          %eq3A_359 = arith.cmpi eq, %reduce_sum3A_340, %eq3A_358 : i32
          %jit3A_360 = arith.constant 0.166666672 : f32
          %select_n3A_361 = arith.select %eq3A_359, %jit3A_360, %select_n3A_357 : f32
          %eq3A_362 = arith.constant 7 : i32
          %eq3A_363 = arith.cmpi eq, %reduce_sum3A_340, %eq3A_362 : i32
          %jit3A_364 = arith.constant 0.142857149 : f32
          %select_n3A_365 = arith.select %eq3A_363, %jit3A_364, %select_n3A_361 : f32
          %eq3A_366 = arith.constant 8 : i32
          %eq3A_367 = arith.cmpi eq, %reduce_sum3A_340, %eq3A_366 : i32
          %jit3A_368 = arith.constant 1.250000e-01 : f32
          %select_n3A_369 = arith.select %eq3A_367, %jit3A_368, %select_n3A_365 : f32
          %eq3A_370 = arith.constant 9 : i32
          %eq3A_371 = arith.cmpi eq, %reduce_sum3A_340, %eq3A_370 : i32
          %jit3A_372 = arith.constant 0.111111112 : f32
          %select_n3A_373 = arith.select %eq3A_371, %jit3A_372, %select_n3A_369 : f32
          %jit3A_374 = arith.constant 0.000000e+00 : f32
          %broadcast_in_dim3A_375 = vector.broadcast %jit3A_374 : f32 to vector<16xf32>
          %select_n3A_376 = arith.select %and3A_271, %while3A_331, %broadcast_in_dim3A_375 : vector<16xi1>, vector<16xf32>
          %reduce_sum3A_377 = arith.constant true
          %reduce_sum3A_378 = vector.broadcast %reduce_sum3A_377 : i1 to vector<16xi1>
          %reduce_sum3A_379 = tpu.scan <sum>, %select_n3A_376 masked %reduce_sum3A_378 : vector<16xf32>, vector<16xi1> -> vector<16xf32>
          %reduce_sum3A_380 = vector.extract %reduce_sum3A_379[15] : f32 from vector<16xf32>
          %mul3A_381 = arith.mulf %reduce_sum3A_380, %select_n3A_373 : f32
          %jit3A_382 = arith.constant 16 : i32
          %div3A_383 = arith.divsi %while3A_152, %jit3A_382 : i32
          %sign3A_384 = arith.constant 0 : i32
          %sign3A_385 = arith.cmpi sgt, %while3A_152, %sign3A_384 : i32
          %sign3A_386 = arith.extui %sign3A_385 : i1 to i32
          %sign3A_387 = arith.constant 0 : i32
          %sign3A_388 = arith.cmpi slt, %while3A_152, %sign3A_387 : i32
          %sign3A_389 = arith.extui %sign3A_388 : i1 to i32
          %sign3A_390 = arith.subi %sign3A_386, %sign3A_389 : i32
          %sign3A_391 = arith.constant 0 : i32
          %sign3A_392 = arith.cmpi sgt, %jit3A_382, %sign3A_391 : i32
          %sign3A_393 = arith.extui %sign3A_392 : i1 to i32
          %sign3A_394 = arith.constant 0 : i32
          %sign3A_395 = arith.cmpi slt, %jit3A_382, %sign3A_394 : i32
          %sign3A_396 = arith.extui %sign3A_395 : i1 to i32
          %sign3A_397 = arith.subi %sign3A_393, %sign3A_396 : i32
          %ne3A_398 = arith.cmpi ne, %sign3A_390, %sign3A_397 : i32
          %rem3A_399 = arith.remsi %while3A_152, %jit3A_382 : i32
          %ne3A_400 = arith.constant 0 : i32
          %ne3A_401 = arith.cmpi ne, %rem3A_399, %ne3A_400 : i32
          %and3A_402 = arith.andi %ne3A_398, %ne3A_401 : i1
          %sub3A_403 = arith.constant 1 : i32
          %sub3A_404 = arith.subi %div3A_383, %sub3A_403 : i32
          %select_n3A_405 = arith.select %and3A_402, %sub3A_404, %div3A_383 : i32
          %mul3A_406 = arith.constant 16 : i32
          %mul3A_407 = arith.muli %select_n3A_405, %mul3A_406 : i32
          %multiple_of3A_408 = tpu.assume_multiple %mul3A_407, 16 : i32
          %sub3A_409 = arith.subi %while3A_152, %multiple_of3A_408 : i32
          %eq3A_410 = vector.broadcast %sub3A_409 : i32 to vector<16xi32>
          %eq3A_411 = arith.cmpi eq, %iota3A, %eq3A_410 : vector<16xi32>
          %get3A_412 = arith.index_cast %multiple_of3A_408 : i32 to index
          %get3A_413 = tpu.vector_load %arg13[%get3A_412] {strides = array<i32>} : memref<2048xi32, #tpu.memory_space<vmem>>, vector<16xi32>,
          %broadcast_in_dim3A_414 = vector.broadcast %reduce_sum3A_198 : i32 to vector<16xi32>
          %select_n3A_415 = arith.select %eq3A_411, %broadcast_in_dim3A_414, %get3A_413 : vector<16xi1>, vector<16xi32>
          %swap3A = arith.index_cast %multiple_of3A_408 : i32 to index
          %swap3A_416 = tpu.vector_load %arg13[%swap3A] {strides = array<i32>} : memref<2048xi32, #tpu.memory_space<vmem>>, vector<16xi32>,
          tpu.vector_store %arg13[%swap3A], %select_n3A_415 {strides = array<i32>} : memref<2048xi32, #tpu.memory_space<vmem>>, vector<16xi32>,
          %eq3A_417 = vector.broadcast %sub3A_409 : i32 to vector<16xi32>
          %eq3A_418 = arith.cmpi eq, %iota3A, %eq3A_417 : vector<16xi32>
          %get3A_419 = arith.index_cast %multiple_of3A_408 : i32 to index
          %get3A_420 = tpu.vector_load %arg14[%get3A_419] {strides = array<i32>} : memref<2048xf32, #tpu.memory_space<vmem>>, vector<16xf32>,
          %broadcast_in_dim3A_421 = vector.broadcast %mul3A_381 : f32 to vector<16xf32>
          %select_n3A_422 = arith.select %eq3A_418, %broadcast_in_dim3A_421, %get3A_420 : vector<16xi1>, vector<16xf32>
          %swap3A_423 = arith.index_cast %multiple_of3A_408 : i32 to index
          %swap3A_424 = tpu.vector_load %arg14[%swap3A_423] {strides = array<i32>} : memref<2048xf32, #tpu.memory_space<vmem>>, vector<16xf32>,
          tpu.vector_store %arg14[%swap3A_423], %select_n3A_422 {strides = array<i32>} : memref<2048xf32, #tpu.memory_space<vmem>>, vector<16xf32>,
        }
        %while3A_151 = arith.constant 1 : i32
        scf.for %while3A_152 = %while3A_149 to %while3A_145 step %while3A_151  : i32 {
          %lt3A_153 = arith.cmpi slt, %while3A_152, %min3A_11 : i32
          %sub3A_154 = arith.subi %while3A_152, %min3A_11 : i32
          %select_n3A_155 = arith.select %lt3A_153, %while3A_152, %sub3A_154 : i32
          %jit3A_156 = arith.constant 16 : i32
          %div3A_157 = arith.divsi %select_n3A_155, %jit3A_156 : i32
          %sign3A_158 = arith.constant 0 : i32
          %sign3A_159 = arith.cmpi sgt, %select_n3A_155, %sign3A_158 : i32
          %sign3A_160 = arith.extui %sign3A_159 : i1 to i32
          %sign3A_161 = arith.constant 0 : i32
          %sign3A_162 = arith.cmpi slt, %select_n3A_155, %sign3A_161 : i32
          %sign3A_163 = arith.extui %sign3A_162 : i1 to i32
          %sign3A_164 = arith.subi %sign3A_160, %sign3A_163 : i32
          %sign3A_165 = arith.constant 0 : i32
          %sign3A_166 = arith.cmpi sgt, %jit3A_156, %sign3A_165 : i32
          %sign3A_167 = arith.extui %sign3A_166 : i1 to i32
          %sign3A_168 = arith.constant 0 : i32
          %sign3A_169 = arith.cmpi slt, %jit3A_156, %sign3A_168 : i32
          %sign3A_170 = arith.extui %sign3A_169 : i1 to i32
          %sign3A_171 = arith.subi %sign3A_167, %sign3A_170 : i32
          %ne3A_172 = arith.cmpi ne, %sign3A_164, %sign3A_171 : i32
          %rem3A_173 = arith.remsi %select_n3A_155, %jit3A_156 : i32
          %ne3A_174 = arith.constant 0 : i32
          %ne3A_175 = arith.cmpi ne, %rem3A_173, %ne3A_174 : i32
          %and3A_176 = arith.andi %ne3A_172, %ne3A_175 : i1
          %sub3A_177 = arith.constant 1 : i32
          %sub3A_178 = arith.subi %div3A_157, %sub3A_177 : i32
          %select_n3A_179 = arith.select %and3A_176, %sub3A_178, %div3A_157 : i32
          %mul3A_180 = arith.constant 16 : i32
          %mul3A_181 = arith.muli %select_n3A_179, %mul3A_180 : i32
          %multiple_of3A = tpu.assume_multiple %mul3A_181, 16 : i32
          %sub3A_182 = arith.subi %select_n3A_155, %multiple_of3A : i32
          %get3A_183 = arith.index_cast %multiple_of3A : i32 to index
          %get3A_184 = tpu.vector_load %arg8[%get3A_183] {strides = array<i32>} : memref<1024xi32, #tpu.memory_space<vmem>>, vector<16xi32>,
          %get3A_185 = arith.index_cast %multiple_of3A : i32 to index
          %get3A_186 = tpu.vector_load %arg9[%get3A_185] {strides = array<i32>} : memref<1024xi32, #tpu.memory_space<vmem>>, vector<16xi32>,
          %lt3A_187 = arith.cmpi slt, %while3A_152, %min3A_11 : i32
          %broadcast_in_dim3A_188 = vector.broadcast %lt3A_187 : i1 to vector<16xi1>
          %select_n3A_189 = arith.select %broadcast_in_dim3A_188, %get3A_184, %get3A_186 : vector<16xi1>, vector<16xi32>
          %eq3A_190 = vector.broadcast %sub3A_182 : i32 to vector<16xi32>
          %eq3A_191 = arith.cmpi eq, %iota3A, %eq3A_190 : vector<16xi32>
          %jit3A_192 = arith.constant 0 : i32
          %broadcast_in_dim3A_193 = vector.broadcast %jit3A_192 : i32 to vector<16xi32>
          %select_n3A_194 = arith.select %eq3A_191, %select_n3A_189, %broadcast_in_dim3A_193 : vector<16xi1>, vector<16xi32>
          %reduce_sum3A_195 = arith.constant true
          %reduce_sum3A_196 = vector.broadcast %reduce_sum3A_195 : i1 to vector<16xi1>
          %reduce_sum3A_197 = tpu.scan <sum>, %select_n3A_194 masked %reduce_sum3A_196 : vector<16xi32>, vector<16xi1> -> vector<16xi32>
          %reduce_sum3A_198 = vector.extract %reduce_sum3A_197[15] : i32 from vector<16xi32>
          %jit3A_199 = arith.constant 50176 : i32
          %div3A_200 = arith.divsi %reduce_sum3A_198, %jit3A_199 : i32
          %sign3A_201 = arith.constant 0 : i32
          %sign3A_202 = arith.cmpi sgt, %reduce_sum3A_198, %sign3A_201 : i32
          %sign3A_203 = arith.extui %sign3A_202 : i1 to i32
          %sign3A_204 = arith.constant 0 : i32
          %sign3A_205 = arith.cmpi slt, %reduce_sum3A_198, %sign3A_204 : i32
          %sign3A_206 = arith.extui %sign3A_205 : i1 to i32
          %sign3A_207 = arith.subi %sign3A_203, %sign3A_206 : i32
          %sign3A_208 = arith.constant 0 : i32
          %sign3A_209 = arith.cmpi sgt, %jit3A_199, %sign3A_208 : i32
          %sign3A_210 = arith.extui %sign3A_209 : i1 to i32
          %sign3A_211 = arith.constant 0 : i32
          %sign3A_212 = arith.cmpi slt, %jit3A_199, %sign3A_211 : i32
          %sign3A_213 = arith.extui %sign3A_212 : i1 to i32
          %sign3A_214 = arith.subi %sign3A_210, %sign3A_213 : i32
          %ne3A_215 = arith.cmpi ne, %sign3A_207, %sign3A_214 : i32
          %rem3A_216 = arith.remsi %reduce_sum3A_198, %jit3A_199 : i32
          %ne3A_217 = arith.constant 0 : i32
          %ne3A_218 = arith.cmpi ne, %rem3A_216, %ne3A_217 : i32
          %and3A_219 = arith.andi %ne3A_215, %ne3A_218 : i1
          %sub3A_220 = arith.constant 1 : i32
          %sub3A_221 = arith.subi %div3A_200, %sub3A_220 : i32
          %select_n3A_222 = arith.select %and3A_219, %sub3A_221, %div3A_200 : i32
          %mul3A_223 = arith.constant 50176 : i32
          %mul3A_224 = arith.muli %select_n3A_222, %mul3A_223 : i32
          %sub3A_225 = arith.subi %reduce_sum3A_198, %mul3A_224 : i32
          %jit3A_226 = arith.constant 224 : i32
          %div3A_227 = arith.divsi %sub3A_225, %jit3A_226 : i32
          %sign3A_228 = arith.constant 0 : i32
          %sign3A_229 = arith.cmpi sgt, %sub3A_225, %sign3A_228 : i32
          %sign3A_230 = arith.extui %sign3A_229 : i1 to i32
          %sign3A_231 = arith.constant 0 : i32
          %sign3A_232 = arith.cmpi slt, %sub3A_225, %sign3A_231 : i32
          %sign3A_233 = arith.extui %sign3A_232 : i1 to i32
          %sign3A_234 = arith.subi %sign3A_230, %sign3A_233 : i32
          %sign3A_235 = arith.constant 0 : i32
          %sign3A_236 = arith.cmpi sgt, %jit3A_226, %sign3A_235 : i32
          %sign3A_237 = arith.extui %sign3A_236 : i1 to i32
          %sign3A_238 = arith.constant 0 : i32
          %sign3A_239 = arith.cmpi slt, %jit3A_226, %sign3A_238 : i32
          %sign3A_240 = arith.extui %sign3A_239 : i1 to i32
          %sign3A_241 = arith.subi %sign3A_237, %sign3A_240 : i32
          %ne3A_242 = arith.cmpi ne, %sign3A_234, %sign3A_241 : i32
          %rem3A_243 = arith.remsi %sub3A_225, %jit3A_226 : i32
          %ne3A_244 = arith.constant 0 : i32
          %ne3A_245 = arith.cmpi ne, %rem3A_243, %ne3A_244 : i32
          %and3A_246 = arith.andi %ne3A_242, %ne3A_245 : i1
          %sub3A_247 = arith.constant 1 : i32
          %sub3A_248 = arith.subi %div3A_227, %sub3A_247 : i32
          %select_n3A_249 = arith.select %and3A_246, %sub3A_248, %div3A_227 : i32
          %mul3A_250 = arith.constant 224 : i32
          %mul3A_251 = arith.muli %select_n3A_249, %mul3A_250 : i32
          %sub3A_252 = arith.subi %sub3A_225, %mul3A_251 : i32
          %add3A_253 = vector.broadcast %select_n3A_249 : i32 to vector<16xi32>
          %add3A_254 = arith.addi %add3A_253, %sub3A_52 : vector<16xi32>
          %add3A_255 = vector.broadcast %sub3A_252 : i32 to vector<16xi32>
          %add3A_256 = arith.addi %add3A_255, %sub3A_76 : vector<16xi32>
          %ge3A = arith.constant 0 : i32
          %ge3A_257 = vector.broadcast %ge3A : i32 to vector<16xi32>
          %ge3A_258 = arith.cmpi sge, %add3A_254, %ge3A_257 : vector<16xi32>
          %and3A_259 = arith.andi %lt3A_79, %ge3A_258 : vector<16xi1>
          %lt3A_260 = arith.constant 224 : i32
          %lt3A_261 = vector.broadcast %lt3A_260 : i32 to vector<16xi32>
          %lt3A_262 = arith.cmpi slt, %add3A_254, %lt3A_261 : vector<16xi32>
          %and3A_263 = arith.andi %and3A_259, %lt3A_262 : vector<16xi1>
          %ge3A_264 = arith.constant 0 : i32
          %ge3A_265 = vector.broadcast %ge3A_264 : i32 to vector<16xi32>
          %ge3A_266 = arith.cmpi sge, %add3A_256, %ge3A_265 : vector<16xi32>
          %and3A_267 = arith.andi %and3A_263, %ge3A_266 : vector<16xi1>
          %lt3A_268 = arith.constant 224 : i32
          %lt3A_269 = vector.broadcast %lt3A_268 : i32 to vector<16xi32>
          %lt3A_270 = arith.cmpi slt, %add3A_256, %lt3A_269 : vector<16xi32>
          %and3A_271 = arith.andi %and3A_267, %lt3A_270 : vector<16xi1>
          %jit3A_272 = arith.constant 0 : i32
          %jit3A_273 = arith.constant 223 : i32
          %max3A = vector.broadcast %jit3A_272 : i32 to vector<16xi32>
          %max3A_274 = arith.maxsi %max3A, %add3A_254 : vector<16xi32>
          %min3A_275 = vector.broadcast %jit3A_273 : i32 to vector<16xi32>
          %min3A_276 = arith.minsi %min3A_275, %max3A_274 : vector<16xi32>
          %jit3A_277 = arith.constant 0 : i32
          %jit3A_278 = arith.constant 223 : i32
          %max3A_279 = vector.broadcast %jit3A_277 : i32 to vector<16xi32>
          %max3A_280 = arith.maxsi %max3A_279, %add3A_256 : vector<16xi32>
          %min3A_281 = vector.broadcast %jit3A_278 : i32 to vector<16xi32>
          %min3A_282 = arith.minsi %min3A_281, %max3A_280 : vector<16xi32>
          %mul3A_283 = arith.constant 224 : i32
          %mul3A_284 = vector.broadcast %mul3A_283 : i32 to vector<16xi32>
          %mul3A_285 = arith.muli %min3A_276, %mul3A_284 : vector<16xi32>
          %add3A_286 = vector.broadcast %mul3A_224 : i32 to vector<16xi32>
          %add3A_287 = arith.addi %add3A_286, %mul3A_285 : vector<16xi32>
          %add3A_288 = arith.addi %add3A_287, %min3A_282 : vector<16xi32>
          %broadcast_in_dim3A_289 = vector.broadcast %reduce_sum3A_198 : i32 to vector<16xi32>
          %select_n3A_290 = arith.select %and3A_271, %add3A_288, %broadcast_in_dim3A_289 : vector<16xi1>, vector<16xi32>
          %jit3A_291 = arith.constant 256 : i32
          %div3A_292 = arith.divsi %while3A_152, %jit3A_291 : i32
          %sign3A_293 = arith.constant 0 : i32
          %sign3A_294 = arith.cmpi sgt, %while3A_152, %sign3A_293 : i32
          %sign3A_295 = arith.extui %sign3A_294 : i1 to i32
          %sign3A_296 = arith.constant 0 : i32
          %sign3A_297 = arith.cmpi slt, %while3A_152, %sign3A_296 : i32
          %sign3A_298 = arith.extui %sign3A_297 : i1 to i32
          %sign3A_299 = arith.subi %sign3A_295, %sign3A_298 : i32
          %sign3A_300 = arith.constant 0 : i32
          %sign3A_301 = arith.cmpi sgt, %jit3A_291, %sign3A_300 : i32
          %sign3A_302 = arith.extui %sign3A_301 : i1 to i32
          %sign3A_303 = arith.constant 0 : i32
          %sign3A_304 = arith.cmpi slt, %jit3A_291, %sign3A_303 : i32
          %sign3A_305 = arith.extui %sign3A_304 : i1 to i32
          %sign3A_306 = arith.subi %sign3A_302, %sign3A_305 : i32
          %ne3A_307 = arith.cmpi ne, %sign3A_299, %sign3A_306 : i32
          %rem3A_308 = arith.remsi %while3A_152, %jit3A_291 : i32
          %ne3A_309 = arith.constant 0 : i32
          %ne3A_310 = arith.cmpi ne, %rem3A_308, %ne3A_309 : i32
          %and3A_311 = arith.andi %ne3A_307, %ne3A_310 : i1
          %sub3A_312 = arith.constant 1 : i32
          %sub3A_313 = arith.subi %div3A_292, %sub3A_312 : i32
          %select_n3A_314 = arith.select %and3A_311, %sub3A_313, %div3A_292 : i32
          %mul3A_315 = arith.constant 256 : i32
          %mul3A_316 = arith.muli %select_n3A_314, %mul3A_315 : i32
          %sub3A_317 = arith.subi %while3A_152, %mul3A_316 : i32
          %get3A_318 = arith.index_cast %sub3A_317 : i32 to index
          %get3A_319 = arith.constant 0 : index
          %get3A_320 = tpu.vector_load %arg12[%get3A_318, %get3A_319] {strides = array<i32>} : memref<256x16xf32, #tpu.memory_space<vmem>>, vector<16xf32>,
          %while3A_321 = arith.constant 0 : i32
          %while3A_322 = arith.subi %while3A_152, %while3A_321 : i32
          %while3A_323 = arith.addi %while3A_321, %while3A_322 : i32
          %while3A_324 = arith.constant 1 : i32
          %while3A_325 = arith.divsi %while3A_322, %while3A_324 : i32
          %while3A_326 = arith.muli %while3A_325, %while3A_324 : i32
          %while3A_327 = arith.addi %while3A_321, %while3A_326 : i32
          %while3A_328 = arith.constant 1 : i32
          %while3A_329 = scf.for %while3A_425 = %while3A_321 to %while3A_327 step %while3A_328 iter_args(%while3A_426 = %get3A_320) -> (vector<16xf32>)  : i32 {
            %jit3A_427 = arith.constant 16 : i32
            %div3A_428 = arith.divsi %while3A_425, %jit3A_427 : i32
            %sign3A_429 = arith.constant 0 : i32
            %sign3A_430 = arith.cmpi sgt, %while3A_425, %sign3A_429 : i32
            %sign3A_431 = arith.extui %sign3A_430 : i1 to i32
            %sign3A_432 = arith.constant 0 : i32
            %sign3A_433 = arith.cmpi slt, %while3A_425, %sign3A_432 : i32
            %sign3A_434 = arith.extui %sign3A_433 : i1 to i32
            %sign3A_435 = arith.subi %sign3A_431, %sign3A_434 : i32
            %sign3A_436 = arith.constant 0 : i32
            %sign3A_437 = arith.cmpi sgt, %jit3A_427, %sign3A_436 : i32
            %sign3A_438 = arith.extui %sign3A_437 : i1 to i32
            %sign3A_439 = arith.constant 0 : i32
            %sign3A_440 = arith.cmpi slt, %jit3A_427, %sign3A_439 : i32
            %sign3A_441 = arith.extui %sign3A_440 : i1 to i32
            %sign3A_442 = arith.subi %sign3A_438, %sign3A_441 : i32
            %ne3A_443 = arith.cmpi ne, %sign3A_435, %sign3A_442 : i32
            %rem3A_444 = arith.remsi %while3A_425, %jit3A_427 : i32
            %ne3A_445 = arith.constant 0 : i32
            %ne3A_446 = arith.cmpi ne, %rem3A_444, %ne3A_445 : i32
            %and3A_447 = arith.andi %ne3A_443, %ne3A_446 : i1
            %sub3A_448 = arith.constant 1 : i32
            %sub3A_449 = arith.subi %div3A_428, %sub3A_448 : i32
            %select_n3A_450 = arith.select %and3A_447, %sub3A_449, %div3A_428 : i32
            %mul3A_451 = arith.constant 16 : i32
            %mul3A_452 = arith.muli %select_n3A_450, %mul3A_451 : i32
            %multiple_of3A_453 = tpu.assume_multiple %mul3A_452, 16 : i32
            %sub3A_454 = arith.subi %while3A_425, %multiple_of3A_453 : i32
            %get3A_455 = arith.index_cast %multiple_of3A_453 : i32 to index
            %get3A_456 = tpu.vector_load %arg13[%get3A_455] {strides = array<i32>} : memref<2048xi32, #tpu.memory_space<vmem>>, vector<16xi32>,
            %get3A_457 = arith.index_cast %multiple_of3A_453 : i32 to index
            %get3A_458 = tpu.vector_load %arg14[%get3A_457] {strides = array<i32>} : memref<2048xf32, #tpu.memory_space<vmem>>, vector<16xf32>,
            %eq3A_459 = vector.broadcast %sub3A_454 : i32 to vector<16xi32>
            %eq3A_460 = arith.cmpi eq, %iota3A, %eq3A_459 : vector<16xi32>
            %jit3A_461 = arith.constant 0 : i32
            %broadcast_in_dim3A_462 = vector.broadcast %jit3A_461 : i32 to vector<16xi32>
            %select_n3A_463 = arith.select %eq3A_460, %get3A_456, %broadcast_in_dim3A_462 : vector<16xi1>, vector<16xi32>
            %reduce_sum3A_464 = arith.constant true
            %reduce_sum3A_465 = vector.broadcast %reduce_sum3A_464 : i1 to vector<16xi1>
            %reduce_sum3A_466 = tpu.scan <sum>, %select_n3A_463 masked %reduce_sum3A_465 : vector<16xi32>, vector<16xi1> -> vector<16xi32>
            %reduce_sum3A_467 = vector.extract %reduce_sum3A_466[15] : i32 from vector<16xi32>
            %eq3A_468 = vector.broadcast %sub3A_454 : i32 to vector<16xi32>
            %eq3A_469 = arith.cmpi eq, %iota3A, %eq3A_468 : vector<16xi32>
            %jit3A_470 = arith.constant 0.000000e+00 : f32
            %broadcast_in_dim3A_471 = vector.broadcast %jit3A_470 : f32 to vector<16xf32>
            %select_n3A_472 = arith.select %eq3A_469, %get3A_458, %broadcast_in_dim3A_471 : vector<16xi1>, vector<16xf32>
            %reduce_sum3A_473 = arith.constant true
            %reduce_sum3A_474 = vector.broadcast %reduce_sum3A_473 : i1 to vector<16xi1>
            %reduce_sum3A_475 = tpu.scan <sum>, %select_n3A_472 masked %reduce_sum3A_474 : vector<16xf32>, vector<16xi1> -> vector<16xf32>
            %reduce_sum3A_476 = vector.extract %reduce_sum3A_475[15] : f32 from vector<16xf32>
            %eq3A_477 = vector.broadcast %reduce_sum3A_467 : i32 to vector<16xi32>
            %eq3A_478 = arith.cmpi eq, %select_n3A_290, %eq3A_477 : vector<16xi32>
            %broadcast_in_dim3A_479 = vector.broadcast %reduce_sum3A_476 : f32 to vector<16xf32>
            %select_n3A_480 = arith.select %eq3A_478, %broadcast_in_dim3A_479, %while3A_426 : vector<16xi1>, vector<16xf32>
            scf.yield %select_n3A_480 : vector<16xf32>
          }
          %while3A_330 = arith.constant 1 : i32
          %while3A_331 = scf.for %while3A_425 = %while3A_327 to %while3A_323 step %while3A_330 iter_args(%while3A_426 = %while3A_329) -> (vector<16xf32>)  : i32 {
            %jit3A_427 = arith.constant 16 : i32
            %div3A_428 = arith.divsi %while3A_425, %jit3A_427 : i32
            %sign3A_429 = arith.constant 0 : i32
            %sign3A_430 = arith.cmpi sgt, %while3A_425, %sign3A_429 : i32
            %sign3A_431 = arith.extui %sign3A_430 : i1 to i32
            %sign3A_432 = arith.constant 0 : i32
            %sign3A_433 = arith.cmpi slt, %while3A_425, %sign3A_432 : i32
            %sign3A_434 = arith.extui %sign3A_433 : i1 to i32
            %sign3A_435 = arith.subi %sign3A_431, %sign3A_434 : i32
            %sign3A_436 = arith.constant 0 : i32
            %sign3A_437 = arith.cmpi sgt, %jit3A_427, %sign3A_436 : i32
            %sign3A_438 = arith.extui %sign3A_437 : i1 to i32
            %sign3A_439 = arith.constant 0 : i32
            %sign3A_440 = arith.cmpi slt, %jit3A_427, %sign3A_439 : i32
            %sign3A_441 = arith.extui %sign3A_440 : i1 to i32
            %sign3A_442 = arith.subi %sign3A_438, %sign3A_441 : i32
            %ne3A_443 = arith.cmpi ne, %sign3A_435, %sign3A_442 : i32
            %rem3A_444 = arith.remsi %while3A_425, %jit3A_427 : i32
            %ne3A_445 = arith.constant 0 : i32
            %ne3A_446 = arith.cmpi ne, %rem3A_444, %ne3A_445 : i32
            %and3A_447 = arith.andi %ne3A_443, %ne3A_446 : i1
            %sub3A_448 = arith.constant 1 : i32
            %sub3A_449 = arith.subi %div3A_428, %sub3A_448 : i32
            %select_n3A_450 = arith.select %and3A_447, %sub3A_449, %div3A_428 : i32
            %mul3A_451 = arith.constant 16 : i32
            %mul3A_452 = arith.muli %select_n3A_450, %mul3A_451 : i32
            %multiple_of3A_453 = tpu.assume_multiple %mul3A_452, 16 : i32
            %sub3A_454 = arith.subi %while3A_425, %multiple_of3A_453 : i32
            %get3A_455 = arith.index_cast %multiple_of3A_453 : i32 to index
            %get3A_456 = tpu.vector_load %arg13[%get3A_455] {strides = array<i32>} : memref<2048xi32, #tpu.memory_space<vmem>>, vector<16xi32>,
            %get3A_457 = arith.index_cast %multiple_of3A_453 : i32 to index
            %get3A_458 = tpu.vector_load %arg14[%get3A_457] {strides = array<i32>} : memref<2048xf32, #tpu.memory_space<vmem>>, vector<16xf32>,
            %eq3A_459 = vector.broadcast %sub3A_454 : i32 to vector<16xi32>
            %eq3A_460 = arith.cmpi eq, %iota3A, %eq3A_459 : vector<16xi32>
            %jit3A_461 = arith.constant 0 : i32
            %broadcast_in_dim3A_462 = vector.broadcast %jit3A_461 : i32 to vector<16xi32>
            %select_n3A_463 = arith.select %eq3A_460, %get3A_456, %broadcast_in_dim3A_462 : vector<16xi1>, vector<16xi32>
            %reduce_sum3A_464 = arith.constant true
            %reduce_sum3A_465 = vector.broadcast %reduce_sum3A_464 : i1 to vector<16xi1>
            %reduce_sum3A_466 = tpu.scan <sum>, %select_n3A_463 masked %reduce_sum3A_465 : vector<16xi32>, vector<16xi1> -> vector<16xi32>
            %reduce_sum3A_467 = vector.extract %reduce_sum3A_466[15] : i32 from vector<16xi32>
            %eq3A_468 = vector.broadcast %sub3A_454 : i32 to vector<16xi32>
            %eq3A_469 = arith.cmpi eq, %iota3A, %eq3A_468 : vector<16xi32>
            %jit3A_470 = arith.constant 0.000000e+00 : f32
            %broadcast_in_dim3A_471 = vector.broadcast %jit3A_470 : f32 to vector<16xf32>
            %select_n3A_472 = arith.select %eq3A_469, %get3A_458, %broadcast_in_dim3A_471 : vector<16xi1>, vector<16xf32>
            %reduce_sum3A_473 = arith.constant true
            %reduce_sum3A_474 = vector.broadcast %reduce_sum3A_473 : i1 to vector<16xi1>
            %reduce_sum3A_475 = tpu.scan <sum>, %select_n3A_472 masked %reduce_sum3A_474 : vector<16xf32>, vector<16xi1> -> vector<16xf32>
            %reduce_sum3A_476 = vector.extract %reduce_sum3A_475[15] : f32 from vector<16xf32>
            %eq3A_477 = vector.broadcast %reduce_sum3A_467 : i32 to vector<16xi32>
            %eq3A_478 = arith.cmpi eq, %select_n3A_290, %eq3A_477 : vector<16xi32>
            %broadcast_in_dim3A_479 = vector.broadcast %reduce_sum3A_476 : f32 to vector<16xf32>
            %select_n3A_480 = arith.select %eq3A_478, %broadcast_in_dim3A_479, %while3A_426 : vector<16xi1>, vector<16xf32>
            scf.yield %select_n3A_480 : vector<16xf32>
          }
          %jit3A_332 = arith.constant 1 : i32
          %jit3A_333 = arith.constant 0 : i32
          %broadcast_in_dim3A_334 = vector.broadcast %jit3A_332 : i32 to vector<16xi32>
          %broadcast_in_dim3A_335 = vector.broadcast %jit3A_333 : i32 to vector<16xi32>
          %select_n3A_336 = arith.select %and3A_271, %broadcast_in_dim3A_334, %broadcast_in_dim3A_335 : vector<16xi1>, vector<16xi32>
          %reduce_sum3A_337 = arith.constant true
          %reduce_sum3A_338 = vector.broadcast %reduce_sum3A_337 : i1 to vector<16xi1>
          %reduce_sum3A_339 = tpu.scan <sum>, %select_n3A_336 masked %reduce_sum3A_338 : vector<16xi32>, vector<16xi1> -> vector<16xi32>
          %reduce_sum3A_340 = vector.extract %reduce_sum3A_339[15] : i32 from vector<16xi32>
          %eq3A_341 = arith.constant 2 : i32
          %eq3A_342 = arith.cmpi eq, %reduce_sum3A_340, %eq3A_341 : i32
          %jit3A_343 = arith.constant 5.000000e-01 : f32
          %jit3A_344 = arith.constant 1.000000e+00 : f32
          %select_n3A_345 = arith.select %eq3A_342, %jit3A_343, %jit3A_344 : f32
          %eq3A_346 = arith.constant 3 : i32
          %eq3A_347 = arith.cmpi eq, %reduce_sum3A_340, %eq3A_346 : i32
          %jit3A_348 = arith.constant 0.333333343 : f32
          %select_n3A_349 = arith.select %eq3A_347, %jit3A_348, %select_n3A_345 : f32
          %eq3A_350 = arith.constant 4 : i32
          %eq3A_351 = arith.cmpi eq, %reduce_sum3A_340, %eq3A_350 : i32
          %jit3A_352 = arith.constant 2.500000e-01 : f32
          %select_n3A_353 = arith.select %eq3A_351, %jit3A_352, %select_n3A_349 : f32
          %eq3A_354 = arith.constant 5 : i32
          %eq3A_355 = arith.cmpi eq, %reduce_sum3A_340, %eq3A_354 : i32
          %jit3A_356 = arith.constant 2.000000e-01 : f32
          %select_n3A_357 = arith.select %eq3A_355, %jit3A_356, %select_n3A_353 : f32
          %eq3A_358 = arith.constant 6 : i32
          %eq3A_359 = arith.cmpi eq, %reduce_sum3A_340, %eq3A_358 : i32
          %jit3A_360 = arith.constant 0.166666672 : f32
          %select_n3A_361 = arith.select %eq3A_359, %jit3A_360, %select_n3A_357 : f32
          %eq3A_362 = arith.constant 7 : i32
          %eq3A_363 = arith.cmpi eq, %reduce_sum3A_340, %eq3A_362 : i32
          %jit3A_364 = arith.constant 0.142857149 : f32
          %select_n3A_365 = arith.select %eq3A_363, %jit3A_364, %select_n3A_361 : f32
          %eq3A_366 = arith.constant 8 : i32
          %eq3A_367 = arith.cmpi eq, %reduce_sum3A_340, %eq3A_366 : i32
          %jit3A_368 = arith.constant 1.250000e-01 : f32
          %select_n3A_369 = arith.select %eq3A_367, %jit3A_368, %select_n3A_365 : f32
          %eq3A_370 = arith.constant 9 : i32
          %eq3A_371 = arith.cmpi eq, %reduce_sum3A_340, %eq3A_370 : i32
          %jit3A_372 = arith.constant 0.111111112 : f32
          %select_n3A_373 = arith.select %eq3A_371, %jit3A_372, %select_n3A_369 : f32
          %jit3A_374 = arith.constant 0.000000e+00 : f32
          %broadcast_in_dim3A_375 = vector.broadcast %jit3A_374 : f32 to vector<16xf32>
          %select_n3A_376 = arith.select %and3A_271, %while3A_331, %broadcast_in_dim3A_375 : vector<16xi1>, vector<16xf32>
          %reduce_sum3A_377 = arith.constant true
          %reduce_sum3A_378 = vector.broadcast %reduce_sum3A_377 : i1 to vector<16xi1>
          %reduce_sum3A_379 = tpu.scan <sum>, %select_n3A_376 masked %reduce_sum3A_378 : vector<16xf32>, vector<16xi1> -> vector<16xf32>
          %reduce_sum3A_380 = vector.extract %reduce_sum3A_379[15] : f32 from vector<16xf32>
          %mul3A_381 = arith.mulf %reduce_sum3A_380, %select_n3A_373 : f32
          %jit3A_382 = arith.constant 16 : i32
          %div3A_383 = arith.divsi %while3A_152, %jit3A_382 : i32
          %sign3A_384 = arith.constant 0 : i32
          %sign3A_385 = arith.cmpi sgt, %while3A_152, %sign3A_384 : i32
          %sign3A_386 = arith.extui %sign3A_385 : i1 to i32
          %sign3A_387 = arith.constant 0 : i32
          %sign3A_388 = arith.cmpi slt, %while3A_152, %sign3A_387 : i32
          %sign3A_389 = arith.extui %sign3A_388 : i1 to i32
          %sign3A_390 = arith.subi %sign3A_386, %sign3A_389 : i32
          %sign3A_391 = arith.constant 0 : i32
          %sign3A_392 = arith.cmpi sgt, %jit3A_382, %sign3A_391 : i32
          %sign3A_393 = arith.extui %sign3A_392 : i1 to i32
          %sign3A_394 = arith.constant 0 : i32
          %sign3A_395 = arith.cmpi slt, %jit3A_382, %sign3A_394 : i32
          %sign3A_396 = arith.extui %sign3A_395 : i1 to i32
          %sign3A_397 = arith.subi %sign3A_393, %sign3A_396 : i32
          %ne3A_398 = arith.cmpi ne, %sign3A_390, %sign3A_397 : i32
          %rem3A_399 = arith.remsi %while3A_152, %jit3A_382 : i32
          %ne3A_400 = arith.constant 0 : i32
          %ne3A_401 = arith.cmpi ne, %rem3A_399, %ne3A_400 : i32
          %and3A_402 = arith.andi %ne3A_398, %ne3A_401 : i1
          %sub3A_403 = arith.constant 1 : i32
          %sub3A_404 = arith.subi %div3A_383, %sub3A_403 : i32
          %select_n3A_405 = arith.select %and3A_402, %sub3A_404, %div3A_383 : i32
          %mul3A_406 = arith.constant 16 : i32
          %mul3A_407 = arith.muli %select_n3A_405, %mul3A_406 : i32
          %multiple_of3A_408 = tpu.assume_multiple %mul3A_407, 16 : i32
          %sub3A_409 = arith.subi %while3A_152, %multiple_of3A_408 : i32
          %eq3A_410 = vector.broadcast %sub3A_409 : i32 to vector<16xi32>
          %eq3A_411 = arith.cmpi eq, %iota3A, %eq3A_410 : vector<16xi32>
          %get3A_412 = arith.index_cast %multiple_of3A_408 : i32 to index
          %get3A_413 = tpu.vector_load %arg13[%get3A_412] {strides = array<i32>} : memref<2048xi32, #tpu.memory_space<vmem>>, vector<16xi32>,
          %broadcast_in_dim3A_414 = vector.broadcast %reduce_sum3A_198 : i32 to vector<16xi32>
          %select_n3A_415 = arith.select %eq3A_411, %broadcast_in_dim3A_414, %get3A_413 : vector<16xi1>, vector<16xi32>
          %swap3A = arith.index_cast %multiple_of3A_408 : i32 to index
          %swap3A_416 = tpu.vector_load %arg13[%swap3A] {strides = array<i32>} : memref<2048xi32, #tpu.memory_space<vmem>>, vector<16xi32>,
          tpu.vector_store %arg13[%swap3A], %select_n3A_415 {strides = array<i32>} : memref<2048xi32, #tpu.memory_space<vmem>>, vector<16xi32>,
          %eq3A_417 = vector.broadcast %sub3A_409 : i32 to vector<16xi32>
          %eq3A_418 = arith.cmpi eq, %iota3A, %eq3A_417 : vector<16xi32>
          %get3A_419 = arith.index_cast %multiple_of3A_408 : i32 to index
          %get3A_420 = tpu.vector_load %arg14[%get3A_419] {strides = array<i32>} : memref<2048xf32, #tpu.memory_space<vmem>>, vector<16xf32>,
          %broadcast_in_dim3A_421 = vector.broadcast %mul3A_381 : f32 to vector<16xf32>
          %select_n3A_422 = arith.select %eq3A_418, %broadcast_in_dim3A_421, %get3A_420 : vector<16xi1>, vector<16xf32>
          %swap3A_423 = arith.index_cast %multiple_of3A_408 : i32 to index
          %swap3A_424 = tpu.vector_load %arg14[%swap3A_423] {strides = array<i32>} : memref<2048xf32, #tpu.memory_space<vmem>>, vector<16xf32>,
          tpu.vector_store %arg14[%swap3A_423], %select_n3A_422 {strides = array<i32>} : memref<2048xf32, #tpu.memory_space<vmem>>, vector<16xf32>,
        }
      }
      "tpu.region"() ({
        %run_scoped3A = tpu.sem_alloc : memref<!tpu.dma_semaphore, #tpu.memory_space<semaphore_mem>>
        tpu.enqueue_dma source(%arg13 : memref<2048xi32, #tpu.memory_space<vmem>>) target(%arg6 : memref<2048xi32, #tpu.memory_space<hbm>>) target_semaphore(%run_scoped3A : memref<!tpu.dma_semaphore, #tpu.memory_space<semaphore_mem>>)
        tpu.wait_dma2 semaphore(%run_scoped3A : memref<!tpu.dma_semaphore, #tpu.memory_space<semaphore_mem>>) src(%arg13 : memref<2048xi32, #tpu.memory_space<vmem>>) dst(%arg6 : memref<2048xi32, #tpu.memory_space<hbm>>)
        tpu.yield
      }) : () -> ()
      "tpu.region"() ({
        %run_scoped3A = tpu.sem_alloc : memref<!tpu.dma_semaphore, #tpu.memory_space<semaphore_mem>>
        tpu.enqueue_dma source(%arg14 : memref<2048xf32, #tpu.memory_space<vmem>>) target(%arg7 : memref<2048xf32, #tpu.memory_space<hbm>>) target_semaphore(%run_scoped3A : memref<!tpu.dma_semaphore, #tpu.memory_space<semaphore_mem>>)
        tpu.wait_dma2 semaphore(%run_scoped3A : memref<!tpu.dma_semaphore, #tpu.memory_space<semaphore_mem>>) src(%arg14 : memref<2048xf32, #tpu.memory_space<vmem>>) dst(%arg7 : memref<2048xf32, #tpu.memory_space<hbm>>)
        tpu.yield
      }) : () -> ()
    } else {
    }
    return
  }
}

module attributes {stable_mosaic.version = 14 : i64} {
  func.func @body(%arg0: memref<602112x128xf32, #tpu.memory_space<any>>, %arg1: memref<2048xi32, #tpu.memory_space<smem>>, %arg2: memref<2048xf32, #tpu.memory_space<smem>>, %arg3: memref<16xi32, #tpu.memory_space<smem>>, %arg4: memref<602112x128xf32, #tpu.memory_space<any>>, %arg5: memref<8x128xf32, #tpu.memory_space<vmem>>, %arg6: memref<!tpu.dma_semaphore, #tpu.memory_space<semaphore_mem>>) attributes {dimension_semantics = [], scalar_prefetch = 0 : i64, scratch_operands = 2 : i64, tpu.core_type = #tpu.core_type<tc>} {
    %get3A = arith.constant 0 : index
    %get3A_0 = memref.load %arg3[%get3A] : memref<16xi32, #tpu.memory_space<smem>>
    %min3A = arith.constant 1024 : i32
    %min3A_1 = arith.minsi %get3A_0, %min3A : i32
    %get3A_2 = arith.constant 1 : index
    %get3A_3 = memref.load %arg3[%get3A_2] : memref<16xi32, #tpu.memory_space<smem>>
    %min3A_4 = arith.constant 1024 : i32
    %min3A_5 = arith.minsi %get3A_3, %min3A_4 : i32
    %add3A = arith.addi %min3A_1, %min3A_5 : i32
    %while3A = arith.constant 0 : i32
    %while3A_6 = arith.constant 0 : i32
    %while3A_7 = arith.subi %add3A, %while3A_6 : i32
    %while3A_8 = arith.addi %while3A_6, %while3A_7 : i32
    %while3A_9 = arith.constant 1 : i32
    %while3A_10 = arith.divsi %while3A_7, %while3A_9 : i32
    %while3A_11 = arith.muli %while3A_10, %while3A_9 : i32
    %while3A_12 = arith.addi %while3A_6, %while3A_11 : i32
    %while3A_13 = arith.constant 1 : i32
    scf.for %while3A_15 = %while3A_6 to %while3A_12 step %while3A_13  : i32 {
      %get3A_16 = arith.index_cast %while3A_15 : i32 to index
      %get3A_17 = memref.load %arg1[%get3A_16] : memref<2048xi32, #tpu.memory_space<smem>>
      %get3A_18 = arith.index_cast %while3A_15 : i32 to index
      %get3A_19 = memref.load %arg2[%get3A_18] : memref<2048xf32, #tpu.memory_space<smem>>
      %jit3A = arith.constant 128 : i32
      %div3A = arith.divsi %get3A_17, %jit3A : i32
      %sign3A = arith.constant 0 : i32
      %sign3A_20 = arith.cmpi sgt, %get3A_17, %sign3A : i32
      %sign3A_21 = arith.extui %sign3A_20 : i1 to i32
      %sign3A_22 = arith.constant 0 : i32
      %sign3A_23 = arith.cmpi slt, %get3A_17, %sign3A_22 : i32
      %sign3A_24 = arith.extui %sign3A_23 : i1 to i32
      %sign3A_25 = arith.subi %sign3A_21, %sign3A_24 : i32
      %sign3A_26 = arith.constant 0 : i32
      %sign3A_27 = arith.cmpi sgt, %jit3A, %sign3A_26 : i32
      %sign3A_28 = arith.extui %sign3A_27 : i1 to i32
      %sign3A_29 = arith.constant 0 : i32
      %sign3A_30 = arith.cmpi slt, %jit3A, %sign3A_29 : i32
      %sign3A_31 = arith.extui %sign3A_30 : i1 to i32
      %sign3A_32 = arith.subi %sign3A_28, %sign3A_31 : i32
      %ne3A = arith.cmpi ne, %sign3A_25, %sign3A_32 : i32
      %rem3A = arith.remsi %get3A_17, %jit3A : i32
      %ne3A_33 = arith.constant 0 : i32
      %ne3A_34 = arith.cmpi ne, %rem3A, %ne3A_33 : i32
      %and3A = arith.andi %ne3A, %ne3A_34 : i1
      %sub3A = arith.constant 1 : i32
      %sub3A_35 = arith.subi %div3A, %sub3A : i32
      %select_n3A = arith.select %and3A, %sub3A_35, %div3A : i32
      %mul3A = arith.constant 128 : i32
      %mul3A_36 = arith.muli %select_n3A, %mul3A : i32
      %sub3A_37 = arith.subi %get3A_17, %mul3A_36 : i32
      %dma_start3A = arith.constant 0 : i32
      %dma_start3A_38 = arith.constant 0 : i32
      %dma_start3A_39 = tpu.memref_slice %arg5[%dma_start3A, %dma_start3A_38] : memref<8x128xf32, #tpu.memory_space<vmem>> -> memref<1x128xf32, #tpu.memory_space<vmem>>
      %dma_start3A_40 = arith.constant 0 : i32
      %dma_start3A_41 = tpu.memref_slice %arg4[%select_n3A, %dma_start3A_40] : memref<602112x128xf32, #tpu.memory_space<any>> -> memref<1x128xf32, #tpu.memory_space<any>>
      tpu.enqueue_dma source(%dma_start3A_41 : memref<1x128xf32, #tpu.memory_space<any>>) target(%dma_start3A_39 : memref<1x128xf32, #tpu.memory_space<vmem>>) target_semaphore(%arg6 : memref<!tpu.dma_semaphore, #tpu.memory_space<semaphore_mem>>)
      %dma_wait3A = arith.constant 0 : i32
      %dma_wait3A_42 = arith.constant 0 : i32
      %dma_wait3A_43 = tpu.memref_slice %arg5[%dma_wait3A, %dma_wait3A_42] : memref<8x128xf32, #tpu.memory_space<vmem>> -> memref<1x128xf32, #tpu.memory_space<vmem>>
      %dma_wait3A_44 = arith.constant 0 : i32
      %dma_wait3A_45 = tpu.memref_slice %arg4[%select_n3A, %dma_wait3A_44] : memref<602112x128xf32, #tpu.memory_space<any>> -> memref<1x128xf32, #tpu.memory_space<any>>
      tpu.wait_dma2 semaphore(%arg6 : memref<!tpu.dma_semaphore, #tpu.memory_space<semaphore_mem>>) src(%dma_wait3A_45 : memref<1x128xf32, #tpu.memory_space<any>>) dst(%dma_wait3A_43 : memref<1x128xf32, #tpu.memory_space<vmem>>)
      %iota3A = tpu.iota {dimensions = array<i32: 1>} : vector<1x128xi32>
      %eq3A = vector.broadcast %sub3A_37 : i32 to vector<1x128xi32>
      %eq3A_46 = arith.cmpi eq, %iota3A, %eq3A : vector<1x128xi32>
      %get3A_47 = arith.constant 0 : index
      %get3A_48 = arith.constant 0 : index
      %get3A_49 = vector.load %arg5[%get3A_47, %get3A_48] : memref<8x128xf32, #tpu.memory_space<vmem>>, vector<1x128xf32>
      %broadcast_in_dim3A = vector.broadcast %get3A_19 : f32 to vector<1x128xf32>
      %select_n3A_50 = arith.select %eq3A_46, %broadcast_in_dim3A, %get3A_49 : vector<1x128xi1>, vector<1x128xf32>
      %swap3A = arith.constant 0 : index
      %swap3A_51 = arith.constant 0 : index
      %swap3A_52 = vector.load %arg5[%swap3A, %swap3A_51] : memref<8x128xf32, #tpu.memory_space<vmem>>, vector<1x128xf32>
      tpu.vector_store %arg5[%swap3A, %swap3A_51], %select_n3A_50 {strides = array<i32>} : memref<8x128xf32, #tpu.memory_space<vmem>>, vector<1x128xf32>,
      %dma_start3A_53 = arith.constant 0 : i32
      %dma_start3A_54 = tpu.memref_slice %arg4[%select_n3A, %dma_start3A_53] : memref<602112x128xf32, #tpu.memory_space<any>> -> memref<1x128xf32, #tpu.memory_space<any>>
      %dma_start3A_55 = arith.constant 0 : i32
      %dma_start3A_56 = arith.constant 0 : i32
      %dma_start3A_57 = tpu.memref_slice %arg5[%dma_start3A_55, %dma_start3A_56] : memref<8x128xf32, #tpu.memory_space<vmem>> -> memref<1x128xf32, #tpu.memory_space<vmem>>
      tpu.enqueue_dma source(%dma_start3A_57 : memref<1x128xf32, #tpu.memory_space<vmem>>) target(%dma_start3A_54 : memref<1x128xf32, #tpu.memory_space<any>>) target_semaphore(%arg6 : memref<!tpu.dma_semaphore, #tpu.memory_space<semaphore_mem>>)
      %dma_wait3A_58 = arith.constant 0 : i32
      %dma_wait3A_59 = tpu.memref_slice %arg4[%select_n3A, %dma_wait3A_58] : memref<602112x128xf32, #tpu.memory_space<any>> -> memref<1x128xf32, #tpu.memory_space<any>>
      %dma_wait3A_60 = arith.constant 0 : i32
      %dma_wait3A_61 = arith.constant 0 : i32
      %dma_wait3A_62 = tpu.memref_slice %arg5[%dma_wait3A_60, %dma_wait3A_61] : memref<8x128xf32, #tpu.memory_space<vmem>> -> memref<1x128xf32, #tpu.memory_space<vmem>>
      tpu.wait_dma2 semaphore(%arg6 : memref<!tpu.dma_semaphore, #tpu.memory_space<semaphore_mem>>) src(%dma_wait3A_62 : memref<1x128xf32, #tpu.memory_space<vmem>>) dst(%dma_wait3A_59 : memref<1x128xf32, #tpu.memory_space<any>>)
    }
    %while3A_14 = arith.constant 1 : i32
    scf.for %while3A_15 = %while3A_12 to %while3A_8 step %while3A_14  : i32 {
      %get3A_16 = arith.index_cast %while3A_15 : i32 to index
      %get3A_17 = memref.load %arg1[%get3A_16] : memref<2048xi32, #tpu.memory_space<smem>>
      %get3A_18 = arith.index_cast %while3A_15 : i32 to index
      %get3A_19 = memref.load %arg2[%get3A_18] : memref<2048xf32, #tpu.memory_space<smem>>
      %jit3A = arith.constant 128 : i32
      %div3A = arith.divsi %get3A_17, %jit3A : i32
      %sign3A = arith.constant 0 : i32
      %sign3A_20 = arith.cmpi sgt, %get3A_17, %sign3A : i32
      %sign3A_21 = arith.extui %sign3A_20 : i1 to i32
      %sign3A_22 = arith.constant 0 : i32
      %sign3A_23 = arith.cmpi slt, %get3A_17, %sign3A_22 : i32
      %sign3A_24 = arith.extui %sign3A_23 : i1 to i32
      %sign3A_25 = arith.subi %sign3A_21, %sign3A_24 : i32
      %sign3A_26 = arith.constant 0 : i32
      %sign3A_27 = arith.cmpi sgt, %jit3A, %sign3A_26 : i32
      %sign3A_28 = arith.extui %sign3A_27 : i1 to i32
      %sign3A_29 = arith.constant 0 : i32
      %sign3A_30 = arith.cmpi slt, %jit3A, %sign3A_29 : i32
      %sign3A_31 = arith.extui %sign3A_30 : i1 to i32
      %sign3A_32 = arith.subi %sign3A_28, %sign3A_31 : i32
      %ne3A = arith.cmpi ne, %sign3A_25, %sign3A_32 : i32
      %rem3A = arith.remsi %get3A_17, %jit3A : i32
      %ne3A_33 = arith.constant 0 : i32
      %ne3A_34 = arith.cmpi ne, %rem3A, %ne3A_33 : i32
      %and3A = arith.andi %ne3A, %ne3A_34 : i1
      %sub3A = arith.constant 1 : i32
      %sub3A_35 = arith.subi %div3A, %sub3A : i32
      %select_n3A = arith.select %and3A, %sub3A_35, %div3A : i32
      %mul3A = arith.constant 128 : i32
      %mul3A_36 = arith.muli %select_n3A, %mul3A : i32
      %sub3A_37 = arith.subi %get3A_17, %mul3A_36 : i32
      %dma_start3A = arith.constant 0 : i32
      %dma_start3A_38 = arith.constant 0 : i32
      %dma_start3A_39 = tpu.memref_slice %arg5[%dma_start3A, %dma_start3A_38] : memref<8x128xf32, #tpu.memory_space<vmem>> -> memref<1x128xf32, #tpu.memory_space<vmem>>
      %dma_start3A_40 = arith.constant 0 : i32
      %dma_start3A_41 = tpu.memref_slice %arg4[%select_n3A, %dma_start3A_40] : memref<602112x128xf32, #tpu.memory_space<any>> -> memref<1x128xf32, #tpu.memory_space<any>>
      tpu.enqueue_dma source(%dma_start3A_41 : memref<1x128xf32, #tpu.memory_space<any>>) target(%dma_start3A_39 : memref<1x128xf32, #tpu.memory_space<vmem>>) target_semaphore(%arg6 : memref<!tpu.dma_semaphore, #tpu.memory_space<semaphore_mem>>)
      %dma_wait3A = arith.constant 0 : i32
      %dma_wait3A_42 = arith.constant 0 : i32
      %dma_wait3A_43 = tpu.memref_slice %arg5[%dma_wait3A, %dma_wait3A_42] : memref<8x128xf32, #tpu.memory_space<vmem>> -> memref<1x128xf32, #tpu.memory_space<vmem>>
      %dma_wait3A_44 = arith.constant 0 : i32
      %dma_wait3A_45 = tpu.memref_slice %arg4[%select_n3A, %dma_wait3A_44] : memref<602112x128xf32, #tpu.memory_space<any>> -> memref<1x128xf32, #tpu.memory_space<any>>
      tpu.wait_dma2 semaphore(%arg6 : memref<!tpu.dma_semaphore, #tpu.memory_space<semaphore_mem>>) src(%dma_wait3A_45 : memref<1x128xf32, #tpu.memory_space<any>>) dst(%dma_wait3A_43 : memref<1x128xf32, #tpu.memory_space<vmem>>)
      %iota3A = tpu.iota {dimensions = array<i32: 1>} : vector<1x128xi32>
      %eq3A = vector.broadcast %sub3A_37 : i32 to vector<1x128xi32>
      %eq3A_46 = arith.cmpi eq, %iota3A, %eq3A : vector<1x128xi32>
      %get3A_47 = arith.constant 0 : index
      %get3A_48 = arith.constant 0 : index
      %get3A_49 = vector.load %arg5[%get3A_47, %get3A_48] : memref<8x128xf32, #tpu.memory_space<vmem>>, vector<1x128xf32>
      %broadcast_in_dim3A = vector.broadcast %get3A_19 : f32 to vector<1x128xf32>
      %select_n3A_50 = arith.select %eq3A_46, %broadcast_in_dim3A, %get3A_49 : vector<1x128xi1>, vector<1x128xf32>
      %swap3A = arith.constant 0 : index
      %swap3A_51 = arith.constant 0 : index
      %swap3A_52 = vector.load %arg5[%swap3A, %swap3A_51] : memref<8x128xf32, #tpu.memory_space<vmem>>, vector<1x128xf32>
      tpu.vector_store %arg5[%swap3A, %swap3A_51], %select_n3A_50 {strides = array<i32>} : memref<8x128xf32, #tpu.memory_space<vmem>>, vector<1x128xf32>,
      %dma_start3A_53 = arith.constant 0 : i32
      %dma_start3A_54 = tpu.memref_slice %arg4[%select_n3A, %dma_start3A_53] : memref<602112x128xf32, #tpu.memory_space<any>> -> memref<1x128xf32, #tpu.memory_space<any>>
      %dma_start3A_55 = arith.constant 0 : i32
      %dma_start3A_56 = arith.constant 0 : i32
      %dma_start3A_57 = tpu.memref_slice %arg5[%dma_start3A_55, %dma_start3A_56] : memref<8x128xf32, #tpu.memory_space<vmem>> -> memref<1x128xf32, #tpu.memory_space<vmem>>
      tpu.enqueue_dma source(%dma_start3A_57 : memref<1x128xf32, #tpu.memory_space<vmem>>) target(%dma_start3A_54 : memref<1x128xf32, #tpu.memory_space<any>>) target_semaphore(%arg6 : memref<!tpu.dma_semaphore, #tpu.memory_space<semaphore_mem>>)
      %dma_wait3A_58 = arith.constant 0 : i32
      %dma_wait3A_59 = tpu.memref_slice %arg4[%select_n3A, %dma_wait3A_58] : memref<602112x128xf32, #tpu.memory_space<any>> -> memref<1x128xf32, #tpu.memory_space<any>>
      %dma_wait3A_60 = arith.constant 0 : i32
      %dma_wait3A_61 = arith.constant 0 : i32
      %dma_wait3A_62 = tpu.memref_slice %arg5[%dma_wait3A_60, %dma_wait3A_61] : memref<8x128xf32, #tpu.memory_space<vmem>> -> memref<1x128xf32, #tpu.memory_space<vmem>>
      tpu.wait_dma2 semaphore(%arg6 : memref<!tpu.dma_semaphore, #tpu.memory_space<semaphore_mem>>) src(%dma_wait3A_62 : memref<1x128xf32, #tpu.memory_space<vmem>>) dst(%dma_wait3A_59 : memref<1x128xf32, #tpu.memory_space<any>>)
    }
    return
  }
}

module attributes {stable_mosaic.version = 14 : i64} {
  func.func @body(%arg0: i32, %arg1: memref<4096x128xf32, #tpu.memory_space<vmem>>, %arg2: memref<4096x128xf32, #tpu.memory_space<vmem>>, %arg3: memref<1024xi32, #tpu.memory_space<smem>>, %arg4: memref<1024xi32, #tpu.memory_space<smem>>, %arg5: memref<16xi32, #tpu.memory_space<smem>>, %arg6: memref<4096x128xi32, #tpu.memory_space<vmem>>, %arg7: memref<2xi32, #tpu.memory_space<smem>>) attributes {dimension_semantics = [#tpu.dimension_semantics<arbitrary>], iteration_bounds = array<i64: 147>, scalar_prefetch = 0 : i64, scratch_operands = 2 : i64, tpu.core_type = #tpu.core_type<tc>, window_params = [{transform_indices = @transform_0, window_bounds = array<i64: 4096, 128>}, {transform_indices = @transform_1, window_bounds = array<i64: 4096, 128>}, {transform_indices = @transform_2, window_bounds = array<i64: 1024>}, {transform_indices = @transform_3, window_bounds = array<i64: 1024>}, {transform_indices = @transform_4, window_bounds = array<i64: 16>}]} {
    %eq3A = arith.constant 0 : i32
    %eq3A_0 = arith.cmpi eq, %arg0, %eq3A : i32
    %convert_element_type3A = arith.extui %eq3A_0 : i1 to i32
    %cond3A = arith.constant 0 : i32
    %cond3A_1 = arith.cmpi ne, %convert_element_type3A, %cond3A : i32
    scf.if %cond3A_1 {
      %swap3A_27 = arith.constant 0 : i32
      %swap3A_28 = arith.constant 0 : index
      %swap3A_29 = memref.load %arg7[%swap3A_28] : memref<2xi32, #tpu.memory_space<smem>>
      memref.store %swap3A_27, %arg7[%swap3A_28] : memref<2xi32, #tpu.memory_space<smem>>
      %swap3A_30 = arith.constant 0 : i32
      %swap3A_31 = arith.constant 1 : index
      %swap3A_32 = memref.load %arg7[%swap3A_31] : memref<2xi32, #tpu.memory_space<smem>>
      memref.store %swap3A_30, %arg7[%swap3A_31] : memref<2xi32, #tpu.memory_space<smem>>
    } else {
    }
    %get3A = arith.constant 0 : index
    %get3A_2 = arith.constant 0 : index
    %get3A_3 = vector.load %arg1[%get3A, %get3A_2] : memref<4096x128xf32, #tpu.memory_space<vmem>>, vector<4096x128xf32>
    %swap3A = arith.constant 0 : index
    %swap3A_4 = arith.constant 0 : index
    %swap3A_5 = vector.load %arg2[%swap3A, %swap3A_4] : memref<4096x128xf32, #tpu.memory_space<vmem>>, vector<4096x128xf32>
    tpu.vector_store %arg2[%swap3A, %swap3A_4], %get3A_3 {strides = array<i32>} : memref<4096x128xf32, #tpu.memory_space<vmem>>, vector<4096x128xf32>,
    %abs3A = math.absf %get3A_3 : vector<4096x128xf32>
    %gt3A = arith.constant 5.000000e+00 : f32
    %gt3A_6 = vector.broadcast %gt3A : f32 to vector<4096x128xf32>
    %gt3A_7 = arith.cmpf ogt, %abs3A, %gt3A_6 : vector<4096x128xf32>
    %reduce_or3A = arith.constant 1.000000e+00 : f32
    %reduce_or3A_8 = arith.constant 0.000000e+00 : f32
    %reduce_or3A_9 = vector.broadcast %reduce_or3A : f32 to vector<4096x128xf32>
    %reduce_or3A_10 = vector.broadcast %reduce_or3A_8 : f32 to vector<4096x128xf32>
    %reduce_or3A_11 = arith.select %gt3A_7, %reduce_or3A_9, %reduce_or3A_10 : vector<4096x128xi1>, vector<4096x128xf32>
    %reduce_or3A_12 = vector.shape_cast %reduce_or3A_11 : vector<4096x128xf32> to vector<1x4096x128xf32>
    %reduce_or3A_13 = arith.constant dense<0xFF800000> : vector<1xf32>
    %reduce_or3A_14 = vector.multi_reduction <maximumf>, %reduce_or3A_12, %reduce_or3A_13 [1, 2] : vector<1x4096x128xf32> to vector<1xf32>
    %reduce_or3A_15 = vector.shape_cast %reduce_or3A_14 : vector<1xf32> to vector<1x1x1xf32>
    %reduce_or3A_16 = vector.extract %reduce_or3A_15[0, 0, 0] : f32 from vector<1x1x1xf32>
    %reduce_or3A_17 = arith.constant 0.000000e+00 : f32
    %reduce_or3A_18 = arith.cmpf ogt, %reduce_or3A_16, %reduce_or3A_17 : f32
    %convert_element_type3A_19 = arith.extui %reduce_or3A_18 : i1 to i32
    %cond3A_20 = arith.constant 0 : i32
    %cond3A_21 = arith.cmpi ne, %convert_element_type3A_19, %cond3A_20 : i32
    scf.if %cond3A_21 {
      %mul3A = arith.constant 524288 : i32
      %mul3A_27 = arith.muli %arg0, %mul3A : i32
      %iota3A = tpu.iota {dimensions = array<i32: 0>} : vector<4096x128xi32>
      %mul3A_28 = arith.constant 128 : i32
      %mul3A_29 = vector.broadcast %mul3A_28 : i32 to vector<4096x128xi32>
      %mul3A_30 = arith.muli %iota3A, %mul3A_29 : vector<4096x128xi32>
      %add3A = vector.broadcast %mul3A_27 : i32 to vector<4096x128xi32>
      %add3A_31 = arith.addi %add3A, %mul3A_30 : vector<4096x128xi32>
      %iota3A_32 = tpu.iota {dimensions = array<i32: 1>} : vector<4096x128xi32>
      %add3A_33 = arith.addi %add3A_31, %iota3A_32 : vector<4096x128xi32>
      %lt3A = arith.constant -5.000000e+00 : f32
      %lt3A_34 = vector.broadcast %lt3A : f32 to vector<4096x128xf32>
      %lt3A_35 = arith.cmpf olt, %get3A_3, %lt3A_34 : vector<4096x128xf32>
      %gt3A_36 = arith.constant 5.000000e+00 : f32
      %gt3A_37 = vector.broadcast %gt3A_36 : f32 to vector<4096x128xf32>
      %gt3A_38 = arith.cmpf ogt, %get3A_3, %gt3A_37 : vector<4096x128xf32>
      %convert_element_type3A_39 = arith.extui %lt3A_35 : vector<4096x128xi1> to vector<4096x128xi32>
      %reduce_sum3A = vector.shape_cast %convert_element_type3A_39 : vector<4096x128xi32> to vector<1x4096x128xi32>
      %reduce_sum3A_40 = arith.constant dense<0> : vector<1xi32>
      %reduce_sum3A_41 = vector.multi_reduction <add>, %reduce_sum3A, %reduce_sum3A_40 [1, 2] : vector<1x4096x128xi32> to vector<1xi32>
      %reduce_sum3A_42 = vector.shape_cast %reduce_sum3A_41 : vector<1xi32> to vector<1x1x1xi32>
      %reduce_sum3A_43 = vector.extract %reduce_sum3A_42[0, 0, 0] : i32 from vector<1x1x1xi32>
      %gt3A_44 = arith.constant 0 : i32
      %gt3A_45 = arith.cmpi sgt, %reduce_sum3A_43, %gt3A_44 : i32
      %convert_element_type3A_46 = arith.extui %gt3A_45 : i1 to i32
      %cond3A_47 = arith.constant 0 : i32
      %cond3A_48 = arith.cmpi ne, %convert_element_type3A_46, %cond3A_47 : i32
      scf.if %cond3A_48 {
        %jit3A = arith.constant 2147483647 : i32
        %broadcast_in_dim3A = vector.broadcast %jit3A : i32 to vector<4096x128xi32>
        %select_n3A = arith.select %lt3A_35, %add3A_33, %broadcast_in_dim3A : vector<4096x128xi1>, vector<4096x128xi32>
        %swap3A_60 = arith.constant 0 : index
        %swap3A_61 = arith.constant 0 : index
        %swap3A_62 = vector.load %arg6[%swap3A_60, %swap3A_61] : memref<4096x128xi32, #tpu.memory_space<vmem>>, vector<4096x128xi32>
        tpu.vector_store %arg6[%swap3A_60, %swap3A_61], %select_n3A {strides = array<i32>} : memref<4096x128xi32, #tpu.memory_space<vmem>>, vector<4096x128xi32>,
        %while3A = arith.constant 0 : i32
        %while3A_63 = arith.constant 0 : i32
        %while3A_64 = arith.subi %reduce_sum3A_43, %while3A_63 : i32
        %while3A_65 = arith.addi %while3A_63, %while3A_64 : i32
        %while3A_66 = arith.constant 1 : i32
        %while3A_67 = arith.divsi %while3A_64, %while3A_66 : i32
        %while3A_68 = arith.muli %while3A_67, %while3A_66 : i32
        %while3A_69 = arith.addi %while3A_63, %while3A_68 : i32
        %while3A_70 = arith.constant 1 : i32
        scf.for %while3A_72 = %while3A_63 to %while3A_69 step %while3A_70  : i32 {
          %get3A_73 = arith.constant 0 : index
          %get3A_74 = arith.constant 0 : index
          %get3A_75 = vector.load %arg6[%get3A_73, %get3A_74] : memref<4096x128xi32, #tpu.memory_space<vmem>>, vector<4096x128xi32>
          %reduce_min3A = vector.shape_cast %get3A_75 : vector<4096x128xi32> to vector<1x4096x128xi32>
          %reduce_min3A_76 = arith.constant dense<2147483647> : vector<1xi32>
          %reduce_min3A_77 = vector.multi_reduction <minsi>, %reduce_min3A, %reduce_min3A_76 [1, 2] : vector<1x4096x128xi32> to vector<1xi32>
          %reduce_min3A_78 = vector.shape_cast %reduce_min3A_77 : vector<1xi32> to vector<1x1x1xi32>
          %reduce_min3A_79 = vector.extract %reduce_min3A_78[0, 0, 0] : i32 from vector<1x1x1xi32>
          %get3A_80 = arith.constant 0 : index
          %get3A_81 = memref.load %arg7[%get3A_80] : memref<2xi32, #tpu.memory_space<smem>>
          %min3A = arith.constant 1023 : i32
          %min3A_82 = arith.minsi %get3A_81, %min3A : i32
          %swap3A_83 = arith.index_cast %min3A_82 : i32 to index
          %swap3A_84 = memref.load %arg3[%swap3A_83] : memref<1024xi32, #tpu.memory_space<smem>>
          memref.store %reduce_min3A_79, %arg3[%swap3A_83] : memref<1024xi32, #tpu.memory_space<smem>>
          %add3A_85 = arith.constant 1 : i32
          %add3A_86 = arith.addi %get3A_81, %add3A_85 : i32
          %swap3A_87 = arith.constant 0 : index
          %swap3A_88 = memref.load %arg7[%swap3A_87] : memref<2xi32, #tpu.memory_space<smem>>
          memref.store %add3A_86, %arg7[%swap3A_87] : memref<2xi32, #tpu.memory_space<smem>>
          %get3A_89 = arith.constant 0 : index
          %get3A_90 = arith.constant 0 : index
          %get3A_91 = vector.load %arg6[%get3A_89, %get3A_90] : memref<4096x128xi32, #tpu.memory_space<vmem>>, vector<4096x128xi32>
          %eq3A_92 = vector.broadcast %reduce_min3A_79 : i32 to vector<4096x128xi32>
          %eq3A_93 = arith.cmpi eq, %get3A_91, %eq3A_92 : vector<4096x128xi32>
          %get3A_94 = arith.constant 0 : index
          %get3A_95 = arith.constant 0 : index
          %get3A_96 = vector.load %arg6[%get3A_94, %get3A_95] : memref<4096x128xi32, #tpu.memory_space<vmem>>, vector<4096x128xi32>
          %jit3A_97 = arith.constant 2147483647 : i32
          %broadcast_in_dim3A_98 = vector.broadcast %jit3A_97 : i32 to vector<4096x128xi32>
          %select_n3A_99 = arith.select %eq3A_93, %broadcast_in_dim3A_98, %get3A_96 : vector<4096x128xi1>, vector<4096x128xi32>
          %swap3A_100 = arith.constant 0 : index
          %swap3A_101 = arith.constant 0 : index
          %swap3A_102 = vector.load %arg6[%swap3A_100, %swap3A_101] : memref<4096x128xi32, #tpu.memory_space<vmem>>, vector<4096x128xi32>
          tpu.vector_store %arg6[%swap3A_100, %swap3A_101], %select_n3A_99 {strides = array<i32>} : memref<4096x128xi32, #tpu.memory_space<vmem>>, vector<4096x128xi32>,
        }
        %while3A_71 = arith.constant 1 : i32
        scf.for %while3A_72 = %while3A_69 to %while3A_65 step %while3A_71  : i32 {
          %get3A_73 = arith.constant 0 : index
          %get3A_74 = arith.constant 0 : index
          %get3A_75 = vector.load %arg6[%get3A_73, %get3A_74] : memref<4096x128xi32, #tpu.memory_space<vmem>>, vector<4096x128xi32>
          %reduce_min3A = vector.shape_cast %get3A_75 : vector<4096x128xi32> to vector<1x4096x128xi32>
          %reduce_min3A_76 = arith.constant dense<2147483647> : vector<1xi32>
          %reduce_min3A_77 = vector.multi_reduction <minsi>, %reduce_min3A, %reduce_min3A_76 [1, 2] : vector<1x4096x128xi32> to vector<1xi32>
          %reduce_min3A_78 = vector.shape_cast %reduce_min3A_77 : vector<1xi32> to vector<1x1x1xi32>
          %reduce_min3A_79 = vector.extract %reduce_min3A_78[0, 0, 0] : i32 from vector<1x1x1xi32>
          %get3A_80 = arith.constant 0 : index
          %get3A_81 = memref.load %arg7[%get3A_80] : memref<2xi32, #tpu.memory_space<smem>>
          %min3A = arith.constant 1023 : i32
          %min3A_82 = arith.minsi %get3A_81, %min3A : i32
          %swap3A_83 = arith.index_cast %min3A_82 : i32 to index
          %swap3A_84 = memref.load %arg3[%swap3A_83] : memref<1024xi32, #tpu.memory_space<smem>>
          memref.store %reduce_min3A_79, %arg3[%swap3A_83] : memref<1024xi32, #tpu.memory_space<smem>>
          %add3A_85 = arith.constant 1 : i32
          %add3A_86 = arith.addi %get3A_81, %add3A_85 : i32
          %swap3A_87 = arith.constant 0 : index
          %swap3A_88 = memref.load %arg7[%swap3A_87] : memref<2xi32, #tpu.memory_space<smem>>
          memref.store %add3A_86, %arg7[%swap3A_87] : memref<2xi32, #tpu.memory_space<smem>>
          %get3A_89 = arith.constant 0 : index
          %get3A_90 = arith.constant 0 : index
          %get3A_91 = vector.load %arg6[%get3A_89, %get3A_90] : memref<4096x128xi32, #tpu.memory_space<vmem>>, vector<4096x128xi32>
          %eq3A_92 = vector.broadcast %reduce_min3A_79 : i32 to vector<4096x128xi32>
          %eq3A_93 = arith.cmpi eq, %get3A_91, %eq3A_92 : vector<4096x128xi32>
          %get3A_94 = arith.constant 0 : index
          %get3A_95 = arith.constant 0 : index
          %get3A_96 = vector.load %arg6[%get3A_94, %get3A_95] : memref<4096x128xi32, #tpu.memory_space<vmem>>, vector<4096x128xi32>
          %jit3A_97 = arith.constant 2147483647 : i32
          %broadcast_in_dim3A_98 = vector.broadcast %jit3A_97 : i32 to vector<4096x128xi32>
          %select_n3A_99 = arith.select %eq3A_93, %broadcast_in_dim3A_98, %get3A_96 : vector<4096x128xi1>, vector<4096x128xi32>
          %swap3A_100 = arith.constant 0 : index
          %swap3A_101 = arith.constant 0 : index
          %swap3A_102 = vector.load %arg6[%swap3A_100, %swap3A_101] : memref<4096x128xi32, #tpu.memory_space<vmem>>, vector<4096x128xi32>
          tpu.vector_store %arg6[%swap3A_100, %swap3A_101], %select_n3A_99 {strides = array<i32>} : memref<4096x128xi32, #tpu.memory_space<vmem>>, vector<4096x128xi32>,
        }
      } else {
      }
      %convert_element_type3A_49 = arith.extui %gt3A_38 : vector<4096x128xi1> to vector<4096x128xi32>
      %reduce_sum3A_50 = vector.shape_cast %convert_element_type3A_49 : vector<4096x128xi32> to vector<1x4096x128xi32>
      %reduce_sum3A_51 = arith.constant dense<0> : vector<1xi32>
      %reduce_sum3A_52 = vector.multi_reduction <add>, %reduce_sum3A_50, %reduce_sum3A_51 [1, 2] : vector<1x4096x128xi32> to vector<1xi32>
      %reduce_sum3A_53 = vector.shape_cast %reduce_sum3A_52 : vector<1xi32> to vector<1x1x1xi32>
      %reduce_sum3A_54 = vector.extract %reduce_sum3A_53[0, 0, 0] : i32 from vector<1x1x1xi32>
      %gt3A_55 = arith.constant 0 : i32
      %gt3A_56 = arith.cmpi sgt, %reduce_sum3A_54, %gt3A_55 : i32
      %convert_element_type3A_57 = arith.extui %gt3A_56 : i1 to i32
      %cond3A_58 = arith.constant 0 : i32
      %cond3A_59 = arith.cmpi ne, %convert_element_type3A_57, %cond3A_58 : i32
      scf.if %cond3A_59 {
        %jit3A = arith.constant 2147483647 : i32
        %broadcast_in_dim3A = vector.broadcast %jit3A : i32 to vector<4096x128xi32>
        %select_n3A = arith.select %gt3A_38, %add3A_33, %broadcast_in_dim3A : vector<4096x128xi1>, vector<4096x128xi32>
        %swap3A_60 = arith.constant 0 : index
        %swap3A_61 = arith.constant 0 : index
        %swap3A_62 = vector.load %arg6[%swap3A_60, %swap3A_61] : memref<4096x128xi32, #tpu.memory_space<vmem>>, vector<4096x128xi32>
        tpu.vector_store %arg6[%swap3A_60, %swap3A_61], %select_n3A {strides = array<i32>} : memref<4096x128xi32, #tpu.memory_space<vmem>>, vector<4096x128xi32>,
        %while3A = arith.constant 0 : i32
        %while3A_63 = arith.constant 0 : i32
        %while3A_64 = arith.subi %reduce_sum3A_54, %while3A_63 : i32
        %while3A_65 = arith.addi %while3A_63, %while3A_64 : i32
        %while3A_66 = arith.constant 1 : i32
        %while3A_67 = arith.divsi %while3A_64, %while3A_66 : i32
        %while3A_68 = arith.muli %while3A_67, %while3A_66 : i32
        %while3A_69 = arith.addi %while3A_63, %while3A_68 : i32
        %while3A_70 = arith.constant 1 : i32
        scf.for %while3A_72 = %while3A_63 to %while3A_69 step %while3A_70  : i32 {
          %get3A_73 = arith.constant 0 : index
          %get3A_74 = arith.constant 0 : index
          %get3A_75 = vector.load %arg6[%get3A_73, %get3A_74] : memref<4096x128xi32, #tpu.memory_space<vmem>>, vector<4096x128xi32>
          %reduce_min3A = vector.shape_cast %get3A_75 : vector<4096x128xi32> to vector<1x4096x128xi32>
          %reduce_min3A_76 = arith.constant dense<2147483647> : vector<1xi32>
          %reduce_min3A_77 = vector.multi_reduction <minsi>, %reduce_min3A, %reduce_min3A_76 [1, 2] : vector<1x4096x128xi32> to vector<1xi32>
          %reduce_min3A_78 = vector.shape_cast %reduce_min3A_77 : vector<1xi32> to vector<1x1x1xi32>
          %reduce_min3A_79 = vector.extract %reduce_min3A_78[0, 0, 0] : i32 from vector<1x1x1xi32>
          %get3A_80 = arith.constant 1 : index
          %get3A_81 = memref.load %arg7[%get3A_80] : memref<2xi32, #tpu.memory_space<smem>>
          %min3A = arith.constant 1023 : i32
          %min3A_82 = arith.minsi %get3A_81, %min3A : i32
          %swap3A_83 = arith.index_cast %min3A_82 : i32 to index
          %swap3A_84 = memref.load %arg4[%swap3A_83] : memref<1024xi32, #tpu.memory_space<smem>>
          memref.store %reduce_min3A_79, %arg4[%swap3A_83] : memref<1024xi32, #tpu.memory_space<smem>>
          %add3A_85 = arith.constant 1 : i32
          %add3A_86 = arith.addi %get3A_81, %add3A_85 : i32
          %swap3A_87 = arith.constant 1 : index
          %swap3A_88 = memref.load %arg7[%swap3A_87] : memref<2xi32, #tpu.memory_space<smem>>
          memref.store %add3A_86, %arg7[%swap3A_87] : memref<2xi32, #tpu.memory_space<smem>>
          %get3A_89 = arith.constant 0 : index
          %get3A_90 = arith.constant 0 : index
          %get3A_91 = vector.load %arg6[%get3A_89, %get3A_90] : memref<4096x128xi32, #tpu.memory_space<vmem>>, vector<4096x128xi32>
          %eq3A_92 = vector.broadcast %reduce_min3A_79 : i32 to vector<4096x128xi32>
          %eq3A_93 = arith.cmpi eq, %get3A_91, %eq3A_92 : vector<4096x128xi32>
          %get3A_94 = arith.constant 0 : index
          %get3A_95 = arith.constant 0 : index
          %get3A_96 = vector.load %arg6[%get3A_94, %get3A_95] : memref<4096x128xi32, #tpu.memory_space<vmem>>, vector<4096x128xi32>
          %jit3A_97 = arith.constant 2147483647 : i32
          %broadcast_in_dim3A_98 = vector.broadcast %jit3A_97 : i32 to vector<4096x128xi32>
          %select_n3A_99 = arith.select %eq3A_93, %broadcast_in_dim3A_98, %get3A_96 : vector<4096x128xi1>, vector<4096x128xi32>
          %swap3A_100 = arith.constant 0 : index
          %swap3A_101 = arith.constant 0 : index
          %swap3A_102 = vector.load %arg6[%swap3A_100, %swap3A_101] : memref<4096x128xi32, #tpu.memory_space<vmem>>, vector<4096x128xi32>
          tpu.vector_store %arg6[%swap3A_100, %swap3A_101], %select_n3A_99 {strides = array<i32>} : memref<4096x128xi32, #tpu.memory_space<vmem>>, vector<4096x128xi32>,
        }
        %while3A_71 = arith.constant 1 : i32
        scf.for %while3A_72 = %while3A_69 to %while3A_65 step %while3A_71  : i32 {
          %get3A_73 = arith.constant 0 : index
          %get3A_74 = arith.constant 0 : index
          %get3A_75 = vector.load %arg6[%get3A_73, %get3A_74] : memref<4096x128xi32, #tpu.memory_space<vmem>>, vector<4096x128xi32>
          %reduce_min3A = vector.shape_cast %get3A_75 : vector<4096x128xi32> to vector<1x4096x128xi32>
          %reduce_min3A_76 = arith.constant dense<2147483647> : vector<1xi32>
          %reduce_min3A_77 = vector.multi_reduction <minsi>, %reduce_min3A, %reduce_min3A_76 [1, 2] : vector<1x4096x128xi32> to vector<1xi32>
          %reduce_min3A_78 = vector.shape_cast %reduce_min3A_77 : vector<1xi32> to vector<1x1x1xi32>
          %reduce_min3A_79 = vector.extract %reduce_min3A_78[0, 0, 0] : i32 from vector<1x1x1xi32>
          %get3A_80 = arith.constant 1 : index
          %get3A_81 = memref.load %arg7[%get3A_80] : memref<2xi32, #tpu.memory_space<smem>>
          %min3A = arith.constant 1023 : i32
          %min3A_82 = arith.minsi %get3A_81, %min3A : i32
          %swap3A_83 = arith.index_cast %min3A_82 : i32 to index
          %swap3A_84 = memref.load %arg4[%swap3A_83] : memref<1024xi32, #tpu.memory_space<smem>>
          memref.store %reduce_min3A_79, %arg4[%swap3A_83] : memref<1024xi32, #tpu.memory_space<smem>>
          %add3A_85 = arith.constant 1 : i32
          %add3A_86 = arith.addi %get3A_81, %add3A_85 : i32
          %swap3A_87 = arith.constant 1 : index
          %swap3A_88 = memref.load %arg7[%swap3A_87] : memref<2xi32, #tpu.memory_space<smem>>
          memref.store %add3A_86, %arg7[%swap3A_87] : memref<2xi32, #tpu.memory_space<smem>>
          %get3A_89 = arith.constant 0 : index
          %get3A_90 = arith.constant 0 : index
          %get3A_91 = vector.load %arg6[%get3A_89, %get3A_90] : memref<4096x128xi32, #tpu.memory_space<vmem>>, vector<4096x128xi32>
          %eq3A_92 = vector.broadcast %reduce_min3A_79 : i32 to vector<4096x128xi32>
          %eq3A_93 = arith.cmpi eq, %get3A_91, %eq3A_92 : vector<4096x128xi32>
          %get3A_94 = arith.constant 0 : index
          %get3A_95 = arith.constant 0 : index
          %get3A_96 = vector.load %arg6[%get3A_94, %get3A_95] : memref<4096x128xi32, #tpu.memory_space<vmem>>, vector<4096x128xi32>
          %jit3A_97 = arith.constant 2147483647 : i32
          %broadcast_in_dim3A_98 = vector.broadcast %jit3A_97 : i32 to vector<4096x128xi32>
          %select_n3A_99 = arith.select %eq3A_93, %broadcast_in_dim3A_98, %get3A_96 : vector<4096x128xi1>, vector<4096x128xi32>
          %swap3A_100 = arith.constant 0 : index
          %swap3A_101 = arith.constant 0 : index
          %swap3A_102 = vector.load %arg6[%swap3A_100, %swap3A_101] : memref<4096x128xi32, #tpu.memory_space<vmem>>, vector<4096x128xi32>
          tpu.vector_store %arg6[%swap3A_100, %swap3A_101], %select_n3A_99 {strides = array<i32>} : memref<4096x128xi32, #tpu.memory_space<vmem>>, vector<4096x128xi32>,
        }
      } else {
      }
    } else {
    }
    %eq3A_22 = arith.constant 146 : i32
    %eq3A_23 = arith.cmpi eq, %arg0, %eq3A_22 : i32
    %convert_element_type3A_24 = arith.extui %eq3A_23 : i1 to i32
    %cond3A_25 = arith.constant 0 : i32
    %cond3A_26 = arith.cmpi ne, %convert_element_type3A_24, %cond3A_25 : i32
    scf.if %cond3A_26 {
      %get3A_27 = arith.constant 0 : index
      %get3A_28 = memref.load %arg7[%get3A_27] : memref<2xi32, #tpu.memory_space<smem>>
      %swap3A_29 = arith.constant 0 : index
      %swap3A_30 = memref.load %arg5[%swap3A_29] : memref<16xi32, #tpu.memory_space<smem>>
      memref.store %get3A_28, %arg5[%swap3A_29] : memref<16xi32, #tpu.memory_space<smem>>
      %get3A_31 = arith.constant 1 : index
      %get3A_32 = memref.load %arg7[%get3A_31] : memref<2xi32, #tpu.memory_space<smem>>
      %swap3A_33 = arith.constant 1 : index
      %swap3A_34 = memref.load %arg5[%swap3A_33] : memref<16xi32, #tpu.memory_space<smem>>
      memref.store %get3A_32, %arg5[%swap3A_33] : memref<16xi32, #tpu.memory_space<smem>>
      %swap3A_35 = arith.constant 0 : i32
      %swap3A_36 = arith.constant 2 : index
      %swap3A_37 = memref.load %arg5[%swap3A_36] : memref<16xi32, #tpu.memory_space<smem>>
      memref.store %swap3A_35, %arg5[%swap3A_36] : memref<16xi32, #tpu.memory_space<smem>>
      %swap3A_38 = arith.constant 0 : i32
      %swap3A_39 = arith.constant 3 : index
      %swap3A_40 = memref.load %arg5[%swap3A_39] : memref<16xi32, #tpu.memory_space<smem>>
      memref.store %swap3A_38, %arg5[%swap3A_39] : memref<16xi32, #tpu.memory_space<smem>>
      %swap3A_41 = arith.constant 0 : i32
      %swap3A_42 = arith.constant 4 : index
      %swap3A_43 = memref.load %arg5[%swap3A_42] : memref<16xi32, #tpu.memory_space<smem>>
      memref.store %swap3A_41, %arg5[%swap3A_42] : memref<16xi32, #tpu.memory_space<smem>>
      %swap3A_44 = arith.constant 0 : i32
      %swap3A_45 = arith.constant 5 : index
      %swap3A_46 = memref.load %arg5[%swap3A_45] : memref<16xi32, #tpu.memory_space<smem>>
      memref.store %swap3A_44, %arg5[%swap3A_45] : memref<16xi32, #tpu.memory_space<smem>>
      %swap3A_47 = arith.constant 0 : i32
      %swap3A_48 = arith.constant 6 : index
      %swap3A_49 = memref.load %arg5[%swap3A_48] : memref<16xi32, #tpu.memory_space<smem>>
      memref.store %swap3A_47, %arg5[%swap3A_48] : memref<16xi32, #tpu.memory_space<smem>>
      %swap3A_50 = arith.constant 0 : i32
      %swap3A_51 = arith.constant 7 : index
      %swap3A_52 = memref.load %arg5[%swap3A_51] : memref<16xi32, #tpu.memory_space<smem>>
      memref.store %swap3A_50, %arg5[%swap3A_51] : memref<16xi32, #tpu.memory_space<smem>>
      %swap3A_53 = arith.constant 0 : i32
      %swap3A_54 = arith.constant 8 : index
      %swap3A_55 = memref.load %arg5[%swap3A_54] : memref<16xi32, #tpu.memory_space<smem>>
      memref.store %swap3A_53, %arg5[%swap3A_54] : memref<16xi32, #tpu.memory_space<smem>>
      %swap3A_56 = arith.constant 0 : i32
      %swap3A_57 = arith.constant 9 : index
      %swap3A_58 = memref.load %arg5[%swap3A_57] : memref<16xi32, #tpu.memory_space<smem>>
      memref.store %swap3A_56, %arg5[%swap3A_57] : memref<16xi32, #tpu.memory_space<smem>>
      %swap3A_59 = arith.constant 0 : i32
      %swap3A_60 = arith.constant 10 : index
      %swap3A_61 = memref.load %arg5[%swap3A_60] : memref<16xi32, #tpu.memory_space<smem>>
      memref.store %swap3A_59, %arg5[%swap3A_60] : memref<16xi32, #tpu.memory_space<smem>>
      %swap3A_62 = arith.constant 0 : i32
      %swap3A_63 = arith.constant 11 : index
      %swap3A_64 = memref.load %arg5[%swap3A_63] : memref<16xi32, #tpu.memory_space<smem>>
      memref.store %swap3A_62, %arg5[%swap3A_63] : memref<16xi32, #tpu.memory_space<smem>>
      %swap3A_65 = arith.constant 0 : i32
      %swap3A_66 = arith.constant 12 : index
      %swap3A_67 = memref.load %arg5[%swap3A_66] : memref<16xi32, #tpu.memory_space<smem>>
      memref.store %swap3A_65, %arg5[%swap3A_66] : memref<16xi32, #tpu.memory_space<smem>>
      %swap3A_68 = arith.constant 0 : i32
      %swap3A_69 = arith.constant 13 : index
      %swap3A_70 = memref.load %arg5[%swap3A_69] : memref<16xi32, #tpu.memory_space<smem>>
      memref.store %swap3A_68, %arg5[%swap3A_69] : memref<16xi32, #tpu.memory_space<smem>>
      %swap3A_71 = arith.constant 0 : i32
      %swap3A_72 = arith.constant 14 : index
      %swap3A_73 = memref.load %arg5[%swap3A_72] : memref<16xi32, #tpu.memory_space<smem>>
      memref.store %swap3A_71, %arg5[%swap3A_72] : memref<16xi32, #tpu.memory_space<smem>>
      %swap3A_74 = arith.constant 0 : i32
      %swap3A_75 = arith.constant 15 : index
      %swap3A_76 = memref.load %arg5[%swap3A_75] : memref<16xi32, #tpu.memory_space<smem>>
      memref.store %swap3A_74, %arg5[%swap3A_75] : memref<16xi32, #tpu.memory_space<smem>>
    } else {
    }
    return
  }
  func.func @transform_0(%arg0: i32) -> (i32, i32) {
    %c0_i32 = arith.constant 0 : i32
    %c0_i32_0 = arith.constant 0 : i32
    return %arg0, %c0_i32 : i32, i32
  }
  func.func @transform_1(%arg0: i32) -> (i32, i32) {
    %c0_i32 = arith.constant 0 : i32
    %c0_i32_0 = arith.constant 0 : i32
    return %arg0, %c0_i32 : i32, i32
  }
  func.func @transform_2(%arg0: i32) -> i32 {
    %c0_i32 = arith.constant 0 : i32
    %c0_i32_0 = arith.constant 0 : i32
    return %c0_i32 : i32
  }
  func.func @transform_3(%arg0: i32) -> i32 {
    %c0_i32 = arith.constant 0 : i32
    %c0_i32_0 = arith.constant 0 : i32
    return %c0_i32 : i32
  }
  func.func @transform_4(%arg0: i32) -> i32 {
    %c0_i32 = arith.constant 0 : i32
    %c0_i32_0 = arith.constant 0 : i32
    return %c0_i32 : i32
  }
}

</mosaic_0001>

<sc_bundles>
// kernel: kernel.5.cloned.1.call-start
scs
__scs_entry_jumppad:
0x0: {  	(pc) =	sbr.rel $0x88, $3  }
0x1: {  	(tag) =	ssettag $0x0;
	lr =	simm.s32 $0x1  }
0x2: {  	[smem:$0x3FA0] =	sst lr;
	_ =	strace $0xD0000000  }
0x3: {  	_ = 	snop  }
0x4: {  	_ = 	snop  }
0x5: {  	_ = 	snop  }
0x6: {  	_ = 	snop  }
0x7: {  	_ = 	snop  }
__scs_overlays_trampoline_lowered:
0x8: {  	[smem:$0x3FAF] =	sst s0  }
0x9: {  	[smem:$0x3FB0] =	sst s1  }
0xa: {  	[smem:$0x3FB1] =	sst s2  }
0xb: {  	[smem:$0x3FB2] =	sst s3  }
0xc: {  	[smem:$0x3FB3] =	sst s4  }
0xd: {  	[smem:$0x3FB4] =	sst s5  }
0xe: {  	[smem:$0x3FB5] =	sst s6  }
0xf: {  	[smem:$0x3FB6] =	sst s7  }
0x10: {  	[smem:$0x3FB7] =	sst s8  }
0x11: {  	[smem:$0x3FB8] =	sst s9;
	s0 =	simm.s32 @!p0 $0x0  }
0x12: {  	s1 =	sld [smem:$0x3F9E];
	s0 =	simm.s32 @p0 $0x1  }
0x13: {  	[smem:$0x3FB9] =	sst s0;
	s0 =	simm.s32 @!p1 $0x0  }
0x14: {  	s2 =	sld [smem:$0x3F9D];
	s0 =	simm.s32 @p1 $0x1  }
0x15: {  	[smem:$0x3FBA] =	sst s0;
	s0 =	simm.s32 @!p2 $0x0  }
0x16: {  	s3 =	sld [smem:$0x3FDB];
	s0 =	simm.s32 @p2 $0x1  }
0x17: {  	s4 =	simm.s32 $0x1BF5;
	[smem:$0x3FBC] =	sst s0  }
0x18: {  	s0 =	sld [smem:$0x3F9F];
	_ =	swait.ge [sflag:s4], $0x0  }
0x19: {  	s7 =	sld [smem:$0x3FA0]  }
0x1a: {  	s8 =	sadd.s32 $0xFFFFE003, lr  }
0x1b: {  	s9 =	sadd.s32 $0xFFFFFEF7, lr;
	s5 =	simm.s32 $0xFFFFFFFF;
	p2 =	slt.u32 s8, $0xFFFFF086  }
0x1c: {  	p1 =	slt.u32 s9, $0xF7A;
	s5 =	simm.s32 @!p2 $0x0  }
0x1d: {  	s5 =	simm.s32 @p1 $0x1;
	p0 =	seq.s32 s7, s2  }
0x1e: {  	s7 =	smul.u32 @!p0 $0xF7A, s2;
	p2 =	seq.s32 @!p0 s5, $0x0  }
0x1f: {  	s9 =	smul.u32 $0xF7A, s1;
	s8 =	simm.s32 @!p0 $0x1BF5;
	p2 =	por !p2, p0  }
0x20: {  	[sflag:s8] =	ssyncset.s32 @!p0 $0xFFFFF086;
	s6 =	sadd.s32 @!p0 s3, s7;
	s7 =	simm.s32 @!p0 $0x108  }
0x21: {  	s3 =	sadd.s32 s3, s9;
	s6 =	sadd.s32 @!p0 $0x88, s6;
	s7 =	simm.s32 @p2 $0x1082  }
0x22: {  	[simem:s7], [sflag:s8] =	dma.local @!p0 [hbm:s6], $0xF7A  }
0x23: {  	s9 =	sor.u32 $0xD0000000, s2;
	s6 =	simm.s32 $0x108;
	_ =	swait.ge @!p0 [sflag:s8], $0x0  }
0x24: {  	s3 =	sadd.s32 $0x88, s3;
	s6 =	simm.s32 @!p1 $0x1082;
	[sflag:s4] =	ssyncset.s32 $0xFFFFF086  }
0x25: {  	[simem:s6], [sflag:s4] =	dma.local [hbm:s3], $0xF7A  }
0x26: {  	[smem:$0x3FA0] =	sst s1;
	(tag) =	ssettag s2;
	_ =	strace s9  }
0x27: {  	s1 =	sld [smem:$0x3FB0]  }
0x28: {  	s2 =	sld [smem:$0x3FB1]  }
0x29: {  	s4 =	sld [smem:$0x3FB3]  }
0x2a: {  	p0 =	seq.s32 s5, $0x0;
	s5 =	sld [smem:$0x3FB4]  }
0x2b: {  	s6 =	sld [smem:$0x3FB5]  }
0x2c: {  	s7 =	sld [smem:$0x3FB6]  }
0x2d: {  	s3 =	simm.s32 $0x108;
	s8 =	sld [smem:$0x3FB7]  }
0x2e: {  	s3 =	simm.s32 @!p0 $0x1082;
	s9 =	sld [smem:$0x3FB8]  }
0x2f: {  	lr =	sadd.s32 s0, s3;
	s0 =	sld [smem:$0x3FAF]  }
0x30: {  	s3 =	sld [smem:$0x3FB2]  }
0x31: {  	[smem:$0x3FBB] =	sst s10  }
0x32: {  	s10 =	sld [smem:$0x3FB9];
	_ =	sdelay $0x3  }
0x33: {  	p0 =	seq.s32 s10, $0x1;
	s10 =	sld [smem:$0x3FBB];
	_ =	sdelay $0x3  }
0x34: {  	[smem:$0x3FBB] =	sst s10  }
0x35: {  	s10 =	sld [smem:$0x3FBA];
	_ =	sdelay $0x3  }
0x36: {  	p1 =	seq.s32 s10, $0x1;
	s10 =	sld [smem:$0x3FBB];
	_ =	sdelay $0x3  }
0x37: {  	[smem:$0x3FBB] =	sst s10  }
0x38: {  	s10 =	sld [smem:$0x3FBC]  }
0x39: {  	_ = 	snop;
	(pc) =	sbr.ind lr, $3  }
0x3a: {  	_ = 	snop  }
0x3b: {  	_ = 	snop  }
0x3c: {  	p2 =	seq.s32 s10, $0x1;
	s10 =	sld [smem:$0x3FBB]  }
0x3d: {  	_ =	shalt  }
0x3e: {  	_ =	shalt  }
0x3f: {  	_ =	shalt  }
0x40: {  	_ =	shalt  }
0x41: {  	_ =	shalt  }
0x42: {  	_ =	shalt  }
0x43: {  	_ =	shalt  }
0x44: {  	_ =	shalt  }
0x45: {  	_ =	shalt  }
0x46: {  	_ =	shalt  }
0x47: {  	_ =	shalt  }
0x48: {  	_ =	shalt  }
0x49: {  	_ =	shalt  }
0x4a: {  	_ =	shalt  }
0x4b: {  	_ =	shalt  }
0x4c: {  	_ =	shalt  }
0x4d: {  	_ =	shalt  }
0x4e: {  	_ =	shalt  }
0x4f: {  	_ =	shalt  }
0x50: {  	_ =	shalt  }
0x51: {  	_ =	shalt  }
0x52: {  	_ =	shalt  }
0x53: {  	_ =	shalt  }
0x54: {  	_ =	shalt  }
0x55: {  	_ =	shalt  }
0x56: {  	_ =	shalt  }
0x57: {  	_ =	shalt  }
0x58: {  	_ =	shalt  }
0x59: {  	_ =	shalt  }
0x5a: {  	_ =	shalt  }
0x5b: {  	_ =	shalt  }
0x5c: {  	_ =	shalt  }
0x5d: {  	_ =	shalt  }
0x5e: {  	_ =	shalt  }
0x5f: {  	_ =	shalt  }
0x60: {  	_ =	shalt  }
0x61: {  	_ =	shalt  }
0x62: {  	_ =	shalt  }
0x63: {  	_ =	shalt  }
0x64: {  	_ =	shalt  }
0x65: {  	_ =	shalt  }
0x66: {  	_ =	shalt  }
0x67: {  	_ =	shalt  }
0x68: {  	_ =	shalt  }
0x69: {  	_ =	shalt  }
0x6a: {  	_ =	shalt  }
0x6b: {  	_ =	shalt  }
0x6c: {  	_ =	shalt  }
0x6d: {  	_ =	shalt  }
0x6e: {  	_ =	shalt  }
0x6f: {  	_ =	shalt  }
0x70: {  	_ =	shalt  }
0x71: {  	_ =	shalt  }
0x72: {  	_ =	shalt  }
0x73: {  	_ =	shalt  }
0x74: {  	_ =	shalt  }
0x75: {  	_ =	shalt  }
0x76: {  	_ =	shalt  }
0x77: {  	_ =	shalt  }
0x78: {  	_ =	shalt  }
0x79: {  	_ =	shalt  }
0x7a: {  	_ =	shalt  }
0x7b: {  	_ =	shalt  }
0x7c: {  	_ =	shalt  }
0x7d: {  	_ =	shalt  }
0x7e: {  	_ =	shalt  }
0x7f: {  	_ =	shalt  }
0x80: {  	_ =	shalt  }
0x81: {  	_ =	shalt  }
0x82: {  	_ =	shalt  }
0x83: {  	_ =	shalt  }
0x84: {  	_ =	shalt  }
0x85: {  	_ =	shalt  }
0x86: {  	_ =	shalt  }
0x87: {  	_ =	shalt  }
.Lfunc_end0:
.L_simem_size_0:
called_computation_lowered:
.L_overlay_start_0:
0x88: {  	s2 =	sld [smem:$0x3FD9]  }
0x89: {  	s3 =	sld [smem:$0x3FFE];
	_ =	sdelay $0x1  }
0x8a: {  	s1 =	srdreg.scid  }
0x8b: {  	s0 =	sand.u32 $0x1, s1  }
0x8c: {  	s17 =	sshll.u32 s0, $0xA;
	s2 =	sadd.s32 s3, s2  }
0x8d: {  	s2 =	sadd.s32 s2, s17  }
0x8e: {  	[smem:$0x3FC7] =	sst s2  }
0x8f: {  	_ = 	snop  }
0x90: {  	s2 =	sld [smem:$0x3FD0];
	(tm) =	ssettm $0x1  }
0x91: {  	s18 =	sld [smem:$0x3FFB];
	_ =	sdelay $0x3  }
0x92: {  	_ =	strace s18  }
0x93: {  	s3 =	sld [smem:$0x3FFC];
	_ =	sdelay $0x3  }
0x94: {  	_ =	strace s3  }
0x95: {  	s3 =	sld [smem:$0x3FFD];
	_ =	sdelay $0x3  }
0x96: {  	_ =	strace s3  }
0x97: {  	_ =	strace $0x8FFFFFFF  }
0x98: {  	s19 =	sld [smem:$0x3FDB];
	_ =	sdelay $0x1  }
0x99: {  	s4 =	simm.s32 $_scs_section_size  }
0x9a: {  	s5 =	simm.s32 $_size__tile_overlayer_lowered;
	s6 =	simm.s32 $_tile_overlayer_lowered  }
0x9b: {  	s22 =	simm.s32 $0x1BFF;
	s21 =	sshll.u32 s6, $0x1;
	s3 =	sadd.s32 s4, s19  }
0x9c: {  	s7 =	simm.s32 $0x0;
	s20 =	sshll.u32 s5, $0x1;
	s5 =	sadd.s32 s21, s3  }
0x9d: {  	[timem:s7], [sflag:s22] =	dma.local [hbm:s5], s20  }
0x9e: {  	_ =	swait.ge [sflag:s22], s20  }
0x9f: {  	s4 =	ssub.s32 $0x0, s20;
	[sflag:s22] =	ssyncset.done $0x0  }
0xa0: {  	[sflag:s22] =	ssyncadd.s32 s4;
	_ =	sdelay $0x1  }
0xa1: {  	s23 =	simm.s32 $0x1B8B  }
0xa2: {  	_ =	swait.ge [sflag:s23], $0x1  }
0xa3: {  	[sflag:s23] =	ssyncset.done $0x0  }
0xa4: {  	s25 =	simm.s32 $0x1B8E;
	s24 =	sld [smem:$0x3FFE];
	[sflag:s23] =	ssyncadd.s32 $0xFFFFFFFF  }
0xa5: {  	s26 =	simm.s32 $execute0_lowered;
	[smem:$0x3FD2] =	sst s25  }
0xa6: {  	s5 =	sshll.u32 s26, $0x1;
	_ =	strace $0x80000046;
	[dreg:$0x1] =	wrdreg $0xFFFFFFFF  }
0xa7: {  	s28 =	simm.s32 $_size_execute0_lowered;
	s3 =	sadd.s32 s3, s5;
	[dreg:$0x0] =	wrdreg $0x0  }
0xa8: {  	s5 =	sshll.u32 s28, $0x1;
	[dreg:$0x2] =	wrdreg s3  }
0xa9: {  	[dreg:$0x3] =	wrdreg s5  }
0xaa: {  	[dreg:$0x4] =	wrdreg $0xC0  }
0xab: {  	_ =	task [dreg:s7], $0x5FFFF  }
0xac: {  	[dreg:$0x1] =	wrdreg $0xFFFFFFFF  }
0xad: {  	[dreg:$0x0] =	wrdreg $0x60  }
0xae: {  	[dreg:$0x2] =	wrdreg s24  }
0xaf: {  	[dreg:$0x3] =	wrdreg s2  }
0xb0: {  	[dreg:$0x4] =	wrdreg $0x9  }
0xb1: {  	_ =	task.clear_ibuf [dreg:s7], $0x5FFFF;
	_ =	strace $0x90000046  }
0xb2: {  	s29 =	simm.s32 $0x9;
	_ =	strace $0x80000048  }
0xb3: {  	_ =	swait.ge [sflag:s29], $0x1  }
0xb4: {  	[sflag:s29] =	ssyncadd.s32 $0xFFFFFFFF  }
0xb5: {  	_ =	strace $0x90000048  }
0xb6: {  	_ =	sfence  }
0xb7: {  	s30 =	sld [smem:$0x0];
	_ =	sdelay $0x2  }
0xb8: {  	s31 =	sshll.u32 s1, $0xD;
	s1 =	sshrl.u32 s1, $0x2  }
0xb9: {  	s3 =	sand.u32 $0x4000, s31;
	s1 =	sadd.s32 s1, s30  }
0xba: {  	s0 =	sor.u32 s3, s0;
	s1 =	sshll.u32 s1, $0x11  }
0xbb: {  	s0 =	sor.u32 s1, s0  }
0xbc: {  	s0 =	sadd.s32 $0x8F2B, s0  }
0xbd: {  	[sflag:s0] =	ssyncadd.remote.s32 $0x1  }
0xbe: {  	_ =	sfence.sel $0xFFFF  }
0xbf: {  	[dreg:$0x0] =	wrdreg $0xFFFFFFFF;
	(pc) =	sbr.abs _section_cstart, $3  }
0xc0: {  	[dreg:$0x1] =	wrdreg $0xFFFFFFFF  }
0xc1: {  	_ =	task.clear_ibuf [dreg:s7], $0x2FFFF;
	_ =	strace $0x9FFFFFFF  }
0xc2: {  	(tm) =	ssettm $0x7FFFFFFF  }
0xc3: {  	_ =	shalt  }
tec
execute0_lowered:
.L_overlay_start_1:
0x0: {  	(tag) =	ssettag $0x1  }
0x1: {  	s1 =	srdreg.scid  }
0x2: {  	s2 =	stileid.u32;
	s1 =	sand.u32 $0x1, s1  }
0x3: {  	s3 =	sor.u32 s2, s1  }
0x4: {  	p0 =	sne.s32 s3, $0x0  }
.Ltmp0:
0x5: {  	_ = 	snop;
	(pc) =	sbr.rel @!p0 .LBB2_1-.Ltmp0, $2  }
0x6: {  	_ =	sdelay $0x2  }
0x7: {  	s0 =	rddreg [dreg:$0x0];
	_ =	strace $0x80000047  }
.LBB2_30:
0x8: {  	_ =	sfence.sel $0x180000  }
0x9: {  	[bflag:$0x0] =	sbarrier.arrive $0xFFFF  }
0xa: {  	_ =	strace $0x90000047  }
0xb: {  	s0 =	stileid.u32;
	[bflag:$0x2] =	sbarrier.arrive $0xFFFF  }
0xc: {  	p0 =	sne.s32 s0, $0x0;
	s0 =	rddreg [dreg:$0x2]  }
0xd: {  	s0 =	sadd.s32 @!p0 $0x100000, s0  }
0xe: {  	[sflag:s0] =	ssyncadd.tile.s32 @!p0 $0x1;
	_ =	shalt  }
.LBB2_1:
0xf: {  	v0 =	vimm.s32 $0x43332221;
	v1 =	vimm.s32 $0x11000FFF;
	s2 =	sadd.s32 $0x1261800, s0  }
0x10: {  	s3 =	sadd.s32 $0x1600, s0;
	s4 =	sadd.s32 $0x1261600, s0;
	v2 =	vimm.s32 $0xD34D34D3;
	s5 =	sadd.s32 $0x1261A00, s0  }
.Ltmp1:
0x11: {  	s1 =	ssub.s32 $0x2, s1;
	s6 =	sadd.s32 $0x1261C00, s0;
	v0 =	vunpack.c.l.s4.s8 v0;
	v1 =	vunpack.c.l.s4.s8 v1;
	v2 =	vunpack.c.l.s2.s4 v2;
	(pc) =	sbr.rel .LBB2_2-.Ltmp1, $4  }
0x12: {  	s8 =	simm.s32 $0x0;
	s9 =	simm.s32 $0x2;
	vm0 =	vmmov $0x1;
	[dreg:$0x4] =	wrdreg s3  }
0x13: {  	s30 =	simm.s32 $0xFFFFFFFF;
	s31 =	simm.s32 $0x10;
	[dreg:$0x6] =	wrdreg s2;
	v3 =	vunpack.c.0.s8.s32 v0;
	v1 =	vunpack.c.0.s8.s32 v1;
	v2 =	vunpack.c.l.s4.s8 v2  }
0x14: {  	vm1 =	vcmask $0x308;
	s12 =	simm.s32 $0x1;
	vm2 =	vmmov $0x1ff;
	s7 =	sshrl.u32 s1, $0x1;
	[dreg:$0x3] =	wrdreg s30;
	v0 =	vlaneseq.u32  }
0x15: {  	s15 =	simm.s32 $0x0;
	[dreg:$0x5] =	wrdreg s31;
	s7 =	ssub.s32 s1, s7;
	v1 =	vcombine.low v1, v3;
	v2 =	vunpack.c.0.s8.s32 v2;
	v3 =	vimm.s32 $0x0  }
.LBB2_29:
0x16: {  	s0 =	rddreg [dreg:$0x1];
	s1 =	simm.s32 $0x10880  }
0x17: {  	[hbm4b:s0+s8] =	stream.linear.scatter [tilespmem:s1], [sflag:$0x2], $0x800, $0x38;
	[tilespmem:$0x11880] =	vst v63  }
0x18: {  	s15 =	sadd.s32 $0x1, s15;
	_ =	swait.ge [sflag:s9], $0x800  }
0x19: {  	p0 =	sne.s32 s15, s7;
	[sflag:s9] =	ssyncset.done $0x0  }
.Ltmp2:
0x1a: {  	s31 =	simm.s32 $0x11080;
	[sflag:s9] =	ssyncadd.s32 $0xFFFFF800;
	(pc) =	sbr.rel @!p0 .LBB2_30-.Ltmp2, $4  }
0x1b: {  	[hbm4b:s6+s8] =	stream.linear.scatter [tilespmem:s31], [sflag:$0x2], $0x800, $0x38;
	[tilespmem:$0x11880] =	vst v63  }
0x1c: {  	_ =	swait.ge [sflag:s9], $0x800  }
0x1d: {  	[sflag:s9] =	ssyncset.done $0x0  }
0x1e: {  	[sflag:s9] =	ssyncadd.s32 $0xFFFFF800  }
.LBB2_2:
0x1f: {  	s0 =	rddreg [dreg:$0x6]  }
0x20: {  	[tilespmem:s8], [sflag:$0x2] =	stream.linear.gather [hbm4b:s0+s8], $0x400, $0x38;
	[tilespmem:$0x11880] =	vst v63  }
0x21: {  	_ =	swait.ge [sflag:s9], $0x400  }
0x22: {  	[sflag:s9] =	ssyncset.done $0x0  }
0x23: {  	s29 =	simm.s32 $0x400;
	[sflag:s9] =	ssyncadd.s32 $0xFFFFFC00  }
0x24: {  	[tilespmem:s29], [sflag:$0x2] =	stream.linear.gather [hbm4b:s4+s8], $0x400, $0x38;
	[tilespmem:$0x11880] =	vst v63  }
0x25: {  	_ =	swait.ge [sflag:s9], $0x400  }
0x26: {  	[sflag:s9] =	ssyncset.done $0x0  }
0x27: {  	s30 =	simm.s32 $0x800;
	[sflag:s9] =	ssyncadd.s32 $0xFFFFFC00  }
0x28: {  	[tilespmem:s30], [sflag:$0x2] =	stream.linear.gather [hbm4b:s5+s8], $0x80, $0x38;
	[tilespmem:$0x11880] =	vst v63  }
0x29: {  	_ =	swait.ge [sflag:s9], $0x80  }
0x2a: {  	[sflag:s9] =	ssyncset.done $0x0  }
0x2b: {  	[sflag:s9] =	ssyncadd.s32 $0xFFFFFF80  }
0x2c: {  	v4 =	vld [tilespmem:$0x800];
	_ =	sdelay $0x4  }
0x2d: {  	v5 =	vnsel vm0, $0x0, v4  }
0x2e: {  	v4 =	vsel vm1, $0x0, v4;
	(xrf0) =	vadd.scan.msk.s32 $0xffff, v5  }
0x2f: {  	(xrf0) =	vadd.scan.msk.s32 $0xffff, v4;
	_ =	sdelay $0x4  }
0x30: {  	v4, _, _ =	vpop (xrf0)  }
0x31: {  	(v2sf) =	vpush v4, $0xF;
	v4, _, _ =	vpop (xrf0)  }
0x32: {  	(v2sf) =	vpush v4, $0xF;
	_ =	sdelay $0xd  }
0x33: {  	s13 =	spop (v2sf)  }
0x34: {  	s0 =	spop (v2sf)  }
0x35: {  	p0 =	slt.s32 s13, $0x400;
	p1 =	slt.s32 s0, $0x400  }
0x36: {  	s13 =	simm.s32 @!p0 $0x400;
	s0 =	simm.s32 @!p1 $0x400  }
0x37: {  	s17 =	sadd.s32 s0, s13  }
0x38: {  	s0 =	sadd.s32 $0xFF, s17  }
0x39: {  	s1 =	sand.u32 $0xFF, s0  }
0x3a: {  	s10 =	sshra.s32 s0, $0x1F;
	p5 =	slt.s32 s0, $0x1;
	p6 =	sne.s32 s1, $0x0  }
0x3b: {  	s31 =	sshrl.u32 s10, $0x18;
	p0 =	por !p5, !p6  }
0x3c: {  	s1 =	simm.s32 $0x1;
	s0 =	sadd.s32 s31, s0;
	p0 =	por !p0, !p0  }
0x3d: {  	s0 =	sshra.s32 s0, $0x8;
	s1 =	simm.s32 @!p0 $0x0  }
0x3e: {  	s18 =	ssub.s32 s0, s1  }
0x3f: {  	p0 =	slt.s32 s18, $0x1  }
.Ltmp3:
0x40: {  	_ = 	snop;
	(pc) =	sbr.rel @!p0 .LBB2_3-.Ltmp3, $4  }
.Ltmp4:
0x41: {  	_ = 	snop;
	(pc) =	sbr.rel @p0 .LBB2_29-.Ltmp4, $4  }
0x42: {  	_ = 	snop  }
0x43: {  	_ = 	snop  }
0x44: {  	s19 =	simm.s32 $0x0;
	s21 =	simm.s32 $0x0;
	s20 =	smov.u32 s17  }
0x45: {  	_ = 	snop  }
.LBB2_28:
0x46: {  	s21 =	sadd.s32 $0x1, s21  }
0x47: {  	p0 =	sne.s32 s21, s18  }
.Ltmp5:
0x48: {  	_ = 	snop;
	(pc) =	sbr.rel @!p0 .LBB2_29-.Ltmp5, $2  }
0x49: {  	_ =	sdelay $0x2  }
0x4a: {  	s20 =	sadd.s32 $0xFFFFFF00, s20;
	s19 =	sadd.s32 $0x100, s19  }
.LBB2_3:
0x4b: {  	s22 =	sshll.u32 s21, $0x8  }
0x4c: {  	s23 =	ssub.s32 s17, s22  }
0x4d: {  	p0 =	slt.s32 s23, $0x1  }
.Ltmp6:
0x4e: {  	_ = 	snop;
	(pc) =	sbr.rel @p0 .LBB2_14-.Ltmp6, $1  }
0x4f: {  	_ =	sdelay $0x3  }
0x50: {  	p0 =	sgt.s32 s20, $0x1;
	s0 =	smov.u32 s20  }
0x51: {  	s0 =	simm.s32 @!p0 $0x1  }
0x52: {  	s0 =	smin.u32 s0, $0x100  }
0x53: {  	p0 =	sne.s32 s0, $0x1  }
.Ltmp7:
0x54: {  	_ = 	snop;
	(pc) =	sbr.rel @!p0 .LBB2_5-.Ltmp7, $4  }
0x55: {  	_ = 	snop  }
0x56: {  	p3 =	slt.s32 s19, s13;
	s16 =	smov.u32 s13;
	s25 =	simm.s32 $0x880  }
0x57: {  	s26 =	simm.s32 $0x8880;
	p1 =	por $0x0, $0x0;
	s16 =	simm.s32 @p3 $0x0  }
0x58: {  	p2 =	por $0x0, $0x0;
	s29 =	ssub.s32 s19, s16;
	s24 =	sadd.s32 $0xFFFFFFFF, s0  }
0x59: {  	p1 =	sne.s32 s19, s16;
	s0 =	simm.s32 $0x1  }
0x5a: {  	s1 =	sshra.s32 s29, $0x1F;
	s0 =	simm.s32 @!p1 $0x0  }
0x5b: {  	s10 =	sand.u32 $0xF, s29;
	s0 =	sor.u32 s0, s1  }
0x5c: {  	p4 =	sne.s32 s10, $0x0;
	p6 =	sne.s32 s0, $0x1  }
0x5d: {  	s2 =	sshrl.u32 s1, $0x1C;
	p1 =	por !p4, !p6  }
0x5e: {  	s1 =	simm.s32 $0x1;
	s0 =	sadd.s32 s2, s29;
	p1 =	por !p1, !p1  }
0x5f: {  	s3 =	sshrl.u32 s0, $0x4;
	s1 =	simm.s32 @!p1 $0x0  }
0x60: {  	s1 =	ssub.s32 s3, s1  }
0x61: {  	s1 =	sshll.u32 s1, $0x4  }
0x62: {  	s11 =	rddreg [dreg:$0x3];
	s10 =	sadd.s32 $0x400, s1  }
0x63: {  	s11 =	simm.s32 @!p1 $0x0;
	s10 =	smov.u32 @p3 s1  }
0x64: {  	s0 =	sand.u32 $0xFFFFFFF0, s0;
	s11 =	sshll.u32 s11, $0x4;
	v4 =	vld [tilespmem:s10+$0x0]  }
0x65: {  	s0 =	sadd.s32 s11, s0  }
0x66: {  	s0 =	ssub.s32 s29, s0  }
0x67: {  	v5 =	vmov s0  }
0x68: {  	vm3 =	veq.s32 v5, v0  }
0x69: {  	v4 =	vnsel vm3, $0x0, v4  }
0x6a: {  	(xrf0) =	vadd.scan.msk.s32 $0xffff, v4;
	_ =	sdelay $0x5  }
0x6b: {  	v4, _, _ =	vpop (xrf0)  }
0x6c: {  	(v2sf) =	vpush v4, $0xF;
	_ =	sdelay $0xe  }
0x6d: {  	s0 =	spop (v2sf)  }
0x6e: {  	s14 =	smulhi.u32 $0x5397829D, s0;
	s16 =	sshra.s32 s0, $0x1F  }
0x6f: {  	s10 =	smul.u32 $0x5397829D, s16;
	_ =	sdelay $0x1  }
0x70: {  	s1 =	sadd.s32 s10, s14  }
0x71: {  	s10 =	sshrl.u32 s1, $0x1F;
	s1 =	sshra.s32 s1, $0xE  }
0x72: {  	s1 =	sadd.s32 s10, s1  }
0x73: {  	s10 =	smul.u32 $0xFFFF3C00, s1  }
0x74: {  	s31 =	ssub.s32 $0x0, s0  }
0x75: {  	p5 =	slt.s32 s0, $0x1;
	p6 =	sne.s32 s10, s31  }
0x76: {  	p1 =	por !p5, !p6  }
0x77: {  	s10 =	simm.s32 $0x1;
	p1 =	por !p1, !p1  }
0x78: {  	s10 =	simm.s32 @!p1 $0x0  }
0x79: {  	s1 =	ssub.s32 s1, s10  }
0x7a: {  	s30 =	smul.u32 $0xC400, s1;
	_ =	sdelay $0x1  }
0x7b: {  	s10 =	ssub.s32 s0, s30  }
0x7c: {  	s2 =	smulhi.u32 $0x92492493, s10;
	s3 =	sshra.s32 s10, $0x1F  }
0x7d: {  	s14 =	smul.u32 $0x92492493, s3  }
0x7e: {  	s1 =	ssub.s32 s2, s10  }
0x7f: {  	s1 =	sadd.s32 s14, s1  }
0x80: {  	s1 =	sadd.s32 s10, s1  }
0x81: {  	s31 =	sshrl.u32 s1, $0x1F;
	s1 =	sshra.s32 s1, $0x7  }
0x82: {  	p6 =	sne.s32 s24, $0x1;
	s11 =	sadd.s32 s31, s1  }
0x83: {  	p1 =	sne.s32 s0, s30;
	s0 =	simm.s32 $0x1;
	s1 =	smul.u32 $0xFFFFFF20, s11  }
.Ltmp8:
0x84: {  	s28 =	sadd.s32 $0x1, s19;
	s0 =	simm.s32 @!p1 $0x0;
	(pc) =	sbr.rel @!p6 .LBB2_7-.Ltmp8, $4  }
0x85: {  	p3 =	slt.s32 s28, s13;
	s29 =	ssub.s32 $0x0, s10;
	s0 =	sor.u32 s0, s3  }
0x86: {  	s16 =	smov.u32 s13;
	p4 =	sne.s32 s0, $0x1;
	p5 =	sne.s32 s1, s29  }
0x87: {  	s16 =	simm.s32 @p3 $0x0;
	s0 =	sadd.s32 $0xFFFFFFFF, s24;
	p1 =	por !p5, !p4  }
0x88: {  	s29 =	ssub.s32 s28, s16;
	p5 =	por !p1, !p1;
	p1 =	por $0x1, $0x1  }
0x89: {  	s1 =	simm.s32 $0x1  }
0x8a: {  	s1 =	simm.s32 @!p5 $0x0  }
0x8b: {  	p2 =	sne.s32 s28, s16;
	s16 =	simm.s32 $0x1;
	s1 =	ssub.s32 s11, s1  }
0x8c: {  	s16 =	simm.s32 @!p2 $0x0;
	s11 =	sshra.s32 s29, $0x1F;
	s31 =	smul.u32 $0xFFFFFF20, s1;
	v5 =	vadd.s32 s1, v1  }
0x8d: {  	s3 =	sand.u32 $0xF, s29;
	s2 =	sor.u32 s16, s11;
	vm3 =	vgt.s32 v5, $0x0  }
0x8e: {  	p4 =	sne.s32 s3, $0x0;
	p6 =	sne.s32 s2, $0x1;
	s14 =	sadd.s32 s10, s31;
	v6 =	vnsel vm3, $0x0, v5  }
0x8f: {  	s16 =	sshrl.u32 s11, $0x1C;
	p2 =	por !p4, !p6;
	v7 =	vadd.s32 s14, v2;
	v6 =	vmin.u32 v6, $0xDF  }
0x90: {  	v4 =	vbroadcast v4, $0xF;
	s1 =	sadd.s32 s16, s29;
	s10 =	simm.s32 $0x1;
	p2 =	por !p2, !p2;
	vm3 =	vgt.s32 v7, $0x0;
	v6 =	vmul.u32 $0xE0, v6  }
0x91: {  	vm4 =	vlt.u32 v5, $0xE0;
	s2 =	sshrl.u32 s1, $0x4;
	s10 =	simm.s32 @!p2 $0x0;
	vm5 =	vlt.u32 v7, $0xE0;
	v5 =	vnsel vm3, $0x0, v7  }
0x92: {  	s10 =	ssub.s32 s2, s10;
	vm3 =	vmand vm4, vm5;
	v5 =	vmin.u32 v5, $0xDF;
	v6 =	vadd.s32 s30, v6  }
0x93: {  	s3 =	rddreg [dreg:$0x4];
	s10 =	sshll.u32 s10, $0x4;
	vm3 =	vmand vm3, vm2;
	v5 =	vadd.s32 v5, v6  }
0x94: {  	s31 =	rddreg [dreg:$0x3];
	s30 =	sadd.s32 $0x400, s10;
	v4 =	vsel vm3, v5, v4  }
0x95: {  	s14 =	rddreg [dreg:$0x5];
	s31 =	simm.s32 @!p2 $0x0;
	s30 =	smov.u32 @p3 s10;
	[tilespmem:s25+$0x0] =	vst v4  }
0x96: {  	[tilespmem:s26], [sflag:$0x1] =	stream.indirect.gather [hbm4b:s3+s14], $0x1, s25, s14, $0xb8;
	[tilespmem:$0x11880] =	vst v63  }
0x97: {  	s1 =	sand.u32 $0xFFFFFFF0, s1;
	s16 =	sshll.u32 s31, $0x4;
	v4 =	vld [tilespmem:s30+$0x0]  }
0x98: {  	s1 =	sadd.s32 s16, s1  }
0x99: {  	s1 =	ssub.s32 s29, s1  }
0x9a: {  	v5 =	vmov s1  }
0x9b: {  	vm3 =	veq.s32 v5, v0  }
0x9c: {  	v4 =	vnsel vm3, $0x0, v4  }
0x9d: {  	(xrf0) =	vadd.scan.msk.s32 $0xffff, v4;
	_ =	sdelay $0x5  }
0x9e: {  	v4, _, _ =	vpop (xrf0)  }
0x9f: {  	(v2sf) =	vpush v4, $0xF;
	_ =	sdelay $0xe  }
0xa0: {  	s1 =	spop (v2sf)  }
0xa1: {  	s2 =	smulhi.u32 $0x5397829D, s1;
	s3 =	sshra.s32 s1, $0x1F  }
0xa2: {  	s11 =	smul.u32 $0x5397829D, s3;
	_ =	sdelay $0x1  }
0xa3: {  	s10 =	sadd.s32 s11, s2  }
0xa4: {  	s11 =	sshrl.u32 s10, $0x1F;
	s10 =	sshra.s32 s10, $0xE  }
0xa5: {  	s10 =	sadd.s32 s11, s10  }
0xa6: {  	s11 =	smul.u32 $0xFFFF3C00, s10  }
0xa7: {  	s14 =	ssub.s32 $0x0, s1  }
0xa8: {  	p5 =	slt.s32 s1, $0x1;
	p6 =	sne.s32 s11, s14  }
0xa9: {  	p2 =	por !p5, !p6  }
0xaa: {  	s11 =	simm.s32 $0x1;
	p2 =	por !p2, !p2  }
0xab: {  	s11 =	simm.s32 @!p2 $0x0  }
0xac: {  	s10 =	ssub.s32 s10, s11  }
0xad: {  	s30 =	smul.u32 $0xC400, s10;
	_ =	sdelay $0x1  }
0xae: {  	s10 =	ssub.s32 s1, s30  }
0xaf: {  	s2 =	smulhi.u32 $0x92492493, s10;
	s3 =	sshra.s32 s10, $0x1F  }
0xb0: {  	s29 =	smul.u32 $0x92492493, s3  }
0xb1: {  	s11 =	ssub.s32 s2, s10  }
0xb2: {  	s11 =	sadd.s32 s29, s11  }
0xb3: {  	s11 =	sadd.s32 s10, s11  }
0xb4: {  	s28 =	sadd.s32 $0x1, s28;
	s29 =	sshrl.u32 s11, $0x1F;
	s11 =	sshra.s32 s11, $0x7  }
0xb5: {  	s31 =	simm.s32 $0x880;
	p6 =	sne.s32 s0, $0x1;
	s11 =	sadd.s32 s29, s11  }
0xb6: {  	p2 =	sne.s32 s1, s30;
	s1 =	simm.s32 $0x1;
	s29 =	smul.u32 $0xFFFFFF20, s11  }
.Ltmp9:
0xb7: {  	s16 =	smov.u32 s13;
	s1 =	simm.s32 @!p2 $0x0;
	(pc) =	sbr.rel @!p6 .LBB2_9-.Ltmp9, $4  }
0xb8: {  	p3 =	slt.s32 s28, s13;
	s14 =	ssub.s32 $0x0, s10;
	s1 =	sor.u32 s1, s3  }
0xb9: {  	s16 =	simm.s32 @p3 $0x0;
	p4 =	sne.s32 s1, $0x1;
	p5 =	sne.s32 s29, s14  }
0xba: {  	s0 =	sadd.s32 $0xFFFFFFFF, s0;
	s1 =	simm.s32 $0x8880;
	p2 =	por !p5, !p4  }
0xbb: {  	s29 =	ssub.s32 s28, s16;
	p5 =	por !p2, !p2;
	p2 =	por $0x1, $0x1  }
.LBB2_10:
0xbc: {  	p6 =	sne.s32 s28, s16;
	s16 =	simm.s32 $0x1  }
0xbd: {  	s16 =	simm.s32 @!p5 $0x0  }
0xbe: {  	s2 =	simm.s32 $0x1;
	s11 =	ssub.s32 s11, s16  }
0xbf: {  	s14 =	sshra.s32 s29, $0x1F;
	s2 =	simm.s32 @!p6 $0x0;
	s3 =	smul.u32 $0xFFFFFF20, s11;
	v5 =	vadd.s32 s11, v1  }
0xc0: {  	s2 =	sor.u32 s2, s14;
	s16 =	sand.u32 $0xF, s29;
	vm3 =	vgt.s32 v5, $0x0  }
0xc1: {  	p5 =	sne.s32 s2, $0x1;
	p6 =	sne.s32 s16, $0x0;
	s3 =	sadd.s32 s10, s3;
	v6 =	vnsel vm3, $0x0, v5  }
0xc2: {  	s14 =	sshrl.u32 s14, $0x1C;
	p5 =	por !p6, !p5;
	v7 =	vadd.s32 s3, v2;
	v6 =	vmin.u32 v6, $0xDF  }
0xc3: {  	v4 =	vbroadcast v4, $0xF;
	s2 =	sadd.s32 s14, s29;
	p5 =	por !p5, !p5;
	s10 =	simm.s32 $0x1;
	vm3 =	vgt.s32 v7, $0x0;
	v6 =	vmul.u32 $0xE0, v6  }
0xc4: {  	s16 =	sshrl.u32 s2, $0x4;
	vm4 =	vlt.u32 v5, $0xE0;
	s10 =	simm.s32 @!p5 $0x0;
	vm5 =	vlt.u32 v7, $0xE0;
	v5 =	vnsel vm3, $0x0, v7  }
0xc5: {  	s3 =	ssub.s32 s16, s10;
	vm3 =	vmand vm4, vm5;
	v5 =	vmin.u32 v5, $0xDF;
	v6 =	vadd.s32 s30, v6  }
0xc6: {  	s31 =	sadd.s32 $0x80, s31;
	s11 =	rddreg [dreg:$0x4];
	s3 =	sshll.u32 s3, $0x4;
	vm3 =	vmand vm3, vm2;
	v5 =	vadd.s32 v5, v6  }
0xc7: {  	s1 =	sadd.s32 $0x80, s1;
	s14 =	rddreg [dreg:$0x3];
	s16 =	sadd.s32 $0x400, s3;
	v4 =	vsel vm3, v5, v4  }
0xc8: {  	s14 =	simm.s32 @!p5 $0x0;
	s10 =	rddreg [dreg:$0x5];
	s16 =	smov.u32 @p3 s3;
	[tilespmem:s31+$0x0] =	vst v4  }
0xc9: {  	[tilespmem:s1], [sflag:$0x1] =	stream.indirect.gather [hbm4b:s11+s10], $0x1, s31, s10, $0xb8;
	[tilespmem:$0x11880] =	vst v63  }
0xca: {  	s2 =	sand.u32 $0xFFFFFFF0, s2;
	s10 =	sshll.u32 s14, $0x4;
	v4 =	vld [tilespmem:s16+$0x0]  }
0xcb: {  	s2 =	sadd.s32 s10, s2  }
0xcc: {  	s2 =	ssub.s32 s29, s2  }
0xcd: {  	v5 =	vmov s2  }
0xce: {  	vm3 =	veq.s32 v5, v0  }
0xcf: {  	v4 =	vnsel vm3, $0x0, v4  }
0xd0: {  	(xrf0) =	vadd.scan.msk.s32 $0xffff, v4;
	_ =	sdelay $0x5  }
0xd1: {  	v4, _, _ =	vpop (xrf0)  }
0xd2: {  	(v2sf) =	vpush v4, $0xF;
	_ =	sdelay $0xe  }
0xd3: {  	s2 =	spop (v2sf)  }
0xd4: {  	s11 =	smulhi.u32 $0x5397829D, s2;
	s14 =	sshra.s32 s2, $0x1F  }
0xd5: {  	s10 =	smul.u32 $0x5397829D, s14;
	_ =	sdelay $0x1  }
0xd6: {  	s3 =	sadd.s32 s10, s11  }
0xd7: {  	s10 =	sshrl.u32 s3, $0x1F;
	s3 =	sshra.s32 s3, $0xE  }
0xd8: {  	s3 =	sadd.s32 s10, s3  }
0xd9: {  	s10 =	smul.u32 $0xFFFF3C00, s3  }
0xda: {  	s16 =	ssub.s32 $0x0, s2  }
0xdb: {  	p5 =	slt.s32 s2, $0x1;
	p6 =	sne.s32 s10, s16  }
0xdc: {  	p3 =	por !p5, !p6  }
0xdd: {  	s10 =	simm.s32 $0x1;
	p3 =	por !p3, !p3  }
0xde: {  	s10 =	simm.s32 @!p3 $0x0  }
0xdf: {  	s3 =	ssub.s32 s3, s10  }
0xe0: {  	s30 =	smul.u32 $0xC400, s3;
	_ =	sdelay $0x1  }
0xe1: {  	s10 =	ssub.s32 s2, s30  }
0xe2: {  	s11 =	smulhi.u32 $0x92492493, s10;
	s14 =	sshra.s32 s10, $0x1F  }
0xe3: {  	s16 =	smul.u32 $0x92492493, s14  }
0xe4: {  	s3 =	ssub.s32 s11, s10  }
0xe5: {  	s3 =	sadd.s32 s16, s3  }
0xe6: {  	s3 =	sadd.s32 s10, s3  }
0xe7: {  	s16 =	sshrl.u32 s3, $0x1F;
	s3 =	sshra.s32 s3, $0x7  }
0xe8: {  	p4 =	sne.s32 s0, $0x1;
	s11 =	sadd.s32 s16, s3  }
0xe9: {  	p3 =	sne.s32 s2, s30;
	s2 =	simm.s32 $0x1;
	s3 =	smul.u32 $0xFFFFFF20, s11  }
.Ltmp10:
0xea: {  	s28 =	sadd.s32 $0x1, s28;
	s2 =	simm.s32 @!p3 $0x0;
	(pc) =	sbr.rel @p4 .LBB2_10-.Ltmp10, $4  }
0xeb: {  	p3 =	slt.s32 s28, s13;
	s2 =	sor.u32 s2, s14;
	s16 =	ssub.s32 $0x0, s10  }
0xec: {  	p5 =	sne.s32 s2, $0x1;
	p6 =	sne.s32 s3, s16;
	s16 =	smov.u32 s13  }
0xed: {  	s16 =	simm.s32 @p3 $0x0;
	p5 =	por !p6, !p5  }
0xee: {  	s0 =	sadd.s32 $0xFFFFFFFF, s0;
	s29 =	ssub.s32 s28, s16;
	p5 =	por !p5, !p5  }
.LBB2_11:
0xef: {  	p4 =	por !p5, !p1;
	s0 =	simm.s32 $0x1  }
0xf0: {  	p5 =	sne.s32 s28, s16;
	s2 =	simm.s32 $0x1;
	s0 =	simm.s32 @p4 $0x0  }
0xf1: {  	s3 =	sshra.s32 s29, $0x1F;
	s2 =	simm.s32 @!p5 $0x0;
	s0 =	ssub.s32 @p1 s11, s0  }
0xf2: {  	s28 =	sand.u32 $0xF, s29;
	s2 =	sor.u32 s2, s3;
	s14 =	smul.u32 @p1 $0xFFFFFF20, s0;
	v5 =	vadd.s32 @p1 s0, v1  }
0xf3: {  	p6 =	sne.s32 s28, $0x0;
	p5 =	sne.s32 s2, $0x1;
	vm3 =	vgt.s32 @p1 v5, $0x0  }
0xf4: {  	s16 =	sshrl.u32 s3, $0x1C;
	p4 =	por !p6, !p5;
	s2 =	sadd.s32 @p1 s10, s14;
	v6 =	vnsel @p1 vm3, $0x0, v5  }
0xf5: {  	s3 =	sadd.s32 s16, s29;
	s0 =	simm.s32 $0x1;
	p4 =	por !p4, !p4;
	v7 =	vadd.s32 @p1 s2, v2;
	v6 =	vmin.u32 @p1 v6, $0xDF  }
0xf6: {  	v4 =	vbroadcast @p1 v4, $0xF;
	s28 =	sshrl.u32 s3, $0x4;
	s10 =	rddreg [dreg:$0x3];
	s0 =	simm.s32 @!p4 $0x0;
	vm3 =	vgt.s32 @p1 v7, $0x0;
	v6 =	vmul.u32 @p1 $0xE0, v6  }
0xf7: {  	vm4 =	vlt.u32 @p1 v5, $0xE0;
	s14 =	rddreg [dreg:$0x5];
	s0 =	ssub.s32 s28, s0;
	vm5 =	vlt.u32 @p1 v7, $0xE0;
	v5 =	vnsel @p1 vm3, $0x0, v7  }
0xf8: {  	s2 =	rddreg [dreg:$0x4];
	s11 =	sshll.u32 s0, $0x4;
	vm3 =	vmand @p1 vm4, vm5;
	v5 =	vmin.u32 @p1 v5, $0xDF;
	v6 =	vadd.s32 @p1 s30, v6  }
0xf9: {  	s28 =	sadd.s32 @p2 $0x80, s31;
	s0 =	simm.s32 $0x880;
	s16 =	sadd.s32 $0x400, s11;
	vm3 =	vmand @p1 vm3, vm2;
	v5 =	vadd.s32 @p1 v5, v6  }
0xfa: {  	s30 =	sadd.s32 @p2 $0x80, s1;
	s0 =	smov.u32 @p2 s28;
	s1 =	simm.s32 $0x8880;
	v4 =	vsel @p1 vm3, v5, v4  }
0xfb: {  	s10 =	simm.s32 @!p4 $0x0;
	s16 =	smov.u32 @p3 s11;
	s1 =	smov.u32 @p2 s30;
	[tilespmem:s0+$0x0] =	vst @p1 v4  }
0xfc: {  	[tilespmem:s1], [sflag:$0x1] =	stream.indirect.gather @p1 [hbm4b:s2+s14], $0x1, s0, s14, $0xb8;
	[tilespmem:$0x11880] =	vst v63  }
0xfd: {  	s3 =	sand.u32 $0xFFFFFFF0, s3;
	s10 =	sshll.u32 s10, $0x4;
	v4 =	vld [tilespmem:s16+$0x0]  }
0xfe: {  	s2 =	sadd.s32 s10, s3  }
0xff: {  	s2 =	ssub.s32 s29, s2  }
0x100: {  	v5 =	vmov s2  }
0x101: {  	vm3 =	veq.s32 v5, v0  }
0x102: {  	v4 =	vnsel vm3, $0x0, v4  }
0x103: {  	(xrf0) =	vadd.scan.msk.s32 $0xffff, v4;
	_ =	sdelay $0x5  }
0x104: {  	v4, _, _ =	vpop (xrf0)  }
0x105: {  	(v2sf) =	vpush v4, $0xF;
	_ =	sdelay $0xe  }
0x106: {  	s2 =	spop (v2sf)  }
0x107: {  	s11 =	smulhi.u32 $0x5397829D, s2;
	s14 =	sshra.s32 s2, $0x1F  }
0x108: {  	s10 =	smul.u32 $0x5397829D, s14;
	_ =	sdelay $0x1  }
0x109: {  	s3 =	sadd.s32 s10, s11  }
0x10a: {  	s10 =	sshrl.u32 s3, $0x1F;
	s3 =	sshra.s32 s3, $0xE  }
0x10b: {  	s3 =	sadd.s32 s10, s3  }
0x10c: {  	s10 =	smul.u32 $0xFFFF3C00, s3  }
0x10d: {  	s16 =	ssub.s32 $0x0, s2  }
0x10e: {  	p3 =	slt.s32 s2, $0x1;
	p4 =	sne.s32 s10, s16  }
0x10f: {  	p2 =	por !p3, !p4  }
0x110: {  	s10 =	simm.s32 $0x1;
	p2 =	por !p2, !p2  }
0x111: {  	s10 =	simm.s32 @!p2 $0x0  }
0x112: {  	s3 =	ssub.s32 s3, s10  }
0x113: {  	s3 =	smul.u32 $0xC400, s3;
	_ =	sdelay $0x1  }
0x114: {  	s10 =	ssub.s32 s2, s3  }
0x115: {  	s28 =	smulhi.u32 $0x92492493, s10;
	s29 =	sshra.s32 s10, $0x1F  }
0x116: {  	s30 =	smul.u32 $0x92492493, s29  }
0x117: {  	s11 =	ssub.s32 s28, s10  }
0x118: {  	s11 =	sadd.s32 s30, s11  }
0x119: {  	s11 =	sadd.s32 s10, s11  }
0x11a: {  	s31 =	sshrl.u32 s11, $0x1F;
	s11 =	sshra.s32 s11, $0x7  }
0x11b: {  	p2 =	sne.s32 s2, s3;
	s2 =	simm.s32 $0x1;
	s11 =	sadd.s32 s31, s11  }
0x11c: {  	s2 =	simm.s32 @!p2 $0x0;
	s16 =	smul.u32 $0xFFFFFF20, s11  }
0x11d: {  	s2 =	sor.u32 s2, s29;
	s28 =	ssub.s32 $0x0, s10  }
0x11e: {  	p5 =	sne.s32 s2, $0x1;
	p6 =	sne.s32 s16, s28  }
0x11f: {  	p2 =	por !p6, !p5  }
0x120: {  	s2 =	simm.s32 $0x1;
	p2 =	por !p2, !p2  }
0x121: {  	s2 =	simm.s32 @!p2 $0x0  }
0x122: {  	s2 =	ssub.s32 s11, s2  }
0x123: {  	s11 =	smul.u32 $0xFFFFFF20, s2;
	v5 =	vadd.s32 s2, v1  }
0x124: {  	vm3 =	vgt.s32 v5, $0x0  }
0x125: {  	s29 =	sadd.s32 s10, s11;
	v62 =	vnsel vm3, $0x0, v5  }
0x126: {  	v63 =	vadd.s32 s29, v2;
	v6 =	vmin.u32 v62, $0xDF  }
0x127: {  	v4 =	vbroadcast v4, $0xF;
	vm3 =	vgt.s32 v63, $0x0;
	v6 =	vmul.u32 $0xE0, v6  }
0x128: {  	vm14 =	vlt.u32 v5, $0xE0;
	vm15 =	vlt.u32 v63, $0xE0;
	v5 =	vnsel vm3, $0x0, v63  }
0x129: {  	vm3 =	vmand vm14, vm15;
	v5 =	vmin.u32 v5, $0xDF;
	v6 =	vadd.s32 s3, v6  }
0x12a: {  	s0 =	sadd.s32 @p1 $0x80, s0;
	s1 =	sadd.s32 @p1 $0x80, s1;
	vm3 =	vmand vm3, vm2;
	v5 =	vadd.s32 v5, v6  }
.Ltmp11:
0x12b: {  	s25 =	smov.u32 @p1 s0;
	s30 =	rddreg [dreg:$0x4];
	v4 =	vsel vm3, v5, v4;
	(pc) =	sbr.rel @!p0 .LBB2_13-.Ltmp11, $4  }
0x12c: {  	s26 =	smov.u32 @p1 s1;
	s31 =	rddreg [dreg:$0x5];
	[tilespmem:s25+$0x0] =	vst v4  }
0x12d: {  	[tilespmem:s26], [sflag:$0x1] =	stream.indirect.gather [hbm4b:s30+s31], $0x1, s25, s31, $0xb8;
	[tilespmem:$0x11880] =	vst v63  }
0x12e: {  	_ =	swait.ge [sflag:s12], $0x10  }
0x12f: {  	[sflag:s12] =	ssyncset.done $0x0  }
.LBB2_12:
0x130: {  	p0 =	sne.s32 s24, $0x1;
	s24 =	sadd.s32 $0xFFFFFFFF, s24;
	[sflag:s12] =	ssyncadd.s32 $0xFFFFFFF0  }
.Ltmp12:
0x131: {  	(pc) =	sbr.rel @p0 .LBB2_12-.Ltmp12, $3  }
0x132: {  	_ =	sdelay $0x1  }
0x133: {  	_ =	swait.ge [sflag:s12], $0x10  }
0x134: {  	[sflag:s12] =	ssyncset.done $0x0  }
.LBB2_13:
0x135: {  	[sflag:s12] =	ssyncadd.s32 $0xFFFFFFF0  }
.LBB2_14:
0x136: {  	p0 =	slt.s32 s23, $0x100  }
0x137: {  	s23 =	simm.s32 @!p0 $0x100  }
0x138: {  	s23 =	sadd.s32 s22, s23  }
0x139: {  	p0 =	sge.s32 s22, s23  }
.Ltmp13:
0x13a: {  	_ = 	snop;
	(pc) =	sbr.rel @p0 .LBB2_28-.Ltmp13, $4  }
.Ltmp14:
0x13b: {  	_ = 	snop;
	(pc) =	sbr.rel @!p0 .LBB2_15-.Ltmp14, $4  }
0x13c: {  	_ = 	snop  }
0x13d: {  	_ = 	snop  }
0x13e: {  	_ = 	snop  }
0x13f: {  	_ = 	snop  }
.LBB2_17:
0x140: {  	v9 =	vmov v5  }
.LBB2_26:
0x141: {  	s0 =	sand.u32 $0xF, s0  }
0x142: {  	v11 =	vld [tilespmem:s10+$0x10880];
	v12 =	vmov s0  }
0x143: {  	(xrf0) =	vadd.scan.msk.s32 @p0 $0xffff, v8;
	vm5 =	veq.s32 v12, v0  }
0x144: {  	v7 =	vnsel vm5, $0x0, v7  }
0x145: {  	(xrf2) =	vadd.scan.msk.f32 $0xffff, v7;
	_ =	sdelay $0x1  }
0x146: {  	v7 =	vnsel vm5, $0x0, v11  }
0x147: {  	v8, _, _ =	vpop @p1 (xrf0);
	(xrf0) =	vadd.scan.msk.s32 $0xffff, v7  }
0x148: {  	v8 =	vbroadcast @p1 v8, $0xF;
	v11, _, _ =	vpop @p0 (xrf0)  }
0x149: {  	v9 =	vsel @p2 vm4, v10, v9;
	v7, _, _ =	vpop @p1 (xrf2)  }
0x14a: {  	vm5 =	veq.s32 @p1 v6, v8;
	v8 =	vbroadcast @p0 v11, $0xF;
	v7 =	vbroadcast @p1 v7, $0xF  }
0x14b: {  	v9 =	vpsel p2, v9, v5;
	vm4 =	vmmov @p1 vm5;
	v10, _, _ =	vpop @p0 (xrf2)  }
0x14c: {  	vm5 =	veq.s32 @p0 v6, v8;
	v10 =	vbroadcast @p0 v10, $0xF;
	v7 =	vpsel p1, v7, v0  }
0x14d: {  	v7 =	vsel @p1 vm4, v7, v9;
	vm4 =	vmmov @p0 vm5;
	v61, _, _ =	vpop (xrf0)  }
0x14e: {  	v9 =	vpsel p0, v10, v0;
	v7 =	vpsel p1, v7, v5;
	v8 =	vbroadcast v61, $0xF;
	v62, _, _ =	vpop (xrf2)  }
0x14f: {  	v7 =	vsel @p0 vm4, v9, v7;
	v63 =	vbroadcast v62, $0xF  }
0x150: {  	vm4 =	veq.s32 v6, v8;
	v5 =	vpsel p0, v7, v5  }
0x151: {  	v5 =	vsel vm4, v63, v5  }
.LBB2_27:
0x152: {  	v6 =	vsel vm3, $0x1, v3  }
0x153: {  	(xrf0) =	vadd.scan.msk.s32 $0xffff, v6;
	_ =	sdelay $0x2  }
0x154: {  	v5 =	vnsel vm3, $0x0, v5;
	_ =	sdelay $0x2  }
0x155: {  	(xrf2) =	vadd.scan.msk.f32 $0xffff, v5;
	v5, _, _ =	vpop (xrf0)  }
0x156: {  	(v2sf) =	vpush v5, $0xF;
	_ =	sdelay $0x8  }
0x157: {  	v5, _, _ =	vpop (xrf2)  }
0x158: {  	(v2sf) =	vpush v5, $0xF;
	_ =	sdelay $0x4  }
0x159: {  	s0 =	spop (v2sf)  }
0x15a: {  	s2 =	simm.f32 $5.000000000e-01;
	p0 =	seq.s32 s0, $0x2  }
0x15b: {  	s2 =	simm.s32 @!p0 $0x3F800000;
	p0 =	seq.s32 s0, $0x3  }
0x15c: {  	s2 =	simm.s32 @p0 $0x3EAAAAAB;
	p0 =	seq.s32 s0, $0x4  }
0x15d: {  	s1 =	sshrl.u32 s1, $0x1C;
	s2 =	simm.s32 @p0 $0x3E800000;
	p0 =	seq.s32 s0, $0x5  }
0x15e: {  	s1 =	sadd.s32 s1, s22;
	s2 =	simm.s32 @p0 $0x3E4CCCCD;
	p0 =	seq.s32 s0, $0x6  }
0x15f: {  	s1 =	sand.u32 $0xFFFFFFF0, s1;
	s2 =	simm.s32 @p0 $0x3E2AAAAB;
	p0 =	seq.s32 s0, $0x7  }
0x160: {  	s30 =	ssub.s32 s22, s1;
	v5 =	vld [tilespmem:s1+$0x10880];
	s2 =	simm.s32 @p0 $0x3E124925;
	p0 =	seq.s32 s0, $0x8  }
0x161: {  	v63 =	vld [tilespmem:s1+$0x11080];
	s22 =	sadd.s32 $0x1, s22;
	s2 =	simm.s32 @p0 $0x3E000000;
	p0 =	seq.s32 s0, $0x9  }
0x162: {  	s2 =	simm.s32 @p0 $0x3DE38E39;
	p0 =	slt.s32 s22, s23  }
.Ltmp15:
0x163: {  	v7 =	vmov s30;
	s31 =	spop (v2sf);
	(pc) =	sbr.rel @!p0 .LBB2_28-.Ltmp15, $4  }
0x164: {  	vm3 =	veq.s32 v7, v0;
	s0 =	smul.f32 s31, s2  }
0x165: {  	v4 =	vsel vm3, v4, v5  }
0x166: {  	[tilespmem:s1+$0x10880] =	vst v4;
	v4 =	vsel vm3, s0, v63  }
0x167: {  	[tilespmem:s1+$0x11080] =	vst v4  }
.LBB2_15:
0x168: {  	p0 =	slt.s32 s22, s13;
	s0 =	smov.u32 s13  }
0x169: {  	s0 =	simm.s32 @p0 $0x0  }
0x16a: {  	s1 =	ssub.s32 s22, s0;
	p1 =	sne.s32 s22, s0;
	s0 =	simm.s32 $0x1  }
0x16b: {  	s2 =	sshra.s32 s1, $0x1F;
	s0 =	simm.s32 @!p1 $0x0  }
0x16c: {  	s3 =	sand.u32 $0xF, s1;
	s0 =	sor.u32 s0, s2  }
0x16d: {  	p2 =	sne.s32 s3, $0x0;
	p6 =	sne.s32 s0, $0x1  }
0x16e: {  	s30 =	sshrl.u32 s2, $0x1C;
	p1 =	por !p2, !p6  }
0x16f: {  	s2 =	simm.s32 $0x1;
	s0 =	sadd.s32 s30, s1;
	p1 =	por !p1, !p1  }
0x170: {  	s0 =	sshrl.u32 s0, $0x4;
	s2 =	simm.s32 @!p1 $0x0  }
0x171: {  	s0 =	ssub.s32 s0, s2  }
0x172: {  	s0 =	sshll.u32 s0, $0x4  }
0x173: {  	s2 =	sadd.s32 $0x400, s0  }
0x174: {  	s2 =	smov.u32 @p0 s0  }
0x175: {  	v4 =	vld [tilespmem:s2+$0x0];
	_ =	sdelay $0x1  }
0x176: {  	s0 =	ssub.s32 s1, s0  }
0x177: {  	v5 =	vmov s0  }
0x178: {  	vm3 =	veq.s32 v5, v0  }
0x179: {  	v4 =	vnsel vm3, $0x0, v4  }
0x17a: {  	(xrf0) =	vadd.scan.msk.s32 $0xffff, v4;
	_ =	sdelay $0x5  }
0x17b: {  	v4, _, _ =	vpop (xrf0)  }
0x17c: {  	(v2sf) =	vpush v4, $0xF;
	_ =	sdelay $0xe  }
0x17d: {  	s31 =	spop (v2sf)  }
0x17e: {  	s10 =	smulhi.u32 $0x5397829D, s31;
	s11 =	sshra.s32 s31, $0x1F  }
0x17f: {  	s2 =	smul.u32 $0x5397829D, s11;
	_ =	sdelay $0x1  }
0x180: {  	s0 =	sadd.s32 s2, s10  }
0x181: {  	s2 =	sshrl.u32 s0, $0x1F;
	s0 =	sshra.s32 s0, $0xE  }
0x182: {  	s0 =	sadd.s32 s2, s0  }
0x183: {  	s2 =	smul.u32 $0xFFFF3C00, s0  }
0x184: {  	s14 =	ssub.s32 $0x0, s31  }
0x185: {  	p3 =	slt.s32 s31, $0x1;
	p4 =	sne.s32 s2, s14  }
0x186: {  	p0 =	por !p3, !p4  }
0x187: {  	s2 =	simm.s32 $0x1;
	p0 =	por !p0, !p0  }
0x188: {  	s2 =	simm.s32 @!p0 $0x0  }
0x189: {  	s0 =	ssub.s32 s0, s2  }
0x18a: {  	s0 =	smul.u32 $0xC400, s0;
	_ =	sdelay $0x1  }
0x18b: {  	s16 =	ssub.s32 s31, s0  }
0x18c: {  	s24 =	smulhi.u32 $0x92492493, s16;
	s10 =	sshra.s32 s16, $0x1F  }
0x18d: {  	s11 =	smul.u32 $0x92492493, s10  }
0x18e: {  	s3 =	ssub.s32 s24, s16  }
0x18f: {  	s3 =	sadd.s32 s11, s3  }
0x190: {  	s3 =	sadd.s32 s16, s3  }
0x191: {  	s25 =	sshrl.u32 s3, $0x1F;
	s3 =	sshra.s32 s3, $0x7  }
0x192: {  	s1 =	simm.s32 $0x1;
	p0 =	sne.s32 s31, s0;
	s3 =	sadd.s32 s25, s3  }
0x193: {  	s1 =	simm.s32 @!p0 $0x0;
	s11 =	smul.u32 $0xFFFFFF20, s3  }
0x194: {  	s26 =	ssub.s32 $0x0, s16;
	s1 =	sor.u32 s1, s10  }
0x195: {  	p5 =	sne.s32 s1, $0x1;
	p6 =	sne.s32 s11, s26  }
0x196: {  	p0 =	por !p6, !p5  }
0x197: {  	s10 =	simm.s32 $0x1;
	s1 =	sshra.s32 s22, $0x1F;
	p0 =	por !p0, !p0  }
0x198: {  	s28 =	sshrl.u32 s1, $0x18;
	s10 =	simm.s32 @!p0 $0x0  }
0x199: {  	s3 =	ssub.s32 s3, s10;
	s10 =	sadd.s32 s28, s22  }
0x19a: {  	s29 =	smul.u32 $0xFFFFFF20, s3;
	s10 =	sshrl.u32 s10, $0x8  }
0x19b: {  	s10 =	ssub.s32 $0x0, s10  }
0x19c: {  	s31 =	sshll.u32 s22, $0x9;
	s2 =	sadd.s32 s16, s29;
	s30 =	sshll.u32 s10, $0x11  }
0x19d: {  	v7 =	vadd.s32 s3, v1;
	s3 =	sshra.s32 s31, $0x2;
	v6 =	vadd.s32 s2, v2;
	s2 =	sshra.s32 s30, $0x2  }
0x19e: {  	p0 =	slt.s32 s22, $0x1;
	s2 =	sadd.s32 s3, s2  }
.Ltmp16:
0x19f: {  	v5 =	vld [tilespmem:s2+$0x8880];
	(pc) =	sbr.rel @p0 .LBB2_27-.Ltmp16, $4  }
0x1a0: {  	_ = 	snop  }
0x1a1: {  	vm3 =	vlt.u32 v7, $0xE0;
	vm4 =	vlt.u32 v6, $0xE0  }
0x1a2: {  	vm3 =	vmand vm3, vm4  }
0x1a3: {  	v4 =	vbroadcast v4, $0xF;
	vm3 =	vmand vm3, vm2  }
0x1a4: {  	vm4 =	vgt.s32 v7, $0x0  }
0x1a5: {  	v7 =	vnsel vm4, $0x0, v7  }
0x1a6: {  	v7 =	vmin.u32 v7, $0xDF  }
0x1a7: {  	p3 =	sne.s32 s22, $0x1;
	v7 =	vmul.u32 $0xE0, v7  }
.Ltmp17:
0x1a8: {  	vm4 =	vgt.s32 v6, $0x0;
	(pc) =	sbr.rel @!p3 .LBB2_17-.Ltmp17, $4  }
0x1a9: {  	v6 =	vnsel vm4, $0x0, v6;
	v7 =	vadd.s32 s0, v7;
	s0 =	simm.s32 $0x0  }
0x1aa: {  	v6 =	vmin.u32 v6, $0xDF;
	s10 =	sand.u32 $0x7FFFFFF0, s0  }
0x1ab: {  	s11 =	simm.s32 $0x1;
	v6 =	vadd.s32 v6, v7;
	v7 =	vld [tilespmem:s10+$0x11080]  }
0x1ac: {  	p0 =	por $0x0, $0x0;
	p1 =	por $0x0, $0x0;
	p2 =	por $0x0, $0x0;
	v6 =	vsel vm3, v6, v4  }
0x1ad: {  	v8 =	vld [tilespmem:s10+$0x10880];
	p3 =	sne.s32 s22, $0x2  }
.Ltmp18:
0x1ae: {  	s0 =	sand.u32 $0xF, s0;
	(pc) =	sbr.rel @!p3 .LBB2_19-.Ltmp18, $4  }
0x1af: {  	v9 =	vmov s0  }
0x1b0: {  	s10 =	sand.u32 $0x7FFFFFF0, s11;
	vm4 =	veq.s32 v9, v0  }
0x1b1: {  	v9 =	vnsel vm4, $0x0, v7;
	v7 =	vld [tilespmem:s10+$0x11080]  }
0x1b2: {  	s16 =	simm.s32 $0x2;
	p0 =	por $0x1, $0x1;
	(xrf2) =	vadd.scan.msk.f32 $0xffff, v9;
	v8 =	vnsel vm4, $0x0, v8  }
0x1b3: {  	s0 =	sand.u32 $0xF, s11  }
0x1b4: {  	v10 =	vmov s0  }
0x1b5: {  	vm4 =	veq.s32 v10, v0  }
0x1b6: {  	v10 =	vnsel vm4, $0x0, v7  }
0x1b7: {  	v9 =	vld [tilespmem:s10+$0x10880];
	p3 =	sne.s32 s22, $0x3;
	(xrf2) =	vadd.scan.msk.f32 $0xffff, v10  }
.Ltmp19:
0x1b8: {  	_ = 	snop;
	(pc) =	sbr.rel @!p3 .LBB2_21-.Ltmp19, $4  }
0x1b9: {  	_ = 	snop  }
0x1ba: {  	s10 =	sand.u32 $0x7FFFFFF0, s16  }
0x1bb: {  	v7 =	vld [tilespmem:s10+$0x11080]  }
0x1bc: {  	(xrf0) =	vadd.scan.msk.s32 $0xffff, v8;
	p1 =	por $0x1, $0x1;
	s0 =	simm.s32 $0x3;
	v8 =	vnsel vm4, $0x0, v9  }
0x1bd: {  	_ = 	snop  }
0x1be: {  	s2 =	sand.u32 $0xF, s16  }
0x1bf: {  	v10 =	vmov s2  }
0x1c0: {  	v9 =	vld [tilespmem:s10+$0x10880];
	p3 =	sne.s32 s22, $0x4;
	vm4 =	veq.s32 v10, v0  }
.Ltmp20:
0x1c1: {  	v12 =	vnsel vm4, $0x0, v7;
	(pc) =	sbr.rel @!p3 .LBB2_23-.Ltmp20, $4  }
0x1c2: {  	(xrf2) =	vadd.scan.msk.f32 $0xffff, v12;
	v11, _, _ =	vpop (xrf0)  }
0x1c3: {  	s10 =	sand.u32 $0x7FFFFFF0, s0;
	(xrf0) =	vadd.scan.msk.s32 $0xffff, v8;
	v11 =	vbroadcast v11, $0xF  }
0x1c4: {  	v7 =	vld [tilespmem:s10+$0x11080];
	v8, _, _ =	vpop (xrf2)  }
0x1c5: {  	s11 =	simm.s32 $0x4;
	p2 =	por $0x1, $0x1;
	v10 =	vbroadcast v8, $0xF;
	v8 =	vnsel vm4, $0x0, v9;
	v9 =	vmovc v5;
	vm4 =	veq.s32 v6, v11  }
.LBB2_24:
0x1c6: {  	s2 =	smov.u32 s11;
	s11 =	sadd.s32 $0x1, s11  }
0x1c7: {  	v11 =	vld [tilespmem:s10+$0x10880];
	v9 =	vsel vm4, v10, v9;
	p3 =	sne.s32 s22, s11  }
.Ltmp21:
0x1c8: {  	s0 =	sand.u32 $0xF, s0;
	(pc) =	sbr.rel @p3 .LBB2_24-.Ltmp21, $4  }
0x1c9: {  	v10 =	vmov s0;
	s0 =	smov.u32 s2;
	(xrf0) =	vadd.scan.msk.s32 $0xffff, v8;
	v8, _, _ =	vpop (xrf0)  }
0x1ca: {  	vm4 =	veq.s32 v10, v0;
	v12 =	vbroadcast v8, $0xF;
	v8, _, _ =	vpop (xrf2)  }
0x1cb: {  	s10 =	sand.u32 $0x7FFFFFF0, s0;
	v13 =	vnsel vm4, $0x0, v7;
	v10 =	vbroadcast v8, $0xF  }
0x1cc: {  	v7 =	vld [tilespmem:s10+$0x11080];
	v8 =	vnsel vm4, $0x0, v11;
	(xrf2) =	vadd.scan.msk.f32 $0xffff, v13;
	vm4 =	veq.s32 v6, v12  }
.Ltmp22:
0x1cd: {  	(pc) =	sbr.rel .LBB2_26-.Ltmp22, $1  }
0x1ce: {  	_ =	sdelay $0x3  }
.LBB2_19:
.Ltmp23:
0x1cf: {  	(pc) =	sbr.rel .LBB2_26-.Ltmp23, $2  }
0x1d0: {  	_ =	sdelay $0x2  }
0x1d1: {  	v9 =	vmov v5;
	s0 =	simm.s32 $0x1  }
.LBB2_21:
.Ltmp24:
0x1d2: {  	(pc) =	sbr.rel .LBB2_26-.Ltmp24, $2  }
0x1d3: {  	_ =	sdelay $0x2  }
0x1d4: {  	v9 =	vmov v5;
	s0 =	simm.s32 $0x2  }
.LBB2_23:
.Ltmp25:
0x1d5: {  	(pc) =	sbr.rel .LBB2_26-.Ltmp25, $2  }
0x1d6: {  	_ =	sdelay $0x2  }
0x1d7: {  	v9 =	vmov v5  }
.LBB2_5:
.Ltmp26:
0x1d8: {  	(pc) =	sbr.rel .LBB2_11-.Ltmp26, $2  }
0x1d9: {  	_ =	sdelay $0x2  }
0x1da: {  	s28 =	smov.u32 s19;
	s31 =	simm.s32 $0x880;
	s1 =	simm.s32 $0x8880  }
.LBB2_7:
.Ltmp27:
0x1db: {  	(pc) =	sbr.rel .LBB2_11-.Ltmp27, $2  }
0x1dc: {  	_ =	sdelay $0x2  }
0x1dd: {  	s31 =	simm.s32 $0x880;
	s1 =	simm.s32 $0x8880  }
.LBB2_9:
.Ltmp28:
0x1de: {  	(pc) =	sbr.rel .LBB2_11-.Ltmp28, $2  }
0x1df: {  	_ =	sdelay $0x2  }
0x1e0: {  	s31 =	simm.s32 $0x880;
	s1 =	simm.s32 $0x8880  }
.Lfunc_end2:
_tile_overlayer_lowered:
.L_overlay_start_2:
0x1e1: {  	(tag) =	ssettag $0x2  }
0x1e2: {  	s0 =	rddreg [dreg:$0x0];
	s2 =	stileid.u32  }
0x1e3: {  	s1 =	rddreg [dreg:$0x1];
	p0 =	sne.s32 s2, $0x0  }
0x1e4: {  	s3 =	rddreg [dreg:$0x2];
	[bflag:$0x3] =	sbarrier.arrive $0xFFFF;
	s2 =	simm.s32 @!p0 $0x1C02  }
0x1e5: {  	[timem:s3], [sflag:s2] =	dma.local @!p0 [hbm:s0], s1  }
0x1e6: {  	s0 =	simm.s32 @!p0 $0x2  }
0x1e7: {  	_ =	swait.ge @!p0 [sflag:s0], s1  }
0x1e8: {  	s1 =	ssub.s32 @!p0 $0x0, s1;
	[sflag:s0] =	ssyncset.done @!p0 $0x0  }
0x1e9: {  	[sflag:s0] =	ssyncadd.s32 @!p0 s1  }
0x1ea: {  	[bflag:$0x3] =	sbarrier.arrive $0xFFFF  }
0x1eb: {  	_ =	shalt  }

</sc_bundles>
